<compile_context>
chip_gen: v7x
topology: tpu7x:2x2x1
jax: 0.10.2.dev20260603
libtpu: 0.0.44.dev20260713+nightly
codegen_flags: <defaults>
</compile_context>

<pallas_src>
import functools

import jax
import jax.numpy as jnp
from jax import lax
from jax.experimental import pallas as pl
from jax.experimental.pallas import tpu as pltpu
from jax.experimental.pallas import tpu_sc as plsc

DIM = 768
INTER = 384
E = 64
CAP = 160
N_TOK = 4096
NROWS = E * CAP + CAP
N_PAIR = 2 * N_TOK

TB = 256
NB = N_TOK // TB

NC = 2
NS = 16
NW = NC * NS
CHUNK = 32
PAIR_PER_W = N_PAIR // NW
CHUNKS_PER_W = PAIR_PER_W // CHUNK



def _router_body(x_ref, gw_ref, ds_ref, dg_ref, f_ref, sv_ref, carry_ref):
    b = pl.program_id(0)

    @pl.when(b == 0)
    def _():
        carry_ref[0:1, :] = jnp.zeros((1, E), jnp.float32)

    xb = x_ref[...]
    logits = lax.dot_general(xb, gw_ref[...],
                             (((1,), (1,)), ((), ())),
                             preferred_element_type=jnp.float32)
    lane = lax.broadcasted_iota(jnp.int32, (TB, E), 1)
    m1 = jnp.max(logits, axis=1, keepdims=True)
    e0 = jnp.min(jnp.where(logits == m1, lane, E), axis=1, keepdims=True)
    sc2 = jnp.where(lane == e0, -jnp.inf, logits)
    m2 = jnp.max(sc2, axis=1, keepdims=True)
    e1 = jnp.min(jnp.where(sc2 == m2, lane, E), axis=1, keepdims=True)
    w0 = jax.nn.sigmoid(m1 - m2)
    w1 = jax.nn.sigmoid(m2 - m1)

    oh0 = (lane == e0).astype(jnp.float32)
    oh1 = (lane == e1).astype(jnp.float32)
    cb = oh0 + oh1

    r = lax.broadcasted_iota(jnp.int32, (TB, TB), 0)
    c = lax.broadcasted_iota(jnp.int32, (TB, TB), 1)
    tril = (r > c).astype(jnp.float32)
    carry = carry_ref[0:1, :]
    base = lax.dot_general(tril, cb, (((1,), (0,)), ((), ())),
                           preferred_element_type=jnp.float32) + carry
    pos0 = jnp.sum(base * oh0, axis=1, keepdims=True).astype(jnp.int32)
    pos1 = jnp.sum(base * oh1, axis=1, keepdims=True).astype(jnp.int32)
    new_carry = carry + jnp.sum(cb, axis=0, keepdims=True)
    carry_ref[0:1, :] = new_carry

    v0 = pos0 < CAP
    v1 = pos1 < CAP
    d0 = e0 * CAP + pos0
    d1 = e1 * CAP + pos1
    tglob = b * TB + lax.broadcasted_iota(jnp.int32, (TB, 1), 0)
    dump = E * CAP + lax.rem(tglob, 32)
    s0 = jnp.where(v0, d0, dump)
    s1 = jnp.where(v1, d1, dump)
    ds_ref[...] = jnp.concatenate(
        [s0.reshape(1, 2, 4, 1, CHUNK), s1.reshape(1, 2, 4, 1, CHUNK)],
        axis=3).reshape(1, 2, 8, CHUNK)
    dg_ref[...] = jnp.concatenate(
        [jnp.where(v0, d0, 0).reshape(1, 1, TB),
         jnp.where(v1, d1, 0).reshape(1, 1, TB)], axis=1)
    f_ref[...] = jnp.concatenate(
        [jnp.where(v0, w0, 0.0), jnp.where(v1, w1, 0.0)], axis=1)

    @pl.when(b == NB - 1)
    def _():
        counts = new_carry.astype(jnp.int32).reshape(E, 1, 1)
        sl = lax.broadcasted_iota(jnp.int32, (E, CAP, 1), 1)
        sv_ref[...] = (sl < counts).astype(jnp.float32)


def _router(x, gate_w):
    return pl.pallas_call(
        _router_body,
        grid=(NB,),
        in_specs=[
            pl.BlockSpec((TB, DIM), lambda b: (b, 0)),
            pl.BlockSpec((E, DIM), lambda b: (0, 0)),
        ],
        out_specs=[
            pl.BlockSpec((1, 2, 8, CHUNK), lambda b: (b, 0, 0, 0)),
            pl.BlockSpec((1, 2, TB), lambda b: (b, 0, 0)),
            pl.BlockSpec((TB, 2), lambda b: (b, 0)),
            pl.BlockSpec((E, CAP, 1), lambda b: (0, 0, 0)),
        ],
        out_shape=[
            jax.ShapeDtypeStruct((NB, 2, 8, CHUNK), jnp.int32),
            jax.ShapeDtypeStruct((NB, 2, TB), jnp.int32),
            jax.ShapeDtypeStruct((N_TOK, 2), jnp.float32),
            jax.ShapeDtypeStruct((E, CAP, 1), jnp.float32),
        ],
        scratch_shapes=[pltpu.VMEM((8, E), jnp.float32)],
    )(x, gate_w)



def _sc_dispatch(x, dests3):
    mesh = plsc.VectorSubcoreMesh(core_axis_name="c", subcore_axis_name="s")

    nck = 4

    @functools.partial(
        pl.kernel, mesh=mesh,
        out_type=jax.ShapeDtypeStruct((NROWS, DIM), jnp.float32),
        scratch_types=[
            pltpu.VMEM((2 * nck, CHUNK), jnp.int32),
            pltpu.VMEM((2, CHUNK, DIM), jnp.float32),
            pltpu.SemaphoreType.DMA,
            pltpu.SemaphoreType.DMA,
            pltpu.SemaphoreType.DMA,
            pltpu.SemaphoreType.DMA,
        ],
    )
    def k(x_hbm, d_hbm, xg_hbm, idx_v, rows_v, r0, r1, s0, s1):
        wid = lax.axis_index("s") * NC + lax.axis_index("c")
        base_tok = wid * (nck * CHUNK)
        pltpu.sync_copy(d_hbm.at[wid], idx_v)
        rsem = [r0, r1]
        ssem = [s0, s1]
        rd = [None, None]
        wr = [None, None]
        for c in range(nck):
            p = c % 2
            if c >= 2:
                wr[p][0].wait()
                wr[p][1].wait()
            rd[p] = pltpu.async_copy(
                x_hbm.at[pl.ds(base_tok + c * CHUNK, CHUNK)],
                rows_v.at[p], rsem[p])
            if c >= 1:
                q = (c - 1) % 2
                rd[q].wait()
                wr[q] = (
                    pltpu.async_copy(rows_v.at[q],
                                     xg_hbm.at[idx_v.at[2 * (c - 1)]], ssem[q]),
                    pltpu.async_copy(rows_v.at[q],
                                     xg_hbm.at[idx_v.at[2 * (c - 1) + 1]],
                                     ssem[q]),
                )
        q = (nck - 1) % 2
        rd[q].wait()
        wr[q] = (
            pltpu.async_copy(rows_v.at[q],
                             xg_hbm.at[idx_v.at[2 * (nck - 1)]], ssem[q]),
            pltpu.async_copy(rows_v.at[q],
                             xg_hbm.at[idx_v.at[2 * (nck - 1) + 1]], ssem[q]),
        )
        for p in range(2):
            wr[p][0].wait()
            wr[p][1].wait()

    return k(x, dests3)



def _sc_gather(out_all, destg3):
    mesh = plsc.VectorSubcoreMesh(core_axis_name="c", subcore_axis_name="s")

    @functools.partial(
        pl.kernel, mesh=mesh,
        out_type=jax.ShapeDtypeStruct((N_PAIR, DIM), jnp.float32),
        scratch_types=[
            pltpu.VMEM((CHUNKS_PER_W, CHUNK), jnp.int32),
            pltpu.VMEM((2, CHUNK, DIM), jnp.float32),
            pltpu.SemaphoreType.DMA,
            pltpu.SemaphoreType.DMA,
            pltpu.SemaphoreType.DMA,
            pltpu.SemaphoreType.DMA,
        ],
    )
    def k(src_hbm, d_hbm, yg_hbm, idx_v, rows_v, g0, g1, w0, w1):
        wid = lax.axis_index("s") * NC + lax.axis_index("c")
        pltpu.sync_copy(d_hbm.at[wid], idx_v)
        gsem = [g0, g1]
        wsem = [w0, w1]
        gd = [None, None]
        wr = [None, None]
        base = wid * PAIR_PER_W
        for c in range(CHUNKS_PER_W):
            p = c % 2
            if c >= 2:
                wr[p].wait()
            gd[p] = pltpu.async_copy(src_hbm.at[idx_v.at[c]],
                                     rows_v.at[p], gsem[p])
            if c >= 1:
                q = (c - 1) % 2
                gd[q].wait()
                wr[q] = pltpu.async_copy(
                    rows_v.at[q],
                    yg_hbm.at[pl.ds(base + (c - 1) * CHUNK, CHUNK)], wsem[q])
        q = (CHUNKS_PER_W - 1) % 2
        gd[q].wait()
        wr[q] = pltpu.async_copy(
            rows_v.at[q],
            yg_hbm.at[pl.ds(base + (CHUNKS_PER_W - 1) * CHUNK, CHUNK)], wsem[q])
        wr[0].wait()
        wr[1].wait()

    return k(out_all, destg3)



def _ffn_body(xg_ref, w1_ref, w3_ref, w2_ref, sv_ref, out_ref):
    xb = xg_ref[...]
    a = lax.dot_general(xb, w1_ref[0], (((1,), (1,)), ((), ())),
                        preferred_element_type=jnp.float32)
    g = lax.dot_general(xb, w3_ref[0], (((1,), (1,)), ((), ())),
                        preferred_element_type=jnp.float32)
    h = a * jax.nn.sigmoid(a) * g
    out = lax.dot_general(h, w2_ref[0], (((1,), (1,)), ((), ())),
                          preferred_element_type=jnp.float32)
    sv = sv_ref[0]
    out_ref[...] = jnp.where(sv > 0.5, out, 0.0)


def _ffn(xg, w1, w2, w3, slotvalid):
    return pl.pallas_call(
        _ffn_body,
        grid=(E,),
        in_specs=[
            pl.BlockSpec((CAP, DIM), lambda e: (e, 0)),
            pl.BlockSpec((1, INTER, DIM), lambda e: (e, 0, 0)),
            pl.BlockSpec((1, INTER, DIM), lambda e: (e, 0, 0)),
            pl.BlockSpec((1, DIM, INTER), lambda e: (e, 0, 0)),
            pl.BlockSpec((1, CAP, 1), lambda e: (e, 0, 0)),
        ],
        out_specs=pl.BlockSpec((CAP, DIM), lambda e: (e, 0)),
        out_shape=jax.ShapeDtypeStruct((E * CAP, DIM), jnp.float32),
    )(xg, w1, w3, w2, slotvalid)



def _final_body(x_ref, sw1_ref, sw3_ref, sw2_ref, yg_ref, f_ref, y_ref):
    xb = x_ref[...]
    a = lax.dot_general(xb, sw1_ref[...], (((1,), (1,)), ((), ())),
                        preferred_element_type=jnp.float32)
    g = lax.dot_general(xb, sw3_ref[...], (((1,), (1,)), ((), ())),
                        preferred_element_type=jnp.float32)
    h = a * jax.nn.sigmoid(a) * g
    z = lax.dot_general(h, sw2_ref[...], (((1,), (1,)), ((), ())),
                        preferred_element_type=jnp.float32)
    f0 = f_ref[:, 0:1]
    f1 = f_ref[:, 1:2]
    y_ref[...] = z + f0 * yg_ref[0, 0] + f1 * yg_ref[0, 1]


def _final(x, sw1, sw2, sw3, yg, f):
    return pl.pallas_call(
        _final_body,
        grid=(NB,),
        in_specs=[
            pl.BlockSpec((TB, DIM), lambda b: (b, 0)),
            pl.BlockSpec((DIM, DIM), lambda b: (0, 0)),
            pl.BlockSpec((DIM, DIM), lambda b: (0, 0)),
            pl.BlockSpec((DIM, DIM), lambda b: (0, 0)),
            pl.BlockSpec((1, 2, TB, DIM), lambda b: (b, 0, 0, 0)),
            pl.BlockSpec((TB, 2), lambda b: (b, 0)),
        ],
        out_specs=pl.BlockSpec((TB, DIM), lambda b: (b, 0)),
        out_shape=jax.ShapeDtypeStruct((N_TOK, DIM), jnp.float32),
    )(x, sw1, sw3, sw2, yg, f)



def kernel(x, gate_w, w1, w2, w3, sw1, sw2, sw3):
    dest_s, dest_g, f, slotvalid = _router(x, gate_w)
    dests3 = dest_s.reshape(NW, 2 * 4, CHUNK)
    destg3 = dest_g.reshape(NW, CHUNKS_PER_W, CHUNK)
    xg = _sc_dispatch(x, dests3)
    out_all = _ffn(xg, w1, w2, w3, slotvalid)
    yg = _sc_gather(out_all, destg3).reshape(NB, 2, TB, DIM)
    return _final(x, sw1, sw2, sw3, yg, f)

# --- scband reference (transcript-rebuilt; emitter-appended) ---
"""Pipeline reference for scband-mo-ev3-34935263986344 (READ-ONLY COPY).

The authoritative reference and input builder live on the scoring server;
editing this copy changes nothing except your own understanding.
"""

import jax, jax.numpy as jnp
import numpy as np

DIM = 768
INTER = 384
E = 64
K = 2
CAPF = 1.25
N_TOK = 4096
SHARED_H = 768  # int(dim * max(1.0, inter_dim*3/(2*dim))) = int(768*1.0)


def setup_inputs(seed: int = 0) -> dict:
    key = jax.random.key(seed)
    ks = jax.random.split(key, 8)
    x = jax.random.normal(ks[0], (N_TOK, DIM), dtype=jnp.float32)
    gate_w = jax.random.normal(ks[1], (E, DIM), dtype=jnp.float32) * (DIM ** -0.5)
    w1 = jax.random.normal(ks[2], (E, INTER, DIM), dtype=jnp.float32) * 0.02
    w2 = jax.random.normal(ks[3], (E, DIM, INTER), dtype=jnp.float32) * 0.02
    w3 = jax.random.normal(ks[4], (E, INTER, DIM), dtype=jnp.float32) * 0.02
    sw1 = jax.random.normal(ks[5], (SHARED_H, DIM), dtype=jnp.float32) * 0.02
    sw2 = jax.random.normal(ks[6], (DIM, SHARED_H), dtype=jnp.float32) * 0.02
    sw3 = jax.random.normal(ks[7], (SHARED_H, DIM), dtype=jnp.float32) * 0.02
    return {"x": x, "gate_w": gate_w, "w1": w1, "w2": w2, "w3": w3,
            "sw1": sw1, "sw2": sw2, "sw3": sw3}


def reference(x, gate_w, w1, w2, w3, sw1, sw2, sw3):
    # Gate (router_noise_std=0, temperature=1, n_expert_groups=1, route_scale=1)
    logits = x @ gate_w.T
    scores = jax.nn.softmax(logits, axis=-1)
    _, indices = jax.lax.top_k(scores, K)
    weights = jnp.take_along_axis(scores, indices, axis=1)
    weights = weights / (weights.sum(axis=-1, keepdims=True) + 1e-9)

    num_tokens = x.shape[0]
    cap = max(1, int(CAPF * (num_tokens * K / max(1, E))))
    y = jnp.zeros_like(x)
    for i in range(E):
        mask = indices == i
        idx, top = jnp.nonzero(mask, size=cap, fill_value=0)  # row-major order like torch.where
        keep = idx
        keep_top = top
        valid = (jnp.arange(cap) < mask.sum()).astype(x.dtype)
        xi = x[keep]
        h = jax.nn.silu(xi @ w1[i].T) * (xi @ w3[i].T)
        out = h @ w2[i].T
        wsel = weights[keep, keep_top][:, None]
        y = y.at[keep].add(out * wsel * valid[:, None])
    # shared experts: SwiGLU
    z = (jax.nn.silu(x @ sw1.T) * (x @ sw3.T)) @ sw2.T
    return y + z

if __name__ == "__main__":
    import jax
    _d = setup_inputs()
    print(jax.jit(kernel)(*tuple(_d.values())))

</pallas_src>

<mosaic_0001>
#map = affine_map<(d0, d1) -> (0, 0)>
#map1 = affine_map<(d0, d1) -> (0, 0, 0)>
module attributes {stable_mosaic.version = 14 : i64} {
  func.func @k(%arg0: i32, %arg1: i32, %arg2: memref<10240x768xf32, #tpu.memory_space<hbm>>, %arg3: memref<32x8x32xi32, #tpu.memory_space<hbm>>, %arg4: memref<8192x768xf32, #tpu.memory_space<hbm>>, %arg5: memref<8x32xi32, #tpu.memory_space<vmem>>, %arg6: memref<2x32x768xf32, #tpu.memory_space<vmem>>, %arg7: memref<!tpu.dma_semaphore, #tpu.memory_space<semaphore_mem>>, %arg8: memref<!tpu.dma_semaphore, #tpu.memory_space<semaphore_mem>>, %arg9: memref<!tpu.dma_semaphore, #tpu.memory_space<semaphore_mem>>, %arg10: memref<!tpu.dma_semaphore, #tpu.memory_space<semaphore_mem>>) attributes {dimension_semantics = [#tpu.dimension_semantics<core_parallel>, #tpu.dimension_semantics<subcore_parallel>], iteration_bounds = array<i64: 2, 16>, scalar_prefetch = 0 : i64, scratch_operands = 6 : i64, tpu.core_type = #tpu.core_type<sc_vector_subcore>, window_params = [{transform_indices = #map}, {transform_indices = #map1}, {transform_indices = #map}]} {
    %mul3A = arith.constant 2 : i32
    %mul3A_0 = arith.muli %arg1, %mul3A : i32
    %add3A = arith.addi %mul3A_0, %arg0 : i32
    "tpu.region"() ({
      %run_scoped3A = tpu.sem_alloc : memref<!tpu.dma_semaphore, #tpu.memory_space<semaphore_mem>>
      %dma_start3A_417 = arith.constant 0 : i32
      %dma_start3A_418 = arith.constant 0 : i32
      %dma_start3A_419 = tpu.memref_slice %arg3[%add3A, %dma_start3A_417, %dma_start3A_418] : memref<32x8x32xi32, #tpu.memory_space<hbm>> -> memref<1x8x32xi32, #tpu.memory_space<hbm>>
      %dma_start3A_420 = tpu.memref_squeeze %dma_start3A_419 : memref<1x8x32xi32, #tpu.memory_space<hbm>> -> memref<8x32xi32, #tpu.memory_space<hbm>>
      %dma_start3A_421 = arith.constant 0 : i32
      %dma_start3A_422 = arith.constant 0 : i32
      %dma_start3A_423 = tpu.memref_slice %arg3[%add3A, %dma_start3A_421, %dma_start3A_422] : memref<32x8x32xi32, #tpu.memory_space<hbm>> -> memref<1x8x32xi32, #tpu.memory_space<hbm>>
      %dma_start3A_424 = tpu.memref_squeeze %dma_start3A_423 : memref<1x8x32xi32, #tpu.memory_space<hbm>> -> memref<8x32xi32, #tpu.memory_space<hbm>>
      tpu.enqueue_dma source(%dma_start3A_424 : memref<8x32xi32, #tpu.memory_space<hbm>>) target(%arg5 : memref<8x32xi32, #tpu.memory_space<vmem>>) target_semaphore(%run_scoped3A : memref<!tpu.dma_semaphore, #tpu.memory_space<semaphore_mem>>)
      %dma_wait3A_425 = arith.constant 0 : i32
      %dma_wait3A_426 = arith.constant 0 : i32
      %dma_wait3A_427 = tpu.memref_slice %arg3[%add3A, %dma_wait3A_425, %dma_wait3A_426] : memref<32x8x32xi32, #tpu.memory_space<hbm>> -> memref<1x8x32xi32, #tpu.memory_space<hbm>>
      %dma_wait3A_428 = tpu.memref_squeeze %dma_wait3A_427 : memref<1x8x32xi32, #tpu.memory_space<hbm>> -> memref<8x32xi32, #tpu.memory_space<hbm>>
      %dma_wait3A_429 = arith.constant 0 : i32
      %dma_wait3A_430 = arith.constant 0 : i32
      %dma_wait3A_431 = tpu.memref_slice %arg3[%add3A, %dma_wait3A_429, %dma_wait3A_430] : memref<32x8x32xi32, #tpu.memory_space<hbm>> -> memref<1x8x32xi32, #tpu.memory_space<hbm>>
      %dma_wait3A_432 = tpu.memref_squeeze %dma_wait3A_431 : memref<1x8x32xi32, #tpu.memory_space<hbm>> -> memref<8x32xi32, #tpu.memory_space<hbm>>
      tpu.wait_dma2 semaphore(%run_scoped3A : memref<!tpu.dma_semaphore, #tpu.memory_space<semaphore_mem>>) src(%dma_wait3A_432 : memref<8x32xi32, #tpu.memory_space<hbm>>) dst(%arg5 : memref<8x32xi32, #tpu.memory_space<vmem>>)
      tpu.yield
    }) : () -> ()
    %mul3A_1 = arith.constant 256 : i32
    %mul3A_2 = arith.muli %add3A, %mul3A_1 : i32
    %dma_start3A = arith.constant 0 : i32
    %dma_start3A_3 = arith.constant 0 : i32
    %dma_start3A_4 = arith.constant 0 : i32
    %dma_start3A_5 = arith.constant 0 : i32
    %dma_start3A_6 = tpu.memref_slice %arg6[%dma_start3A_3, %dma_start3A_4, %dma_start3A_5] : memref<2x32x768xf32, #tpu.memory_space<vmem>> -> memref<1x32x768xf32, #tpu.memory_space<vmem>>
    %dma_start3A_7 = tpu.memref_squeeze %dma_start3A_6 : memref<1x32x768xf32, #tpu.memory_space<vmem>> -> memref<32x768xf32, #tpu.memory_space<vmem>>
    %dma_start3A_8 = arith.constant 0 : i32
    %dma_start3A_9 = tpu.memref_slice %arg5[%dma_start3A, %dma_start3A_8] : memref<8x32xi32, #tpu.memory_space<vmem>> -> memref<1x32xi32, #tpu.memory_space<vmem>>
    %dma_start3A_10 = tpu.memref_squeeze %dma_start3A_9 : memref<1x32xi32, #tpu.memory_space<vmem>> -> memref<32xi32, #tpu.memory_space<vmem>>
    %dma_start3A_11 = arith.constant 0 : i32
    %dma_start3A_12 = arith.constant 0 : i32
    %dma_start3A_13 = tpu.memref_slice %arg2[%dma_start3A_11, %dma_start3A_12] : memref<10240x768xf32, #tpu.memory_space<hbm>> -> memref<10240x768xf32, #tpu.memory_space<hbm>>
    tpu.enqueue_indirect_dma source(%dma_start3A_13 : memref<10240x768xf32, #tpu.memory_space<hbm>>) target(%dma_start3A_7 : memref<32x768xf32, #tpu.memory_space<vmem>>) offsets(%dma_start3A_10 : memref<32xi32, #tpu.memory_space<vmem>>) semaphore(%arg7 : memref<!tpu.dma_semaphore, #tpu.memory_space<semaphore_mem>>)
    %dma_start3A_14 = arith.constant 1 : i32
    %dma_start3A_15 = arith.constant 1 : i32
    %dma_start3A_16 = arith.constant 0 : i32
    %dma_start3A_17 = arith.constant 0 : i32
    %dma_start3A_18 = tpu.memref_slice %arg6[%dma_start3A_15, %dma_start3A_16, %dma_start3A_17] : memref<2x32x768xf32, #tpu.memory_space<vmem>> -> memref<1x32x768xf32, #tpu.memory_space<vmem>>
    %dma_start3A_19 = tpu.memref_squeeze %dma_start3A_18 : memref<1x32x768xf32, #tpu.memory_space<vmem>> -> memref<32x768xf32, #tpu.memory_space<vmem>>
    %dma_start3A_20 = arith.constant 0 : i32
    %dma_start3A_21 = tpu.memref_slice %arg5[%dma_start3A_14, %dma_start3A_20] : memref<8x32xi32, #tpu.memory_space<vmem>> -> memref<1x32xi32, #tpu.memory_space<vmem>>
    %dma_start3A_22 = tpu.memref_squeeze %dma_start3A_21 : memref<1x32xi32, #tpu.memory_space<vmem>> -> memref<32xi32, #tpu.memory_space<vmem>>
    %dma_start3A_23 = arith.constant 0 : i32
    %dma_start3A_24 = arith.constant 0 : i32
    %dma_start3A_25 = tpu.memref_slice %arg2[%dma_start3A_23, %dma_start3A_24] : memref<10240x768xf32, #tpu.memory_space<hbm>> -> memref<10240x768xf32, #tpu.memory_space<hbm>>
    tpu.enqueue_indirect_dma source(%dma_start3A_25 : memref<10240x768xf32, #tpu.memory_space<hbm>>) target(%dma_start3A_19 : memref<32x768xf32, #tpu.memory_space<vmem>>) offsets(%dma_start3A_22 : memref<32xi32, #tpu.memory_space<vmem>>) semaphore(%arg8 : memref<!tpu.dma_semaphore, #tpu.memory_space<semaphore_mem>>)
    %dma_wait3A = arith.constant 0 : i32
    %dma_wait3A_26 = arith.constant 0 : i32
    %dma_wait3A_27 = arith.constant 0 : i32
    %dma_wait3A_28 = arith.constant 0 : i32
    %dma_wait3A_29 = tpu.memref_slice %arg6[%dma_wait3A_26, %dma_wait3A_27, %dma_wait3A_28] : memref<2x32x768xf32, #tpu.memory_space<vmem>> -> memref<1x32x768xf32, #tpu.memory_space<vmem>>
    %dma_wait3A_30 = tpu.memref_squeeze %dma_wait3A_29 : memref<1x32x768xf32, #tpu.memory_space<vmem>> -> memref<32x768xf32, #tpu.memory_space<vmem>>
    %dma_wait3A_31 = arith.constant 0 : i32
    %dma_wait3A_32 = tpu.memref_slice %arg5[%dma_wait3A, %dma_wait3A_31] : memref<8x32xi32, #tpu.memory_space<vmem>> -> memref<1x32xi32, #tpu.memory_space<vmem>>
    %dma_wait3A_33 = tpu.memref_squeeze %dma_wait3A_32 : memref<1x32xi32, #tpu.memory_space<vmem>> -> memref<32xi32, #tpu.memory_space<vmem>>
    %dma_wait3A_34 = arith.constant 0 : i32
    %dma_wait3A_35 = arith.constant 0 : i32
    %dma_wait3A_36 = tpu.memref_slice %arg2[%dma_wait3A_34, %dma_wait3A_35] : memref<10240x768xf32, #tpu.memory_space<hbm>> -> memref<10240x768xf32, #tpu.memory_space<hbm>>
    tpu.wait_indirect_dma semaphore(%arg7 : memref<!tpu.dma_semaphore, #tpu.memory_space<semaphore_mem>>) src(%dma_wait3A_36 : memref<10240x768xf32, #tpu.memory_space<hbm>>) dst(%dma_wait3A_30 : memref<32x768xf32, #tpu.memory_space<vmem>>)
    %add3A_37 = arith.constant 0 : i32
    %add3A_38 = arith.addi %mul3A_2, %add3A_37 : i32
    %dma_start3A_39 = arith.constant 0 : i32
    %dma_start3A_40 = arith.constant 0 : i32
    %dma_start3A_41 = arith.constant 0 : i32
    %dma_start3A_42 = tpu.memref_slice %arg6[%dma_start3A_39, %dma_start3A_40, %dma_start3A_41] : memref<2x32x768xf32, #tpu.memory_space<vmem>> -> memref<1x32x768xf32, #tpu.memory_space<vmem>>
    %dma_start3A_43 = tpu.memref_squeeze %dma_start3A_42 : memref<1x32x768xf32, #tpu.memory_space<vmem>> -> memref<32x768xf32, #tpu.memory_space<vmem>>
    %dma_start3A_44 = arith.constant 0 : i32
    %dma_start3A_45 = tpu.memref_slice %arg4[%add3A_38, %dma_start3A_44] : memref<8192x768xf32, #tpu.memory_space<hbm>> -> memref<32x768xf32, #tpu.memory_space<hbm>>
    %dma_start3A_46 = arith.constant 0 : i32
    %dma_start3A_47 = tpu.memref_slice %arg4[%add3A_38, %dma_start3A_46] : memref<8192x768xf32, #tpu.memory_space<hbm>> -> memref<32x768xf32, #tpu.memory_space<hbm>>
    %dma_start3A_48 = arith.constant 0 : i32
    %dma_start3A_49 = arith.constant 0 : i32
    %dma_start3A_50 = tpu.memref_slice %arg6[%dma_start3A_39, %dma_start3A_48, %dma_start3A_49] : memref<2x32x768xf32, #tpu.memory_space<vmem>> -> memref<1x32x768xf32, #tpu.memory_space<vmem>>
    %dma_start3A_51 = tpu.memref_squeeze %dma_start3A_50 : memref<1x32x768xf32, #tpu.memory_space<vmem>> -> memref<32x768xf32, #tpu.memory_space<vmem>>
    tpu.enqueue_dma source(%dma_start3A_51 : memref<32x768xf32, #tpu.memory_space<vmem>>) target(%dma_start3A_47 : memref<32x768xf32, #tpu.memory_space<hbm>>) target_semaphore(%arg9 : memref<!tpu.dma_semaphore, #tpu.memory_space<semaphore_mem>>)
    %dma_wait3A_52 = arith.constant 0 : i32
    %dma_wait3A_53 = arith.constant 0 : i32
    %dma_wait3A_54 = arith.constant 0 : i32
    %dma_wait3A_55 = tpu.memref_slice %arg6[%dma_wait3A_52, %dma_wait3A_53, %dma_wait3A_54] : memref<2x32x768xf32, #tpu.memory_space<vmem>> -> memref<1x32x768xf32, #tpu.memory_space<vmem>>
    %dma_wait3A_56 = tpu.memref_squeeze %dma_wait3A_55 : memref<1x32x768xf32, #tpu.memory_space<vmem>> -> memref<32x768xf32, #tpu.memory_space<vmem>>
    %dma_wait3A_57 = arith.constant 0 : i32
    %dma_wait3A_58 = tpu.memref_slice %arg4[%add3A_38, %dma_wait3A_57] : memref<8192x768xf32, #tpu.memory_space<hbm>> -> memref<32x768xf32, #tpu.memory_space<hbm>>
    %dma_wait3A_59 = arith.constant 0 : i32
    %dma_wait3A_60 = tpu.memref_slice %arg4[%add3A_38, %dma_wait3A_59] : memref<8192x768xf32, #tpu.memory_space<hbm>> -> memref<32x768xf32, #tpu.memory_space<hbm>>
    %dma_wait3A_61 = arith.constant 0 : i32
    %dma_wait3A_62 = arith.constant 0 : i32
    %dma_wait3A_63 = tpu.memref_slice %arg6[%dma_wait3A_52, %dma_wait3A_61, %dma_wait3A_62] : memref<2x32x768xf32, #tpu.memory_space<vmem>> -> memref<1x32x768xf32, #tpu.memory_space<vmem>>
    %dma_wait3A_64 = tpu.memref_squeeze %dma_wait3A_63 : memref<1x32x768xf32, #tpu.memory_space<vmem>> -> memref<32x768xf32, #tpu.memory_space<vmem>>
    tpu.wait_dma2 semaphore(%arg9 : memref<!tpu.dma_semaphore, #tpu.memory_space<semaphore_mem>>) src(%dma_wait3A_64 : memref<32x768xf32, #tpu.memory_space<vmem>>) dst(%dma_wait3A_60 : memref<32x768xf32, #tpu.memory_space<hbm>>)
    %dma_start3A_65 = arith.constant 2 : i32
    %dma_start3A_66 = arith.constant 0 : i32
    %dma_start3A_67 = arith.constant 0 : i32
    %dma_start3A_68 = arith.constant 0 : i32
    %dma_start3A_69 = tpu.memref_slice %arg6[%dma_start3A_66, %dma_start3A_67, %dma_start3A_68] : memref<2x32x768xf32, #tpu.memory_space<vmem>> -> memref<1x32x768xf32, #tpu.memory_space<vmem>>
    %dma_start3A_70 = tpu.memref_squeeze %dma_start3A_69 : memref<1x32x768xf32, #tpu.memory_space<vmem>> -> memref<32x768xf32, #tpu.memory_space<vmem>>
    %dma_start3A_71 = arith.constant 0 : i32
    %dma_start3A_72 = tpu.memref_slice %arg5[%dma_start3A_65, %dma_start3A_71] : memref<8x32xi32, #tpu.memory_space<vmem>> -> memref<1x32xi32, #tpu.memory_space<vmem>>
    %dma_start3A_73 = tpu.memref_squeeze %dma_start3A_72 : memref<1x32xi32, #tpu.memory_space<vmem>> -> memref<32xi32, #tpu.memory_space<vmem>>
    %dma_start3A_74 = arith.constant 0 : i32
    %dma_start3A_75 = arith.constant 0 : i32
    %dma_start3A_76 = tpu.memref_slice %arg2[%dma_start3A_74, %dma_start3A_75] : memref<10240x768xf32, #tpu.memory_space<hbm>> -> memref<10240x768xf32, #tpu.memory_space<hbm>>
    tpu.enqueue_indirect_dma source(%dma_start3A_76 : memref<10240x768xf32, #tpu.memory_space<hbm>>) target(%dma_start3A_70 : memref<32x768xf32, #tpu.memory_space<vmem>>) offsets(%dma_start3A_73 : memref<32xi32, #tpu.memory_space<vmem>>) semaphore(%arg7 : memref<!tpu.dma_semaphore, #tpu.memory_space<semaphore_mem>>)
    %dma_wait3A_77 = arith.constant 1 : i32
    %dma_wait3A_78 = arith.constant 1 : i32
    %dma_wait3A_79 = arith.constant 0 : i32
    %dma_wait3A_80 = arith.constant 0 : i32
    %dma_wait3A_81 = tpu.memref_slice %arg6[%dma_wait3A_78, %dma_wait3A_79, %dma_wait3A_80] : memref<2x32x768xf32, #tpu.memory_space<vmem>> -> memref<1x32x768xf32, #tpu.memory_space<vmem>>
    %dma_wait3A_82 = tpu.memref_squeeze %dma_wait3A_81 : memref<1x32x768xf32, #tpu.memory_space<vmem>> -> memref<32x768xf32, #tpu.memory_space<vmem>>
    %dma_wait3A_83 = arith.constant 0 : i32
    %dma_wait3A_84 = tpu.memref_slice %arg5[%dma_wait3A_77, %dma_wait3A_83] : memref<8x32xi32, #tpu.memory_space<vmem>> -> memref<1x32xi32, #tpu.memory_space<vmem>>
    %dma_wait3A_85 = tpu.memref_squeeze %dma_wait3A_84 : memref<1x32xi32, #tpu.memory_space<vmem>> -> memref<32xi32, #tpu.memory_space<vmem>>
    %dma_wait3A_86 = arith.constant 0 : i32
    %dma_wait3A_87 = arith.constant 0 : i32
    %dma_wait3A_88 = tpu.memref_slice %arg2[%dma_wait3A_86, %dma_wait3A_87] : memref<10240x768xf32, #tpu.memory_space<hbm>> -> memref<10240x768xf32, #tpu.memory_space<hbm>>
    tpu.wait_indirect_dma semaphore(%arg8 : memref<!tpu.dma_semaphore, #tpu.memory_space<semaphore_mem>>) src(%dma_wait3A_88 : memref<10240x768xf32, #tpu.memory_space<hbm>>) dst(%dma_wait3A_82 : memref<32x768xf32, #tpu.memory_space<vmem>>)
    %add3A_89 = arith.constant 32 : i32
    %add3A_90 = arith.addi %mul3A_2, %add3A_89 : i32
    %dma_start3A_91 = arith.constant 1 : i32
    %dma_start3A_92 = arith.constant 0 : i32
    %dma_start3A_93 = arith.constant 0 : i32
    %dma_start3A_94 = tpu.memref_slice %arg6[%dma_start3A_91, %dma_start3A_92, %dma_start3A_93] : memref<2x32x768xf32, #tpu.memory_space<vmem>> -> memref<1x32x768xf32, #tpu.memory_space<vmem>>
    %dma_start3A_95 = tpu.memref_squeeze %dma_start3A_94 : memref<1x32x768xf32, #tpu.memory_space<vmem>> -> memref<32x768xf32, #tpu.memory_space<vmem>>
    %dma_start3A_96 = arith.constant 0 : i32
    %dma_start3A_97 = tpu.memref_slice %arg4[%add3A_90, %dma_start3A_96] : memref<8192x768xf32, #tpu.memory_space<hbm>> -> memref<32x768xf32, #tpu.memory_space<hbm>>
    %dma_start3A_98 = arith.constant 0 : i32
    %dma_start3A_99 = tpu.memref_slice %arg4[%add3A_90, %dma_start3A_98] : memref<8192x768xf32, #tpu.memory_space<hbm>> -> memref<32x768xf32, #tpu.memory_space<hbm>>
    %dma_start3A_100 = arith.constant 0 : i32
    %dma_start3A_101 = arith.constant 0 : i32
    %dma_start3A_102 = tpu.memref_slice %arg6[%dma_start3A_91, %dma_start3A_100, %dma_start3A_101] : memref<2x32x768xf32, #tpu.memory_space<vmem>> -> memref<1x32x768xf32, #tpu.memory_space<vmem>>
    %dma_start3A_103 = tpu.memref_squeeze %dma_start3A_102 : memref<1x32x768xf32, #tpu.memory_space<vmem>> -> memref<32x768xf32, #tpu.memory_space<vmem>>
    tpu.enqueue_dma source(%dma_start3A_103 : memref<32x768xf32, #tpu.memory_space<vmem>>) target(%dma_start3A_99 : memref<32x768xf32, #tpu.memory_space<hbm>>) target_semaphore(%arg10 : memref<!tpu.dma_semaphore, #tpu.memory_space<semaphore_mem>>)
    %dma_wait3A_104 = arith.constant 1 : i32
    %dma_wait3A_105 = arith.constant 0 : i32
    %dma_wait3A_106 = arith.constant 0 : i32
    %dma_wait3A_107 = tpu.memref_slice %arg6[%dma_wait3A_104, %dma_wait3A_105, %dma_wait3A_106] : memref<2x32x768xf32, #tpu.memory_space<vmem>> -> memref<1x32x768xf32, #tpu.memory_space<vmem>>
    %dma_wait3A_108 = tpu.memref_squeeze %dma_wait3A_107 : memref<1x32x768xf32, #tpu.memory_space<vmem>> -> memref<32x768xf32, #tpu.memory_space<vmem>>
    %dma_wait3A_109 = arith.constant 0 : i32
    %dma_wait3A_110 = tpu.memref_slice %arg4[%add3A_90, %dma_wait3A_109] : memref<8192x768xf32, #tpu.memory_space<hbm>> -> memref<32x768xf32, #tpu.memory_space<hbm>>
    %dma_wait3A_111 = arith.constant 0 : i32
    %dma_wait3A_112 = tpu.memref_slice %arg4[%add3A_90, %dma_wait3A_111] : memref<8192x768xf32, #tpu.memory_space<hbm>> -> memref<32x768xf32, #tpu.memory_space<hbm>>
    %dma_wait3A_113 = arith.constant 0 : i32
    %dma_wait3A_114 = arith.constant 0 : i32
    %dma_wait3A_115 = tpu.memref_slice %arg6[%dma_wait3A_104, %dma_wait3A_113, %dma_wait3A_114] : memref<2x32x768xf32, #tpu.memory_space<vmem>> -> memref<1x32x768xf32, #tpu.memory_space<vmem>>
    %dma_wait3A_116 = tpu.memref_squeeze %dma_wait3A_115 : memref<1x32x768xf32, #tpu.memory_space<vmem>> -> memref<32x768xf32, #tpu.memory_space<vmem>>
    tpu.wait_dma2 semaphore(%arg10 : memref<!tpu.dma_semaphore, #tpu.memory_space<semaphore_mem>>) src(%dma_wait3A_116 : memref<32x768xf32, #tpu.memory_space<vmem>>) dst(%dma_wait3A_112 : memref<32x768xf32, #tpu.memory_space<hbm>>)
    %dma_start3A_117 = arith.constant 3 : i32
    %dma_start3A_118 = arith.constant 1 : i32
    %dma_start3A_119 = arith.constant 0 : i32
    %dma_start3A_120 = arith.constant 0 : i32
    %dma_start3A_121 = tpu.memref_slice %arg6[%dma_start3A_118, %dma_start3A_119, %dma_start3A_120] : memref<2x32x768xf32, #tpu.memory_space<vmem>> -> memref<1x32x768xf32, #tpu.memory_space<vmem>>
    %dma_start3A_122 = tpu.memref_squeeze %dma_start3A_121 : memref<1x32x768xf32, #tpu.memory_space<vmem>> -> memref<32x768xf32, #tpu.memory_space<vmem>>
    %dma_start3A_123 = arith.constant 0 : i32
    %dma_start3A_124 = tpu.memref_slice %arg5[%dma_start3A_117, %dma_start3A_123] : memref<8x32xi32, #tpu.memory_space<vmem>> -> memref<1x32xi32, #tpu.memory_space<vmem>>
    %dma_start3A_125 = tpu.memref_squeeze %dma_start3A_124 : memref<1x32xi32, #tpu.memory_space<vmem>> -> memref<32xi32, #tpu.memory_space<vmem>>
    %dma_start3A_126 = arith.constant 0 : i32
    %dma_start3A_127 = arith.constant 0 : i32
    %dma_start3A_128 = tpu.memref_slice %arg2[%dma_start3A_126, %dma_start3A_127] : memref<10240x768xf32, #tpu.memory_space<hbm>> -> memref<10240x768xf32, #tpu.memory_space<hbm>>
    tpu.enqueue_indirect_dma source(%dma_start3A_128 : memref<10240x768xf32, #tpu.memory_space<hbm>>) target(%dma_start3A_122 : memref<32x768xf32, #tpu.memory_space<vmem>>) offsets(%dma_start3A_125 : memref<32xi32, #tpu.memory_space<vmem>>) semaphore(%arg8 : memref<!tpu.dma_semaphore, #tpu.memory_space<semaphore_mem>>)
    %dma_wait3A_129 = arith.constant 2 : i32
    %dma_wait3A_130 = arith.constant 0 : i32
    %dma_wait3A_131 = arith.constant 0 : i32
    %dma_wait3A_132 = arith.constant 0 : i32
    %dma_wait3A_133 = tpu.memref_slice %arg6[%dma_wait3A_130, %dma_wait3A_131, %dma_wait3A_132] : memref<2x32x768xf32, #tpu.memory_space<vmem>> -> memref<1x32x768xf32, #tpu.memory_space<vmem>>
    %dma_wait3A_134 = tpu.memref_squeeze %dma_wait3A_133 : memref<1x32x768xf32, #tpu.memory_space<vmem>> -> memref<32x768xf32, #tpu.memory_space<vmem>>
    %dma_wait3A_135 = arith.constant 0 : i32
    %dma_wait3A_136 = tpu.memref_slice %arg5[%dma_wait3A_129, %dma_wait3A_135] : memref<8x32xi32, #tpu.memory_space<vmem>> -> memref<1x32xi32, #tpu.memory_space<vmem>>
    %dma_wait3A_137 = tpu.memref_squeeze %dma_wait3A_136 : memref<1x32xi32, #tpu.memory_space<vmem>> -> memref<32xi32, #tpu.memory_space<vmem>>
    %dma_wait3A_138 = arith.constant 0 : i32
    %dma_wait3A_139 = arith.constant 0 : i32
    %dma_wait3A_140 = tpu.memref_slice %arg2[%dma_wait3A_138, %dma_wait3A_139] : memref<10240x768xf32, #tpu.memory_space<hbm>> -> memref<10240x768xf32, #tpu.memory_space<hbm>>
    tpu.wait_indirect_dma semaphore(%arg7 : memref<!tpu.dma_semaphore, #tpu.memory_space<semaphore_mem>>) src(%dma_wait3A_140 : memref<10240x768xf32, #tpu.memory_space<hbm>>) dst(%dma_wait3A_134 : memref<32x768xf32, #tpu.memory_space<vmem>>)
    %add3A_141 = arith.constant 64 : i32
    %add3A_142 = arith.addi %mul3A_2, %add3A_141 : i32
    %dma_start3A_143 = arith.constant 0 : i32
    %dma_start3A_144 = arith.constant 0 : i32
    %dma_start3A_145 = arith.constant 0 : i32
    %dma_start3A_146 = tpu.memref_slice %arg6[%dma_start3A_143, %dma_start3A_144, %dma_start3A_145] : memref<2x32x768xf32, #tpu.memory_space<vmem>> -> memref<1x32x768xf32, #tpu.memory_space<vmem>>
    %dma_start3A_147 = tpu.memref_squeeze %dma_start3A_146 : memref<1x32x768xf32, #tpu.memory_space<vmem>> -> memref<32x768xf32, #tpu.memory_space<vmem>>
    %dma_start3A_148 = arith.constant 0 : i32
    %dma_start3A_149 = tpu.memref_slice %arg4[%add3A_142, %dma_start3A_148] : memref<8192x768xf32, #tpu.memory_space<hbm>> -> memref<32x768xf32, #tpu.memory_space<hbm>>
    %dma_start3A_150 = arith.constant 0 : i32
    %dma_start3A_151 = tpu.memref_slice %arg4[%add3A_142, %dma_start3A_150] : memref<8192x768xf32, #tpu.memory_space<hbm>> -> memref<32x768xf32, #tpu.memory_space<hbm>>
    %dma_start3A_152 = arith.constant 0 : i32
    %dma_start3A_153 = arith.constant 0 : i32
    %dma_start3A_154 = tpu.memref_slice %arg6[%dma_start3A_143, %dma_start3A_152, %dma_start3A_153] : memref<2x32x768xf32, #tpu.memory_space<vmem>> -> memref<1x32x768xf32, #tpu.memory_space<vmem>>
    %dma_start3A_155 = tpu.memref_squeeze %dma_start3A_154 : memref<1x32x768xf32, #tpu.memory_space<vmem>> -> memref<32x768xf32, #tpu.memory_space<vmem>>
    tpu.enqueue_dma source(%dma_start3A_155 : memref<32x768xf32, #tpu.memory_space<vmem>>) target(%dma_start3A_151 : memref<32x768xf32, #tpu.memory_space<hbm>>) target_semaphore(%arg9 : memref<!tpu.dma_semaphore, #tpu.memory_space<semaphore_mem>>)
    %dma_wait3A_156 = arith.constant 0 : i32
    %dma_wait3A_157 = arith.constant 0 : i32
    %dma_wait3A_158 = arith.constant 0 : i32
    %dma_wait3A_159 = tpu.memref_slice %arg6[%dma_wait3A_156, %dma_wait3A_157, %dma_wait3A_158] : memref<2x32x768xf32, #tpu.memory_space<vmem>> -> memref<1x32x768xf32, #tpu.memory_space<vmem>>
    %dma_wait3A_160 = tpu.memref_squeeze %dma_wait3A_159 : memref<1x32x768xf32, #tpu.memory_space<vmem>> -> memref<32x768xf32, #tpu.memory_space<vmem>>
    %dma_wait3A_161 = arith.constant 0 : i32
    %dma_wait3A_162 = tpu.memref_slice %arg4[%add3A_142, %dma_wait3A_161] : memref<8192x768xf32, #tpu.memory_space<hbm>> -> memref<32x768xf32, #tpu.memory_space<hbm>>
    %dma_wait3A_163 = arith.constant 0 : i32
    %dma_wait3A_164 = tpu.memref_slice %arg4[%add3A_142, %dma_wait3A_163] : memref<8192x768xf32, #tpu.memory_space<hbm>> -> memref<32x768xf32, #tpu.memory_space<hbm>>
    %dma_wait3A_165 = arith.constant 0 : i32
    %dma_wait3A_166 = arith.constant 0 : i32
    %dma_wait3A_167 = tpu.memref_slice %arg6[%dma_wait3A_156, %dma_wait3A_165, %dma_wait3A_166] : memref<2x32x768xf32, #tpu.memory_space<vmem>> -> memref<1x32x768xf32, #tpu.memory_space<vmem>>
    %dma_wait3A_168 = tpu.memref_squeeze %dma_wait3A_167 : memref<1x32x768xf32, #tpu.memory_space<vmem>> -> memref<32x768xf32, #tpu.memory_space<vmem>>
    tpu.wait_dma2 semaphore(%arg9 : memref<!tpu.dma_semaphore, #tpu.memory_space<semaphore_mem>>) src(%dma_wait3A_168 : memref<32x768xf32, #tpu.memory_space<vmem>>) dst(%dma_wait3A_164 : memref<32x768xf32, #tpu.memory_space<hbm>>)
    %dma_start3A_169 = arith.constant 4 : i32
    %dma_start3A_170 = arith.constant 0 : i32
    %dma_start3A_171 = arith.constant 0 : i32
    %dma_start3A_172 = arith.constant 0 : i32
    %dma_start3A_173 = tpu.memref_slice %arg6[%dma_start3A_170, %dma_start3A_171, %dma_start3A_172] : memref<2x32x768xf32, #tpu.memory_space<vmem>> -> memref<1x32x768xf32, #tpu.memory_space<vmem>>
    %dma_start3A_174 = tpu.memref_squeeze %dma_start3A_173 : memref<1x32x768xf32, #tpu.memory_space<vmem>> -> memref<32x768xf32, #tpu.memory_space<vmem>>
    %dma_start3A_175 = arith.constant 0 : i32
    %dma_start3A_176 = tpu.memref_slice %arg5[%dma_start3A_169, %dma_start3A_175] : memref<8x32xi32, #tpu.memory_space<vmem>> -> memref<1x32xi32, #tpu.memory_space<vmem>>
    %dma_start3A_177 = tpu.memref_squeeze %dma_start3A_176 : memref<1x32xi32, #tpu.memory_space<vmem>> -> memref<32xi32, #tpu.memory_space<vmem>>
    %dma_start3A_178 = arith.constant 0 : i32
    %dma_start3A_179 = arith.constant 0 : i32
    %dma_start3A_180 = tpu.memref_slice %arg2[%dma_start3A_178, %dma_start3A_179] : memref<10240x768xf32, #tpu.memory_space<hbm>> -> memref<10240x768xf32, #tpu.memory_space<hbm>>
    tpu.enqueue_indirect_dma source(%dma_start3A_180 : memref<10240x768xf32, #tpu.memory_space<hbm>>) target(%dma_start3A_174 : memref<32x768xf32, #tpu.memory_space<vmem>>) offsets(%dma_start3A_177 : memref<32xi32, #tpu.memory_space<vmem>>) semaphore(%arg7 : memref<!tpu.dma_semaphore, #tpu.memory_space<semaphore_mem>>)
    %dma_wait3A_181 = arith.constant 3 : i32
    %dma_wait3A_182 = arith.constant 1 : i32
    %dma_wait3A_183 = arith.constant 0 : i32
    %dma_wait3A_184 = arith.constant 0 : i32
    %dma_wait3A_185 = tpu.memref_slice %arg6[%dma_wait3A_182, %dma_wait3A_183, %dma_wait3A_184] : memref<2x32x768xf32, #tpu.memory_space<vmem>> -> memref<1x32x768xf32, #tpu.memory_space<vmem>>
    %dma_wait3A_186 = tpu.memref_squeeze %dma_wait3A_185 : memref<1x32x768xf32, #tpu.memory_space<vmem>> -> memref<32x768xf32, #tpu.memory_space<vmem>>
    %dma_wait3A_187 = arith.constant 0 : i32
    %dma_wait3A_188 = tpu.memref_slice %arg5[%dma_wait3A_181, %dma_wait3A_187] : memref<8x32xi32, #tpu.memory_space<vmem>> -> memref<1x32xi32, #tpu.memory_space<vmem>>
    %dma_wait3A_189 = tpu.memref_squeeze %dma_wait3A_188 : memref<1x32xi32, #tpu.memory_space<vmem>> -> memref<32xi32, #tpu.memory_space<vmem>>
    %dma_wait3A_190 = arith.constant 0 : i32
    %dma_wait3A_191 = arith.constant 0 : i32
    %dma_wait3A_192 = tpu.memref_slice %arg2[%dma_wait3A_190, %dma_wait3A_191] : memref<10240x768xf32, #tpu.memory_space<hbm>> -> memref<10240x768xf32, #tpu.memory_space<hbm>>
    tpu.wait_indirect_dma semaphore(%arg8 : memref<!tpu.dma_semaphore, #tpu.memory_space<semaphore_mem>>) src(%dma_wait3A_192 : memref<10240x768xf32, #tpu.memory_space<hbm>>) dst(%dma_wait3A_186 : memref<32x768xf32, #tpu.memory_space<vmem>>)
    %add3A_193 = arith.constant 96 : i32
    %add3A_194 = arith.addi %mul3A_2, %add3A_193 : i32
    %dma_start3A_195 = arith.constant 1 : i32
    %dma_start3A_196 = arith.constant 0 : i32
    %dma_start3A_197 = arith.constant 0 : i32
    %dma_start3A_198 = tpu.memref_slice %arg6[%dma_start3A_195, %dma_start3A_196, %dma_start3A_197] : memref<2x32x768xf32, #tpu.memory_space<vmem>> -> memref<1x32x768xf32, #tpu.memory_space<vmem>>
    %dma_start3A_199 = tpu.memref_squeeze %dma_start3A_198 : memref<1x32x768xf32, #tpu.memory_space<vmem>> -> memref<32x768xf32, #tpu.memory_space<vmem>>
    %dma_start3A_200 = arith.constant 0 : i32
    %dma_start3A_201 = tpu.memref_slice %arg4[%add3A_194, %dma_start3A_200] : memref<8192x768xf32, #tpu.memory_space<hbm>> -> memref<32x768xf32, #tpu.memory_space<hbm>>
    %dma_start3A_202 = arith.constant 0 : i32
    %dma_start3A_203 = tpu.memref_slice %arg4[%add3A_194, %dma_start3A_202] : memref<8192x768xf32, #tpu.memory_space<hbm>> -> memref<32x768xf32, #tpu.memory_space<hbm>>
    %dma_start3A_204 = arith.constant 0 : i32
    %dma_start3A_205 = arith.constant 0 : i32
    %dma_start3A_206 = tpu.memref_slice %arg6[%dma_start3A_195, %dma_start3A_204, %dma_start3A_205] : memref<2x32x768xf32, #tpu.memory_space<vmem>> -> memref<1x32x768xf32, #tpu.memory_space<vmem>>
    %dma_start3A_207 = tpu.memref_squeeze %dma_start3A_206 : memref<1x32x768xf32, #tpu.memory_space<vmem>> -> memref<32x768xf32, #tpu.memory_space<vmem>>
    tpu.enqueue_dma source(%dma_start3A_207 : memref<32x768xf32, #tpu.memory_space<vmem>>) target(%dma_start3A_203 : memref<32x768xf32, #tpu.memory_space<hbm>>) target_semaphore(%arg10 : memref<!tpu.dma_semaphore, #tpu.memory_space<semaphore_mem>>)
    %dma_wait3A_208 = arith.constant 1 : i32
    %dma_wait3A_209 = arith.constant 0 : i32
    %dma_wait3A_210 = arith.constant 0 : i32
    %dma_wait3A_211 = tpu.memref_slice %arg6[%dma_wait3A_208, %dma_wait3A_209, %dma_wait3A_210] : memref<2x32x768xf32, #tpu.memory_space<vmem>> -> memref<1x32x768xf32, #tpu.memory_space<vmem>>
    %dma_wait3A_212 = tpu.memref_squeeze %dma_wait3A_211 : memref<1x32x768xf32, #tpu.memory_space<vmem>> -> memref<32x768xf32, #tpu.memory_space<vmem>>
    %dma_wait3A_213 = arith.constant 0 : i32
    %dma_wait3A_214 = tpu.memref_slice %arg4[%add3A_194, %dma_wait3A_213] : memref<8192x768xf32, #tpu.memory_space<hbm>> -> memref<32x768xf32, #tpu.memory_space<hbm>>
    %dma_wait3A_215 = arith.constant 0 : i32
    %dma_wait3A_216 = tpu.memref_slice %arg4[%add3A_194, %dma_wait3A_215] : memref<8192x768xf32, #tpu.memory_space<hbm>> -> memref<32x768xf32, #tpu.memory_space<hbm>>
    %dma_wait3A_217 = arith.constant 0 : i32
    %dma_wait3A_218 = arith.constant 0 : i32
    %dma_wait3A_219 = tpu.memref_slice %arg6[%dma_wait3A_208, %dma_wait3A_217, %dma_wait3A_218] : memref<2x32x768xf32, #tpu.memory_space<vmem>> -> memref<1x32x768xf32, #tpu.memory_space<vmem>>
    %dma_wait3A_220 = tpu.memref_squeeze %dma_wait3A_219 : memref<1x32x768xf32, #tpu.memory_space<vmem>> -> memref<32x768xf32, #tpu.memory_space<vmem>>
    tpu.wait_dma2 semaphore(%arg10 : memref<!tpu.dma_semaphore, #tpu.memory_space<semaphore_mem>>) src(%dma_wait3A_220 : memref<32x768xf32, #tpu.memory_space<vmem>>) dst(%dma_wait3A_216 : memref<32x768xf32, #tpu.memory_space<hbm>>)
    %dma_start3A_221 = arith.constant 5 : i32
    %dma_start3A_222 = arith.constant 1 : i32
    %dma_start3A_223 = arith.constant 0 : i32
    %dma_start3A_224 = arith.constant 0 : i32
    %dma_start3A_225 = tpu.memref_slice %arg6[%dma_start3A_222, %dma_start3A_223, %dma_start3A_224] : memref<2x32x768xf32, #tpu.memory_space<vmem>> -> memref<1x32x768xf32, #tpu.memory_space<vmem>>
    %dma_start3A_226 = tpu.memref_squeeze %dma_start3A_225 : memref<1x32x768xf32, #tpu.memory_space<vmem>> -> memref<32x768xf32, #tpu.memory_space<vmem>>
    %dma_start3A_227 = arith.constant 0 : i32
    %dma_start3A_228 = tpu.memref_slice %arg5[%dma_start3A_221, %dma_start3A_227] : memref<8x32xi32, #tpu.memory_space<vmem>> -> memref<1x32xi32, #tpu.memory_space<vmem>>
    %dma_start3A_229 = tpu.memref_squeeze %dma_start3A_228 : memref<1x32xi32, #tpu.memory_space<vmem>> -> memref<32xi32, #tpu.memory_space<vmem>>
    %dma_start3A_230 = arith.constant 0 : i32
    %dma_start3A_231 = arith.constant 0 : i32
    %dma_start3A_232 = tpu.memref_slice %arg2[%dma_start3A_230, %dma_start3A_231] : memref<10240x768xf32, #tpu.memory_space<hbm>> -> memref<10240x768xf32, #tpu.memory_space<hbm>>
    tpu.enqueue_indirect_dma source(%dma_start3A_232 : memref<10240x768xf32, #tpu.memory_space<hbm>>) target(%dma_start3A_226 : memref<32x768xf32, #tpu.memory_space<vmem>>) offsets(%dma_start3A_229 : memref<32xi32, #tpu.memory_space<vmem>>) semaphore(%arg8 : memref<!tpu.dma_semaphore, #tpu.memory_space<semaphore_mem>>)
    %dma_wait3A_233 = arith.constant 4 : i32
    %dma_wait3A_234 = arith.constant 0 : i32
    %dma_wait3A_235 = arith.constant 0 : i32
    %dma_wait3A_236 = arith.constant 0 : i32
    %dma_wait3A_237 = tpu.memref_slice %arg6[%dma_wait3A_234, %dma_wait3A_235, %dma_wait3A_236] : memref<2x32x768xf32, #tpu.memory_space<vmem>> -> memref<1x32x768xf32, #tpu.memory_space<vmem>>
    %dma_wait3A_238 = tpu.memref_squeeze %dma_wait3A_237 : memref<1x32x768xf32, #tpu.memory_space<vmem>> -> memref<32x768xf32, #tpu.memory_space<vmem>>
    %dma_wait3A_239 = arith.constant 0 : i32
    %dma_wait3A_240 = tpu.memref_slice %arg5[%dma_wait3A_233, %dma_wait3A_239] : memref<8x32xi32, #tpu.memory_space<vmem>> -> memref<1x32xi32, #tpu.memory_space<vmem>>
    %dma_wait3A_241 = tpu.memref_squeeze %dma_wait3A_240 : memref<1x32xi32, #tpu.memory_space<vmem>> -> memref<32xi32, #tpu.memory_space<vmem>>
    %dma_wait3A_242 = arith.constant 0 : i32
    %dma_wait3A_243 = arith.constant 0 : i32
    %dma_wait3A_244 = tpu.memref_slice %arg2[%dma_wait3A_242, %dma_wait3A_243] : memref<10240x768xf32, #tpu.memory_space<hbm>> -> memref<10240x768xf32, #tpu.memory_space<hbm>>
    tpu.wait_indirect_dma semaphore(%arg7 : memref<!tpu.dma_semaphore, #tpu.memory_space<semaphore_mem>>) src(%dma_wait3A_244 : memref<10240x768xf32, #tpu.memory_space<hbm>>) dst(%dma_wait3A_238 : memref<32x768xf32, #tpu.memory_space<vmem>>)
    %add3A_245 = arith.constant 128 : i32
    %add3A_246 = arith.addi %mul3A_2, %add3A_245 : i32
    %dma_start3A_247 = arith.constant 0 : i32
    %dma_start3A_248 = arith.constant 0 : i32
    %dma_start3A_249 = arith.constant 0 : i32
    %dma_start3A_250 = tpu.memref_slice %arg6[%dma_start3A_247, %dma_start3A_248, %dma_start3A_249] : memref<2x32x768xf32, #tpu.memory_space<vmem>> -> memref<1x32x768xf32, #tpu.memory_space<vmem>>
    %dma_start3A_251 = tpu.memref_squeeze %dma_start3A_250 : memref<1x32x768xf32, #tpu.memory_space<vmem>> -> memref<32x768xf32, #tpu.memory_space<vmem>>
    %dma_start3A_252 = arith.constant 0 : i32
    %dma_start3A_253 = tpu.memref_slice %arg4[%add3A_246, %dma_start3A_252] : memref<8192x768xf32, #tpu.memory_space<hbm>> -> memref<32x768xf32, #tpu.memory_space<hbm>>
    %dma_start3A_254 = arith.constant 0 : i32
    %dma_start3A_255 = tpu.memref_slice %arg4[%add3A_246, %dma_start3A_254] : memref<8192x768xf32, #tpu.memory_space<hbm>> -> memref<32x768xf32, #tpu.memory_space<hbm>>
    %dma_start3A_256 = arith.constant 0 : i32
    %dma_start3A_257 = arith.constant 0 : i32
    %dma_start3A_258 = tpu.memref_slice %arg6[%dma_start3A_247, %dma_start3A_256, %dma_start3A_257] : memref<2x32x768xf32, #tpu.memory_space<vmem>> -> memref<1x32x768xf32, #tpu.memory_space<vmem>>
    %dma_start3A_259 = tpu.memref_squeeze %dma_start3A_258 : memref<1x32x768xf32, #tpu.memory_space<vmem>> -> memref<32x768xf32, #tpu.memory_space<vmem>>
    tpu.enqueue_dma source(%dma_start3A_259 : memref<32x768xf32, #tpu.memory_space<vmem>>) target(%dma_start3A_255 : memref<32x768xf32, #tpu.memory_space<hbm>>) target_semaphore(%arg9 : memref<!tpu.dma_semaphore, #tpu.memory_space<semaphore_mem>>)
    %dma_wait3A_260 = arith.constant 0 : i32
    %dma_wait3A_261 = arith.constant 0 : i32
    %dma_wait3A_262 = arith.constant 0 : i32
    %dma_wait3A_263 = tpu.memref_slice %arg6[%dma_wait3A_260, %dma_wait3A_261, %dma_wait3A_262] : memref<2x32x768xf32, #tpu.memory_space<vmem>> -> memref<1x32x768xf32, #tpu.memory_space<vmem>>
    %dma_wait3A_264 = tpu.memref_squeeze %dma_wait3A_263 : memref<1x32x768xf32, #tpu.memory_space<vmem>> -> memref<32x768xf32, #tpu.memory_space<vmem>>
    %dma_wait3A_265 = arith.constant 0 : i32
    %dma_wait3A_266 = tpu.memref_slice %arg4[%add3A_246, %dma_wait3A_265] : memref<8192x768xf32, #tpu.memory_space<hbm>> -> memref<32x768xf32, #tpu.memory_space<hbm>>
    %dma_wait3A_267 = arith.constant 0 : i32
    %dma_wait3A_268 = tpu.memref_slice %arg4[%add3A_246, %dma_wait3A_267] : memref<8192x768xf32, #tpu.memory_space<hbm>> -> memref<32x768xf32, #tpu.memory_space<hbm>>
    %dma_wait3A_269 = arith.constant 0 : i32
    %dma_wait3A_270 = arith.constant 0 : i32
    %dma_wait3A_271 = tpu.memref_slice %arg6[%dma_wait3A_260, %dma_wait3A_269, %dma_wait3A_270] : memref<2x32x768xf32, #tpu.memory_space<vmem>> -> memref<1x32x768xf32, #tpu.memory_space<vmem>>
    %dma_wait3A_272 = tpu.memref_squeeze %dma_wait3A_271 : memref<1x32x768xf32, #tpu.memory_space<vmem>> -> memref<32x768xf32, #tpu.memory_space<vmem>>
    tpu.wait_dma2 semaphore(%arg9 : memref<!tpu.dma_semaphore, #tpu.memory_space<semaphore_mem>>) src(%dma_wait3A_272 : memref<32x768xf32, #tpu.memory_space<vmem>>) dst(%dma_wait3A_268 : memref<32x768xf32, #tpu.memory_space<hbm>>)
    %dma_start3A_273 = arith.constant 6 : i32
    %dma_start3A_274 = arith.constant 0 : i32
    %dma_start3A_275 = arith.constant 0 : i32
    %dma_start3A_276 = arith.constant 0 : i32
    %dma_start3A_277 = tpu.memref_slice %arg6[%dma_start3A_274, %dma_start3A_275, %dma_start3A_276] : memref<2x32x768xf32, #tpu.memory_space<vmem>> -> memref<1x32x768xf32, #tpu.memory_space<vmem>>
    %dma_start3A_278 = tpu.memref_squeeze %dma_start3A_277 : memref<1x32x768xf32, #tpu.memory_space<vmem>> -> memref<32x768xf32, #tpu.memory_space<vmem>>
    %dma_start3A_279 = arith.constant 0 : i32
    %dma_start3A_280 = tpu.memref_slice %arg5[%dma_start3A_273, %dma_start3A_279] : memref<8x32xi32, #tpu.memory_space<vmem>> -> memref<1x32xi32, #tpu.memory_space<vmem>>
    %dma_start3A_281 = tpu.memref_squeeze %dma_start3A_280 : memref<1x32xi32, #tpu.memory_space<vmem>> -> memref<32xi32, #tpu.memory_space<vmem>>
    %dma_start3A_282 = arith.constant 0 : i32
    %dma_start3A_283 = arith.constant 0 : i32
    %dma_start3A_284 = tpu.memref_slice %arg2[%dma_start3A_282, %dma_start3A_283] : memref<10240x768xf32, #tpu.memory_space<hbm>> -> memref<10240x768xf32, #tpu.memory_space<hbm>>
    tpu.enqueue_indirect_dma source(%dma_start3A_284 : memref<10240x768xf32, #tpu.memory_space<hbm>>) target(%dma_start3A_278 : memref<32x768xf32, #tpu.memory_space<vmem>>) offsets(%dma_start3A_281 : memref<32xi32, #tpu.memory_space<vmem>>) semaphore(%arg7 : memref<!tpu.dma_semaphore, #tpu.memory_space<semaphore_mem>>)
    %dma_wait3A_285 = arith.constant 5 : i32
    %dma_wait3A_286 = arith.constant 1 : i32
    %dma_wait3A_287 = arith.constant 0 : i32
    %dma_wait3A_288 = arith.constant 0 : i32
    %dma_wait3A_289 = tpu.memref_slice %arg6[%dma_wait3A_286, %dma_wait3A_287, %dma_wait3A_288] : memref<2x32x768xf32, #tpu.memory_space<vmem>> -> memref<1x32x768xf32, #tpu.memory_space<vmem>>
    %dma_wait3A_290 = tpu.memref_squeeze %dma_wait3A_289 : memref<1x32x768xf32, #tpu.memory_space<vmem>> -> memref<32x768xf32, #tpu.memory_space<vmem>>
    %dma_wait3A_291 = arith.constant 0 : i32
    %dma_wait3A_292 = tpu.memref_slice %arg5[%dma_wait3A_285, %dma_wait3A_291] : memref<8x32xi32, #tpu.memory_space<vmem>> -> memref<1x32xi32, #tpu.memory_space<vmem>>
    %dma_wait3A_293 = tpu.memref_squeeze %dma_wait3A_292 : memref<1x32xi32, #tpu.memory_space<vmem>> -> memref<32xi32, #tpu.memory_space<vmem>>
    %dma_wait3A_294 = arith.constant 0 : i32
    %dma_wait3A_295 = arith.constant 0 : i32
    %dma_wait3A_296 = tpu.memref_slice %arg2[%dma_wait3A_294, %dma_wait3A_295] : memref<10240x768xf32, #tpu.memory_space<hbm>> -> memref<10240x768xf32, #tpu.memory_space<hbm>>
    tpu.wait_indirect_dma semaphore(%arg8 : memref<!tpu.dma_semaphore, #tpu.memory_space<semaphore_mem>>) src(%dma_wait3A_296 : memref<10240x768xf32, #tpu.memory_space<hbm>>) dst(%dma_wait3A_290 : memref<32x768xf32, #tpu.memory_space<vmem>>)
    %add3A_297 = arith.constant 160 : i32
    %add3A_298 = arith.addi %mul3A_2, %add3A_297 : i32
    %dma_start3A_299 = arith.constant 1 : i32
    %dma_start3A_300 = arith.constant 0 : i32
    %dma_start3A_301 = arith.constant 0 : i32
    %dma_start3A_302 = tpu.memref_slice %arg6[%dma_start3A_299, %dma_start3A_300, %dma_start3A_301] : memref<2x32x768xf32, #tpu.memory_space<vmem>> -> memref<1x32x768xf32, #tpu.memory_space<vmem>>
    %dma_start3A_303 = tpu.memref_squeeze %dma_start3A_302 : memref<1x32x768xf32, #tpu.memory_space<vmem>> -> memref<32x768xf32, #tpu.memory_space<vmem>>
    %dma_start3A_304 = arith.constant 0 : i32
    %dma_start3A_305 = tpu.memref_slice %arg4[%add3A_298, %dma_start3A_304] : memref<8192x768xf32, #tpu.memory_space<hbm>> -> memref<32x768xf32, #tpu.memory_space<hbm>>
    %dma_start3A_306 = arith.constant 0 : i32
    %dma_start3A_307 = tpu.memref_slice %arg4[%add3A_298, %dma_start3A_306] : memref<8192x768xf32, #tpu.memory_space<hbm>> -> memref<32x768xf32, #tpu.memory_space<hbm>>
    %dma_start3A_308 = arith.constant 0 : i32
    %dma_start3A_309 = arith.constant 0 : i32
    %dma_start3A_310 = tpu.memref_slice %arg6[%dma_start3A_299, %dma_start3A_308, %dma_start3A_309] : memref<2x32x768xf32, #tpu.memory_space<vmem>> -> memref<1x32x768xf32, #tpu.memory_space<vmem>>
    %dma_start3A_311 = tpu.memref_squeeze %dma_start3A_310 : memref<1x32x768xf32, #tpu.memory_space<vmem>> -> memref<32x768xf32, #tpu.memory_space<vmem>>
    tpu.enqueue_dma source(%dma_start3A_311 : memref<32x768xf32, #tpu.memory_space<vmem>>) target(%dma_start3A_307 : memref<32x768xf32, #tpu.memory_space<hbm>>) target_semaphore(%arg10 : memref<!tpu.dma_semaphore, #tpu.memory_space<semaphore_mem>>)
    %dma_wait3A_312 = arith.constant 1 : i32
    %dma_wait3A_313 = arith.constant 0 : i32
    %dma_wait3A_314 = arith.constant 0 : i32
    %dma_wait3A_315 = tpu.memref_slice %arg6[%dma_wait3A_312, %dma_wait3A_313, %dma_wait3A_314] : memref<2x32x768xf32, #tpu.memory_space<vmem>> -> memref<1x32x768xf32, #tpu.memory_space<vmem>>
    %dma_wait3A_316 = tpu.memref_squeeze %dma_wait3A_315 : memref<1x32x768xf32, #tpu.memory_space<vmem>> -> memref<32x768xf32, #tpu.memory_space<vmem>>
    %dma_wait3A_317 = arith.constant 0 : i32
    %dma_wait3A_318 = tpu.memref_slice %arg4[%add3A_298, %dma_wait3A_317] : memref<8192x768xf32, #tpu.memory_space<hbm>> -> memref<32x768xf32, #tpu.memory_space<hbm>>
    %dma_wait3A_319 = arith.constant 0 : i32
    %dma_wait3A_320 = tpu.memref_slice %arg4[%add3A_298, %dma_wait3A_319] : memref<8192x768xf32, #tpu.memory_space<hbm>> -> memref<32x768xf32, #tpu.memory_space<hbm>>
    %dma_wait3A_321 = arith.constant 0 : i32
    %dma_wait3A_322 = arith.constant 0 : i32
    %dma_wait3A_323 = tpu.memref_slice %arg6[%dma_wait3A_312, %dma_wait3A_321, %dma_wait3A_322] : memref<2x32x768xf32, #tpu.memory_space<vmem>> -> memref<1x32x768xf32, #tpu.memory_space<vmem>>
    %dma_wait3A_324 = tpu.memref_squeeze %dma_wait3A_323 : memref<1x32x768xf32, #tpu.memory_space<vmem>> -> memref<32x768xf32, #tpu.memory_space<vmem>>
    tpu.wait_dma2 semaphore(%arg10 : memref<!tpu.dma_semaphore, #tpu.memory_space<semaphore_mem>>) src(%dma_wait3A_324 : memref<32x768xf32, #tpu.memory_space<vmem>>) dst(%dma_wait3A_320 : memref<32x768xf32, #tpu.memory_space<hbm>>)
    %dma_start3A_325 = arith.constant 7 : i32
    %dma_start3A_326 = arith.constant 1 : i32
    %dma_start3A_327 = arith.constant 0 : i32
    %dma_start3A_328 = arith.constant 0 : i32
    %dma_start3A_329 = tpu.memref_slice %arg6[%dma_start3A_326, %dma_start3A_327, %dma_start3A_328] : memref<2x32x768xf32, #tpu.memory_space<vmem>> -> memref<1x32x768xf32, #tpu.memory_space<vmem>>
    %dma_start3A_330 = tpu.memref_squeeze %dma_start3A_329 : memref<1x32x768xf32, #tpu.memory_space<vmem>> -> memref<32x768xf32, #tpu.memory_space<vmem>>
    %dma_start3A_331 = arith.constant 0 : i32
    %dma_start3A_332 = tpu.memref_slice %arg5[%dma_start3A_325, %dma_start3A_331] : memref<8x32xi32, #tpu.memory_space<vmem>> -> memref<1x32xi32, #tpu.memory_space<vmem>>
    %dma_start3A_333 = tpu.memref_squeeze %dma_start3A_332 : memref<1x32xi32, #tpu.memory_space<vmem>> -> memref<32xi32, #tpu.memory_space<vmem>>
    %dma_start3A_334 = arith.constant 0 : i32
    %dma_start3A_335 = arith.constant 0 : i32
    %dma_start3A_336 = tpu.memref_slice %arg2[%dma_start3A_334, %dma_start3A_335] : memref<10240x768xf32, #tpu.memory_space<hbm>> -> memref<10240x768xf32, #tpu.memory_space<hbm>>
    tpu.enqueue_indirect_dma source(%dma_start3A_336 : memref<10240x768xf32, #tpu.memory_space<hbm>>) target(%dma_start3A_330 : memref<32x768xf32, #tpu.memory_space<vmem>>) offsets(%dma_start3A_333 : memref<32xi32, #tpu.memory_space<vmem>>) semaphore(%arg8 : memref<!tpu.dma_semaphore, #tpu.memory_space<semaphore_mem>>)
    %dma_wait3A_337 = arith.constant 6 : i32
    %dma_wait3A_338 = arith.constant 0 : i32
    %dma_wait3A_339 = arith.constant 0 : i32
    %dma_wait3A_340 = arith.constant 0 : i32
    %dma_wait3A_341 = tpu.memref_slice %arg6[%dma_wait3A_338, %dma_wait3A_339, %dma_wait3A_340] : memref<2x32x768xf32, #tpu.memory_space<vmem>> -> memref<1x32x768xf32, #tpu.memory_space<vmem>>
    %dma_wait3A_342 = tpu.memref_squeeze %dma_wait3A_341 : memref<1x32x768xf32, #tpu.memory_space<vmem>> -> memref<32x768xf32, #tpu.memory_space<vmem>>
    %dma_wait3A_343 = arith.constant 0 : i32
    %dma_wait3A_344 = tpu.memref_slice %arg5[%dma_wait3A_337, %dma_wait3A_343] : memref<8x32xi32, #tpu.memory_space<vmem>> -> memref<1x32xi32, #tpu.memory_space<vmem>>
    %dma_wait3A_345 = tpu.memref_squeeze %dma_wait3A_344 : memref<1x32xi32, #tpu.memory_space<vmem>> -> memref<32xi32, #tpu.memory_space<vmem>>
    %dma_wait3A_346 = arith.constant 0 : i32
    %dma_wait3A_347 = arith.constant 0 : i32
    %dma_wait3A_348 = tpu.memref_slice %arg2[%dma_wait3A_346, %dma_wait3A_347] : memref<10240x768xf32, #tpu.memory_space<hbm>> -> memref<10240x768xf32, #tpu.memory_space<hbm>>
    tpu.wait_indirect_dma semaphore(%arg7 : memref<!tpu.dma_semaphore, #tpu.memory_space<semaphore_mem>>) src(%dma_wait3A_348 : memref<10240x768xf32, #tpu.memory_space<hbm>>) dst(%dma_wait3A_342 : memref<32x768xf32, #tpu.memory_space<vmem>>)
    %add3A_349 = arith.constant 192 : i32
    %add3A_350 = arith.addi %mul3A_2, %add3A_349 : i32
    %dma_start3A_351 = arith.constant 0 : i32
    %dma_start3A_352 = arith.constant 0 : i32
    %dma_start3A_353 = arith.constant 0 : i32
    %dma_start3A_354 = tpu.memref_slice %arg6[%dma_start3A_351, %dma_start3A_352, %dma_start3A_353] : memref<2x32x768xf32, #tpu.memory_space<vmem>> -> memref<1x32x768xf32, #tpu.memory_space<vmem>>
    %dma_start3A_355 = tpu.memref_squeeze %dma_start3A_354 : memref<1x32x768xf32, #tpu.memory_space<vmem>> -> memref<32x768xf32, #tpu.memory_space<vmem>>
    %dma_start3A_356 = arith.constant 0 : i32
    %dma_start3A_357 = tpu.memref_slice %arg4[%add3A_350, %dma_start3A_356] : memref<8192x768xf32, #tpu.memory_space<hbm>> -> memref<32x768xf32, #tpu.memory_space<hbm>>
    %dma_start3A_358 = arith.constant 0 : i32
    %dma_start3A_359 = tpu.memref_slice %arg4[%add3A_350, %dma_start3A_358] : memref<8192x768xf32, #tpu.memory_space<hbm>> -> memref<32x768xf32, #tpu.memory_space<hbm>>
    %dma_start3A_360 = arith.constant 0 : i32
    %dma_start3A_361 = arith.constant 0 : i32
    %dma_start3A_362 = tpu.memref_slice %arg6[%dma_start3A_351, %dma_start3A_360, %dma_start3A_361] : memref<2x32x768xf32, #tpu.memory_space<vmem>> -> memref<1x32x768xf32, #tpu.memory_space<vmem>>
    %dma_start3A_363 = tpu.memref_squeeze %dma_start3A_362 : memref<1x32x768xf32, #tpu.memory_space<vmem>> -> memref<32x768xf32, #tpu.memory_space<vmem>>
    tpu.enqueue_dma source(%dma_start3A_363 : memref<32x768xf32, #tpu.memory_space<vmem>>) target(%dma_start3A_359 : memref<32x768xf32, #tpu.memory_space<hbm>>) target_semaphore(%arg9 : memref<!tpu.dma_semaphore, #tpu.memory_space<semaphore_mem>>)
    %dma_wait3A_364 = arith.constant 7 : i32
    %dma_wait3A_365 = arith.constant 1 : i32
    %dma_wait3A_366 = arith.constant 0 : i32
    %dma_wait3A_367 = arith.constant 0 : i32
    %dma_wait3A_368 = tpu.memref_slice %arg6[%dma_wait3A_365, %dma_wait3A_366, %dma_wait3A_367] : memref<2x32x768xf32, #tpu.memory_space<vmem>> -> memref<1x32x768xf32, #tpu.memory_space<vmem>>
    %dma_wait3A_369 = tpu.memref_squeeze %dma_wait3A_368 : memref<1x32x768xf32, #tpu.memory_space<vmem>> -> memref<32x768xf32, #tpu.memory_space<vmem>>
    %dma_wait3A_370 = arith.constant 0 : i32
    %dma_wait3A_371 = tpu.memref_slice %arg5[%dma_wait3A_364, %dma_wait3A_370] : memref<8x32xi32, #tpu.memory_space<vmem>> -> memref<1x32xi32, #tpu.memory_space<vmem>>
    %dma_wait3A_372 = tpu.memref_squeeze %dma_wait3A_371 : memref<1x32xi32, #tpu.memory_space<vmem>> -> memref<32xi32, #tpu.memory_space<vmem>>
    %dma_wait3A_373 = arith.constant 0 : i32
    %dma_wait3A_374 = arith.constant 0 : i32
    %dma_wait3A_375 = tpu.memref_slice %arg2[%dma_wait3A_373, %dma_wait3A_374] : memref<10240x768xf32, #tpu.memory_space<hbm>> -> memref<10240x768xf32, #tpu.memory_space<hbm>>
    tpu.wait_indirect_dma semaphore(%arg8 : memref<!tpu.dma_semaphore, #tpu.memory_space<semaphore_mem>>) src(%dma_wait3A_375 : memref<10240x768xf32, #tpu.memory_space<hbm>>) dst(%dma_wait3A_369 : memref<32x768xf32, #tpu.memory_space<vmem>>)
    %add3A_376 = arith.constant 224 : i32
    %add3A_377 = arith.addi %mul3A_2, %add3A_376 : i32
    %dma_start3A_378 = arith.constant 1 : i32
    %dma_start3A_379 = arith.constant 0 : i32
    %dma_start3A_380 = arith.constant 0 : i32
    %dma_start3A_381 = tpu.memref_slice %arg6[%dma_start3A_378, %dma_start3A_379, %dma_start3A_380] : memref<2x32x768xf32, #tpu.memory_space<vmem>> -> memref<1x32x768xf32, #tpu.memory_space<vmem>>
    %dma_start3A_382 = tpu.memref_squeeze %dma_start3A_381 : memref<1x32x768xf32, #tpu.memory_space<vmem>> -> memref<32x768xf32, #tpu.memory_space<vmem>>
    %dma_start3A_383 = arith.constant 0 : i32
    %dma_start3A_384 = tpu.memref_slice %arg4[%add3A_377, %dma_start3A_383] : memref<8192x768xf32, #tpu.memory_space<hbm>> -> memref<32x768xf32, #tpu.memory_space<hbm>>
    %dma_start3A_385 = arith.constant 0 : i32
    %dma_start3A_386 = tpu.memref_slice %arg4[%add3A_377, %dma_start3A_385] : memref<8192x768xf32, #tpu.memory_space<hbm>> -> memref<32x768xf32, #tpu.memory_space<hbm>>
    %dma_start3A_387 = arith.constant 0 : i32
    %dma_start3A_388 = arith.constant 0 : i32
    %dma_start3A_389 = tpu.memref_slice %arg6[%dma_start3A_378, %dma_start3A_387, %dma_start3A_388] : memref<2x32x768xf32, #tpu.memory_space<vmem>> -> memref<1x32x768xf32, #tpu.memory_space<vmem>>
    %dma_start3A_390 = tpu.memref_squeeze %dma_start3A_389 : memref<1x32x768xf32, #tpu.memory_space<vmem>> -> memref<32x768xf32, #tpu.memory_space<vmem>>
    tpu.enqueue_dma source(%dma_start3A_390 : memref<32x768xf32, #tpu.memory_space<vmem>>) target(%dma_start3A_386 : memref<32x768xf32, #tpu.memory_space<hbm>>) target_semaphore(%arg10 : memref<!tpu.dma_semaphore, #tpu.memory_space<semaphore_mem>>)
    %dma_wait3A_391 = arith.constant 0 : i32
    %dma_wait3A_392 = arith.constant 0 : i32
    %dma_wait3A_393 = arith.constant 0 : i32
    %dma_wait3A_394 = tpu.memref_slice %arg6[%dma_wait3A_391, %dma_wait3A_392, %dma_wait3A_393] : memref<2x32x768xf32, #tpu.memory_space<vmem>> -> memref<1x32x768xf32, #tpu.memory_space<vmem>>
    %dma_wait3A_395 = tpu.memref_squeeze %dma_wait3A_394 : memref<1x32x768xf32, #tpu.memory_space<vmem>> -> memref<32x768xf32, #tpu.memory_space<vmem>>
    %dma_wait3A_396 = arith.constant 0 : i32
    %dma_wait3A_397 = tpu.memref_slice %arg4[%add3A_350, %dma_wait3A_396] : memref<8192x768xf32, #tpu.memory_space<hbm>> -> memref<32x768xf32, #tpu.memory_space<hbm>>
    %dma_wait3A_398 = arith.constant 0 : i32
    %dma_wait3A_399 = tpu.memref_slice %arg4[%add3A_350, %dma_wait3A_398] : memref<8192x768xf32, #tpu.memory_space<hbm>> -> memref<32x768xf32, #tpu.memory_space<hbm>>
    %dma_wait3A_400 = arith.constant 0 : i32
    %dma_wait3A_401 = arith.constant 0 : i32
    %dma_wait3A_402 = tpu.memref_slice %arg6[%dma_wait3A_391, %dma_wait3A_400, %dma_wait3A_401] : memref<2x32x768xf32, #tpu.memory_space<vmem>> -> memref<1x32x768xf32, #tpu.memory_space<vmem>>
    %dma_wait3A_403 = tpu.memref_squeeze %dma_wait3A_402 : memref<1x32x768xf32, #tpu.memory_space<vmem>> -> memref<32x768xf32, #tpu.memory_space<vmem>>
    tpu.wait_dma2 semaphore(%arg9 : memref<!tpu.dma_semaphore, #tpu.memory_space<semaphore_mem>>) src(%dma_wait3A_403 : memref<32x768xf32, #tpu.memory_space<vmem>>) dst(%dma_wait3A_399 : memref<32x768xf32, #tpu.memory_space<hbm>>)
    %dma_wait3A_404 = arith.constant 1 : i32
    %dma_wait3A_405 = arith.constant 0 : i32
    %dma_wait3A_406 = arith.constant 0 : i32
    %dma_wait3A_407 = tpu.memref_slice %arg6[%dma_wait3A_404, %dma_wait3A_405, %dma_wait3A_406] : memref<2x32x768xf32, #tpu.memory_space<vmem>> -> memref<1x32x768xf32, #tpu.memory_space<vmem>>
    %dma_wait3A_408 = tpu.memref_squeeze %dma_wait3A_407 : memref<1x32x768xf32, #tpu.memory_space<vmem>> -> memref<32x768xf32, #tpu.memory_space<vmem>>
    %dma_wait3A_409 = arith.constant 0 : i32
    %dma_wait3A_410 = tpu.memref_slice %arg4[%add3A_377, %dma_wait3A_409] : memref<8192x768xf32, #tpu.memory_space<hbm>> -> memref<32x768xf32, #tpu.memory_space<hbm>>
    %dma_wait3A_411 = arith.constant 0 : i32
    %dma_wait3A_412 = tpu.memref_slice %arg4[%add3A_377, %dma_wait3A_411] : memref<8192x768xf32, #tpu.memory_space<hbm>> -> memref<32x768xf32, #tpu.memory_space<hbm>>
    %dma_wait3A_413 = arith.constant 0 : i32
    %dma_wait3A_414 = arith.constant 0 : i32
    %dma_wait3A_415 = tpu.memref_slice %arg6[%dma_wait3A_404, %dma_wait3A_413, %dma_wait3A_414] : memref<2x32x768xf32, #tpu.memory_space<vmem>> -> memref<1x32x768xf32, #tpu.memory_space<vmem>>
    %dma_wait3A_416 = tpu.memref_squeeze %dma_wait3A_415 : memref<1x32x768xf32, #tpu.memory_space<vmem>> -> memref<32x768xf32, #tpu.memory_space<vmem>>
    tpu.wait_dma2 semaphore(%arg10 : memref<!tpu.dma_semaphore, #tpu.memory_space<semaphore_mem>>) src(%dma_wait3A_416 : memref<32x768xf32, #tpu.memory_space<vmem>>) dst(%dma_wait3A_412 : memref<32x768xf32, #tpu.memory_space<hbm>>)
    return
  }
}

#map = affine_map<(d0, d1) -> (0, 0)>
#map1 = affine_map<(d0, d1) -> (0, 0, 0)>
module attributes {stable_mosaic.version = 14 : i64} {
  func.func @k(%arg0: i32, %arg1: i32, %arg2: memref<4096x768xf32, #tpu.memory_space<hbm>>, %arg3: memref<32x8x32xi32, #tpu.memory_space<hbm>>, %arg4: memref<10400x768xf32, #tpu.memory_space<hbm>>, %arg5: memref<8x32xi32, #tpu.memory_space<vmem>>, %arg6: memref<2x32x768xf32, #tpu.memory_space<vmem>>, %arg7: memref<!tpu.dma_semaphore, #tpu.memory_space<semaphore_mem>>, %arg8: memref<!tpu.dma_semaphore, #tpu.memory_space<semaphore_mem>>, %arg9: memref<!tpu.dma_semaphore, #tpu.memory_space<semaphore_mem>>, %arg10: memref<!tpu.dma_semaphore, #tpu.memory_space<semaphore_mem>>) attributes {dimension_semantics = [#tpu.dimension_semantics<core_parallel>, #tpu.dimension_semantics<subcore_parallel>], iteration_bounds = array<i64: 2, 16>, scalar_prefetch = 0 : i64, scratch_operands = 6 : i64, tpu.core_type = #tpu.core_type<sc_vector_subcore>, window_params = [{transform_indices = #map}, {transform_indices = #map1}, {transform_indices = #map}]} {
    %mul3A = arith.constant 2 : i32
    %mul3A_0 = arith.muli %arg1, %mul3A : i32
    %add3A = arith.addi %mul3A_0, %arg0 : i32
    %mul3A_1 = arith.constant 128 : i32
    %mul3A_2 = arith.muli %add3A, %mul3A_1 : i32
    "tpu.region"() ({
      %run_scoped3A = tpu.sem_alloc : memref<!tpu.dma_semaphore, #tpu.memory_space<semaphore_mem>>
      %dma_start3A_305 = arith.constant 0 : i32
      %dma_start3A_306 = arith.constant 0 : i32
      %dma_start3A_307 = tpu.memref_slice %arg3[%add3A, %dma_start3A_305, %dma_start3A_306] : memref<32x8x32xi32, #tpu.memory_space<hbm>> -> memref<1x8x32xi32, #tpu.memory_space<hbm>>
      %dma_start3A_308 = tpu.memref_squeeze %dma_start3A_307 : memref<1x8x32xi32, #tpu.memory_space<hbm>> -> memref<8x32xi32, #tpu.memory_space<hbm>>
      %dma_start3A_309 = arith.constant 0 : i32
      %dma_start3A_310 = arith.constant 0 : i32
      %dma_start3A_311 = tpu.memref_slice %arg3[%add3A, %dma_start3A_309, %dma_start3A_310] : memref<32x8x32xi32, #tpu.memory_space<hbm>> -> memref<1x8x32xi32, #tpu.memory_space<hbm>>
      %dma_start3A_312 = tpu.memref_squeeze %dma_start3A_311 : memref<1x8x32xi32, #tpu.memory_space<hbm>> -> memref<8x32xi32, #tpu.memory_space<hbm>>
      tpu.enqueue_dma source(%dma_start3A_312 : memref<8x32xi32, #tpu.memory_space<hbm>>) target(%arg5 : memref<8x32xi32, #tpu.memory_space<vmem>>) target_semaphore(%run_scoped3A : memref<!tpu.dma_semaphore, #tpu.memory_space<semaphore_mem>>)
      %dma_wait3A_313 = arith.constant 0 : i32
      %dma_wait3A_314 = arith.constant 0 : i32
      %dma_wait3A_315 = tpu.memref_slice %arg3[%add3A, %dma_wait3A_313, %dma_wait3A_314] : memref<32x8x32xi32, #tpu.memory_space<hbm>> -> memref<1x8x32xi32, #tpu.memory_space<hbm>>
      %dma_wait3A_316 = tpu.memref_squeeze %dma_wait3A_315 : memref<1x8x32xi32, #tpu.memory_space<hbm>> -> memref<8x32xi32, #tpu.memory_space<hbm>>
      %dma_wait3A_317 = arith.constant 0 : i32
      %dma_wait3A_318 = arith.constant 0 : i32
      %dma_wait3A_319 = tpu.memref_slice %arg3[%add3A, %dma_wait3A_317, %dma_wait3A_318] : memref<32x8x32xi32, #tpu.memory_space<hbm>> -> memref<1x8x32xi32, #tpu.memory_space<hbm>>
      %dma_wait3A_320 = tpu.memref_squeeze %dma_wait3A_319 : memref<1x8x32xi32, #tpu.memory_space<hbm>> -> memref<8x32xi32, #tpu.memory_space<hbm>>
      tpu.wait_dma2 semaphore(%run_scoped3A : memref<!tpu.dma_semaphore, #tpu.memory_space<semaphore_mem>>) src(%dma_wait3A_320 : memref<8x32xi32, #tpu.memory_space<hbm>>) dst(%arg5 : memref<8x32xi32, #tpu.memory_space<vmem>>)
      tpu.yield
    }) : () -> ()
    %add3A_3 = arith.constant 0 : i32
    %add3A_4 = arith.addi %mul3A_2, %add3A_3 : i32
    %dma_start3A = arith.constant 0 : i32
    %dma_start3A_5 = arith.constant 0 : i32
    %dma_start3A_6 = arith.constant 0 : i32
    %dma_start3A_7 = tpu.memref_slice %arg6[%dma_start3A, %dma_start3A_5, %dma_start3A_6] : memref<2x32x768xf32, #tpu.memory_space<vmem>> -> memref<1x32x768xf32, #tpu.memory_space<vmem>>
    %dma_start3A_8 = tpu.memref_squeeze %dma_start3A_7 : memref<1x32x768xf32, #tpu.memory_space<vmem>> -> memref<32x768xf32, #tpu.memory_space<vmem>>
    %dma_start3A_9 = arith.constant 0 : i32
    %dma_start3A_10 = tpu.memref_slice %arg2[%add3A_4, %dma_start3A_9] : memref<4096x768xf32, #tpu.memory_space<hbm>> -> memref<32x768xf32, #tpu.memory_space<hbm>>
    %dma_start3A_11 = arith.constant 0 : i32
    %dma_start3A_12 = arith.constant 0 : i32
    %dma_start3A_13 = tpu.memref_slice %arg6[%dma_start3A, %dma_start3A_11, %dma_start3A_12] : memref<2x32x768xf32, #tpu.memory_space<vmem>> -> memref<1x32x768xf32, #tpu.memory_space<vmem>>
    %dma_start3A_14 = tpu.memref_squeeze %dma_start3A_13 : memref<1x32x768xf32, #tpu.memory_space<vmem>> -> memref<32x768xf32, #tpu.memory_space<vmem>>
    %dma_start3A_15 = arith.constant 0 : i32
    %dma_start3A_16 = tpu.memref_slice %arg2[%add3A_4, %dma_start3A_15] : memref<4096x768xf32, #tpu.memory_space<hbm>> -> memref<32x768xf32, #tpu.memory_space<hbm>>
    tpu.enqueue_dma source(%dma_start3A_16 : memref<32x768xf32, #tpu.memory_space<hbm>>) target(%dma_start3A_14 : memref<32x768xf32, #tpu.memory_space<vmem>>) target_semaphore(%arg7 : memref<!tpu.dma_semaphore, #tpu.memory_space<semaphore_mem>>)
    %add3A_17 = arith.constant 32 : i32
    %add3A_18 = arith.addi %mul3A_2, %add3A_17 : i32
    %dma_start3A_19 = arith.constant 1 : i32
    %dma_start3A_20 = arith.constant 0 : i32
    %dma_start3A_21 = arith.constant 0 : i32
    %dma_start3A_22 = tpu.memref_slice %arg6[%dma_start3A_19, %dma_start3A_20, %dma_start3A_21] : memref<2x32x768xf32, #tpu.memory_space<vmem>> -> memref<1x32x768xf32, #tpu.memory_space<vmem>>
    %dma_start3A_23 = tpu.memref_squeeze %dma_start3A_22 : memref<1x32x768xf32, #tpu.memory_space<vmem>> -> memref<32x768xf32, #tpu.memory_space<vmem>>
    %dma_start3A_24 = arith.constant 0 : i32
    %dma_start3A_25 = tpu.memref_slice %arg2[%add3A_18, %dma_start3A_24] : memref<4096x768xf32, #tpu.memory_space<hbm>> -> memref<32x768xf32, #tpu.memory_space<hbm>>
    %dma_start3A_26 = arith.constant 0 : i32
    %dma_start3A_27 = arith.constant 0 : i32
    %dma_start3A_28 = tpu.memref_slice %arg6[%dma_start3A_19, %dma_start3A_26, %dma_start3A_27] : memref<2x32x768xf32, #tpu.memory_space<vmem>> -> memref<1x32x768xf32, #tpu.memory_space<vmem>>
    %dma_start3A_29 = tpu.memref_squeeze %dma_start3A_28 : memref<1x32x768xf32, #tpu.memory_space<vmem>> -> memref<32x768xf32, #tpu.memory_space<vmem>>
    %dma_start3A_30 = arith.constant 0 : i32
    %dma_start3A_31 = tpu.memref_slice %arg2[%add3A_18, %dma_start3A_30] : memref<4096x768xf32, #tpu.memory_space<hbm>> -> memref<32x768xf32, #tpu.memory_space<hbm>>
    tpu.enqueue_dma source(%dma_start3A_31 : memref<32x768xf32, #tpu.memory_space<hbm>>) target(%dma_start3A_29 : memref<32x768xf32, #tpu.memory_space<vmem>>) target_semaphore(%arg8 : memref<!tpu.dma_semaphore, #tpu.memory_space<semaphore_mem>>)
    %dma_wait3A = arith.constant 0 : i32
    %dma_wait3A_32 = arith.constant 0 : i32
    %dma_wait3A_33 = arith.constant 0 : i32
    %dma_wait3A_34 = tpu.memref_slice %arg6[%dma_wait3A, %dma_wait3A_32, %dma_wait3A_33] : memref<2x32x768xf32, #tpu.memory_space<vmem>> -> memref<1x32x768xf32, #tpu.memory_space<vmem>>
    %dma_wait3A_35 = tpu.memref_squeeze %dma_wait3A_34 : memref<1x32x768xf32, #tpu.memory_space<vmem>> -> memref<32x768xf32, #tpu.memory_space<vmem>>
    %dma_wait3A_36 = arith.constant 0 : i32
    %dma_wait3A_37 = tpu.memref_slice %arg2[%add3A_4, %dma_wait3A_36] : memref<4096x768xf32, #tpu.memory_space<hbm>> -> memref<32x768xf32, #tpu.memory_space<hbm>>
    %dma_wait3A_38 = arith.constant 0 : i32
    %dma_wait3A_39 = arith.constant 0 : i32
    %dma_wait3A_40 = tpu.memref_slice %arg6[%dma_wait3A, %dma_wait3A_38, %dma_wait3A_39] : memref<2x32x768xf32, #tpu.memory_space<vmem>> -> memref<1x32x768xf32, #tpu.memory_space<vmem>>
    %dma_wait3A_41 = tpu.memref_squeeze %dma_wait3A_40 : memref<1x32x768xf32, #tpu.memory_space<vmem>> -> memref<32x768xf32, #tpu.memory_space<vmem>>
    %dma_wait3A_42 = arith.constant 0 : i32
    %dma_wait3A_43 = tpu.memref_slice %arg2[%add3A_4, %dma_wait3A_42] : memref<4096x768xf32, #tpu.memory_space<hbm>> -> memref<32x768xf32, #tpu.memory_space<hbm>>
    tpu.wait_dma2 semaphore(%arg7 : memref<!tpu.dma_semaphore, #tpu.memory_space<semaphore_mem>>) src(%dma_wait3A_43 : memref<32x768xf32, #tpu.memory_space<hbm>>) dst(%dma_wait3A_41 : memref<32x768xf32, #tpu.memory_space<vmem>>)
    %dma_start3A_44 = arith.constant 0 : i32
    %dma_start3A_45 = arith.constant 0 : i32
    %dma_start3A_46 = arith.constant 0 : i32
    %dma_start3A_47 = arith.constant 0 : i32
    %dma_start3A_48 = tpu.memref_slice %arg6[%dma_start3A_44, %dma_start3A_46, %dma_start3A_47] : memref<2x32x768xf32, #tpu.memory_space<vmem>> -> memref<1x32x768xf32, #tpu.memory_space<vmem>>
    %dma_start3A_49 = tpu.memref_squeeze %dma_start3A_48 : memref<1x32x768xf32, #tpu.memory_space<vmem>> -> memref<32x768xf32, #tpu.memory_space<vmem>>
    %dma_start3A_50 = arith.constant 0 : i32
    %dma_start3A_51 = tpu.memref_slice %arg5[%dma_start3A_45, %dma_start3A_50] : memref<8x32xi32, #tpu.memory_space<vmem>> -> memref<1x32xi32, #tpu.memory_space<vmem>>
    %dma_start3A_52 = tpu.memref_squeeze %dma_start3A_51 : memref<1x32xi32, #tpu.memory_space<vmem>> -> memref<32xi32, #tpu.memory_space<vmem>>
    %dma_start3A_53 = arith.constant 0 : i32
    %dma_start3A_54 = arith.constant 0 : i32
    %dma_start3A_55 = tpu.memref_slice %arg4[%dma_start3A_53, %dma_start3A_54] : memref<10400x768xf32, #tpu.memory_space<hbm>> -> memref<10400x768xf32, #tpu.memory_space<hbm>>
    tpu.enqueue_indirect_dma source(%dma_start3A_49 : memref<32x768xf32, #tpu.memory_space<vmem>>) target(%dma_start3A_55 : memref<10400x768xf32, #tpu.memory_space<hbm>>) offsets(%dma_start3A_52 : memref<32xi32, #tpu.memory_space<vmem>>) semaphore(%arg9 : memref<!tpu.dma_semaphore, #tpu.memory_space<semaphore_mem>>)
    %dma_start3A_56 = arith.constant 0 : i32
    %dma_start3A_57 = arith.constant 1 : i32
    %dma_start3A_58 = arith.constant 0 : i32
    %dma_start3A_59 = arith.constant 0 : i32
    %dma_start3A_60 = tpu.memref_slice %arg6[%dma_start3A_56, %dma_start3A_58, %dma_start3A_59] : memref<2x32x768xf32, #tpu.memory_space<vmem>> -> memref<1x32x768xf32, #tpu.memory_space<vmem>>
    %dma_start3A_61 = tpu.memref_squeeze %dma_start3A_60 : memref<1x32x768xf32, #tpu.memory_space<vmem>> -> memref<32x768xf32, #tpu.memory_space<vmem>>
    %dma_start3A_62 = arith.constant 0 : i32
    %dma_start3A_63 = tpu.memref_slice %arg5[%dma_start3A_57, %dma_start3A_62] : memref<8x32xi32, #tpu.memory_space<vmem>> -> memref<1x32xi32, #tpu.memory_space<vmem>>
    %dma_start3A_64 = tpu.memref_squeeze %dma_start3A_63 : memref<1x32xi32, #tpu.memory_space<vmem>> -> memref<32xi32, #tpu.memory_space<vmem>>
    %dma_start3A_65 = arith.constant 0 : i32
    %dma_start3A_66 = arith.constant 0 : i32
    %dma_start3A_67 = tpu.memref_slice %arg4[%dma_start3A_65, %dma_start3A_66] : memref<10400x768xf32, #tpu.memory_space<hbm>> -> memref<10400x768xf32, #tpu.memory_space<hbm>>
    tpu.enqueue_indirect_dma source(%dma_start3A_61 : memref<32x768xf32, #tpu.memory_space<vmem>>) target(%dma_start3A_67 : memref<10400x768xf32, #tpu.memory_space<hbm>>) offsets(%dma_start3A_64 : memref<32xi32, #tpu.memory_space<vmem>>) semaphore(%arg9 : memref<!tpu.dma_semaphore, #tpu.memory_space<semaphore_mem>>)
    %dma_wait3A_68 = arith.constant 0 : i32
    %dma_wait3A_69 = arith.constant 0 : i32
    %dma_wait3A_70 = arith.constant 0 : i32
    %dma_wait3A_71 = arith.constant 0 : i32
    %dma_wait3A_72 = tpu.memref_slice %arg6[%dma_wait3A_68, %dma_wait3A_70, %dma_wait3A_71] : memref<2x32x768xf32, #tpu.memory_space<vmem>> -> memref<1x32x768xf32, #tpu.memory_space<vmem>>
    %dma_wait3A_73 = tpu.memref_squeeze %dma_wait3A_72 : memref<1x32x768xf32, #tpu.memory_space<vmem>> -> memref<32x768xf32, #tpu.memory_space<vmem>>
    %dma_wait3A_74 = arith.constant 0 : i32
    %dma_wait3A_75 = tpu.memref_slice %arg5[%dma_wait3A_69, %dma_wait3A_74] : memref<8x32xi32, #tpu.memory_space<vmem>> -> memref<1x32xi32, #tpu.memory_space<vmem>>
    %dma_wait3A_76 = tpu.memref_squeeze %dma_wait3A_75 : memref<1x32xi32, #tpu.memory_space<vmem>> -> memref<32xi32, #tpu.memory_space<vmem>>
    %dma_wait3A_77 = arith.constant 0 : i32
    %dma_wait3A_78 = arith.constant 0 : i32
    %dma_wait3A_79 = tpu.memref_slice %arg4[%dma_wait3A_77, %dma_wait3A_78] : memref<10400x768xf32, #tpu.memory_space<hbm>> -> memref<10400x768xf32, #tpu.memory_space<hbm>>
    tpu.wait_indirect_dma semaphore(%arg9 : memref<!tpu.dma_semaphore, #tpu.memory_space<semaphore_mem>>) src(%dma_wait3A_73 : memref<32x768xf32, #tpu.memory_space<vmem>>) dst(%dma_wait3A_79 : memref<10400x768xf32, #tpu.memory_space<hbm>>)
    %dma_wait3A_80 = arith.constant 0 : i32
    %dma_wait3A_81 = arith.constant 1 : i32
    %dma_wait3A_82 = arith.constant 0 : i32
    %dma_wait3A_83 = arith.constant 0 : i32
    %dma_wait3A_84 = tpu.memref_slice %arg6[%dma_wait3A_80, %dma_wait3A_82, %dma_wait3A_83] : memref<2x32x768xf32, #tpu.memory_space<vmem>> -> memref<1x32x768xf32, #tpu.memory_space<vmem>>
    %dma_wait3A_85 = tpu.memref_squeeze %dma_wait3A_84 : memref<1x32x768xf32, #tpu.memory_space<vmem>> -> memref<32x768xf32, #tpu.memory_space<vmem>>
    %dma_wait3A_86 = arith.constant 0 : i32
    %dma_wait3A_87 = tpu.memref_slice %arg5[%dma_wait3A_81, %dma_wait3A_86] : memref<8x32xi32, #tpu.memory_space<vmem>> -> memref<1x32xi32, #tpu.memory_space<vmem>>
    %dma_wait3A_88 = tpu.memref_squeeze %dma_wait3A_87 : memref<1x32xi32, #tpu.memory_space<vmem>> -> memref<32xi32, #tpu.memory_space<vmem>>
    %dma_wait3A_89 = arith.constant 0 : i32
    %dma_wait3A_90 = arith.constant 0 : i32
    %dma_wait3A_91 = tpu.memref_slice %arg4[%dma_wait3A_89, %dma_wait3A_90] : memref<10400x768xf32, #tpu.memory_space<hbm>> -> memref<10400x768xf32, #tpu.memory_space<hbm>>
    tpu.wait_indirect_dma semaphore(%arg9 : memref<!tpu.dma_semaphore, #tpu.memory_space<semaphore_mem>>) src(%dma_wait3A_85 : memref<32x768xf32, #tpu.memory_space<vmem>>) dst(%dma_wait3A_91 : memref<10400x768xf32, #tpu.memory_space<hbm>>)
    %add3A_92 = arith.constant 64 : i32
    %add3A_93 = arith.addi %mul3A_2, %add3A_92 : i32
    %dma_start3A_94 = arith.constant 0 : i32
    %dma_start3A_95 = arith.constant 0 : i32
    %dma_start3A_96 = arith.constant 0 : i32
    %dma_start3A_97 = tpu.memref_slice %arg6[%dma_start3A_94, %dma_start3A_95, %dma_start3A_96] : memref<2x32x768xf32, #tpu.memory_space<vmem>> -> memref<1x32x768xf32, #tpu.memory_space<vmem>>
    %dma_start3A_98 = tpu.memref_squeeze %dma_start3A_97 : memref<1x32x768xf32, #tpu.memory_space<vmem>> -> memref<32x768xf32, #tpu.memory_space<vmem>>
    %dma_start3A_99 = arith.constant 0 : i32
    %dma_start3A_100 = tpu.memref_slice %arg2[%add3A_93, %dma_start3A_99] : memref<4096x768xf32, #tpu.memory_space<hbm>> -> memref<32x768xf32, #tpu.memory_space<hbm>>
    %dma_start3A_101 = arith.constant 0 : i32
    %dma_start3A_102 = arith.constant 0 : i32
    %dma_start3A_103 = tpu.memref_slice %arg6[%dma_start3A_94, %dma_start3A_101, %dma_start3A_102] : memref<2x32x768xf32, #tpu.memory_space<vmem>> -> memref<1x32x768xf32, #tpu.memory_space<vmem>>
    %dma_start3A_104 = tpu.memref_squeeze %dma_start3A_103 : memref<1x32x768xf32, #tpu.memory_space<vmem>> -> memref<32x768xf32, #tpu.memory_space<vmem>>
    %dma_start3A_105 = arith.constant 0 : i32
    %dma_start3A_106 = tpu.memref_slice %arg2[%add3A_93, %dma_start3A_105] : memref<4096x768xf32, #tpu.memory_space<hbm>> -> memref<32x768xf32, #tpu.memory_space<hbm>>
    tpu.enqueue_dma source(%dma_start3A_106 : memref<32x768xf32, #tpu.memory_space<hbm>>) target(%dma_start3A_104 : memref<32x768xf32, #tpu.memory_space<vmem>>) target_semaphore(%arg7 : memref<!tpu.dma_semaphore, #tpu.memory_space<semaphore_mem>>)
    %dma_wait3A_107 = arith.constant 1 : i32
    %dma_wait3A_108 = arith.constant 0 : i32
    %dma_wait3A_109 = arith.constant 0 : i32
    %dma_wait3A_110 = tpu.memref_slice %arg6[%dma_wait3A_107, %dma_wait3A_108, %dma_wait3A_109] : memref<2x32x768xf32, #tpu.memory_space<vmem>> -> memref<1x32x768xf32, #tpu.memory_space<vmem>>
    %dma_wait3A_111 = tpu.memref_squeeze %dma_wait3A_110 : memref<1x32x768xf32, #tpu.memory_space<vmem>> -> memref<32x768xf32, #tpu.memory_space<vmem>>
    %dma_wait3A_112 = arith.constant 0 : i32
    %dma_wait3A_113 = tpu.memref_slice %arg2[%add3A_18, %dma_wait3A_112] : memref<4096x768xf32, #tpu.memory_space<hbm>> -> memref<32x768xf32, #tpu.memory_space<hbm>>
    %dma_wait3A_114 = arith.constant 0 : i32
    %dma_wait3A_115 = arith.constant 0 : i32
    %dma_wait3A_116 = tpu.memref_slice %arg6[%dma_wait3A_107, %dma_wait3A_114, %dma_wait3A_115] : memref<2x32x768xf32, #tpu.memory_space<vmem>> -> memref<1x32x768xf32, #tpu.memory_space<vmem>>
    %dma_wait3A_117 = tpu.memref_squeeze %dma_wait3A_116 : memref<1x32x768xf32, #tpu.memory_space<vmem>> -> memref<32x768xf32, #tpu.memory_space<vmem>>
    %dma_wait3A_118 = arith.constant 0 : i32
    %dma_wait3A_119 = tpu.memref_slice %arg2[%add3A_18, %dma_wait3A_118] : memref<4096x768xf32, #tpu.memory_space<hbm>> -> memref<32x768xf32, #tpu.memory_space<hbm>>
    tpu.wait_dma2 semaphore(%arg8 : memref<!tpu.dma_semaphore, #tpu.memory_space<semaphore_mem>>) src(%dma_wait3A_119 : memref<32x768xf32, #tpu.memory_space<hbm>>) dst(%dma_wait3A_117 : memref<32x768xf32, #tpu.memory_space<vmem>>)
    %dma_start3A_120 = arith.constant 1 : i32
    %dma_start3A_121 = arith.constant 2 : i32
    %dma_start3A_122 = arith.constant 0 : i32
    %dma_start3A_123 = arith.constant 0 : i32
    %dma_start3A_124 = tpu.memref_slice %arg6[%dma_start3A_120, %dma_start3A_122, %dma_start3A_123] : memref<2x32x768xf32, #tpu.memory_space<vmem>> -> memref<1x32x768xf32, #tpu.memory_space<vmem>>
    %dma_start3A_125 = tpu.memref_squeeze %dma_start3A_124 : memref<1x32x768xf32, #tpu.memory_space<vmem>> -> memref<32x768xf32, #tpu.memory_space<vmem>>
    %dma_start3A_126 = arith.constant 0 : i32
    %dma_start3A_127 = tpu.memref_slice %arg5[%dma_start3A_121, %dma_start3A_126] : memref<8x32xi32, #tpu.memory_space<vmem>> -> memref<1x32xi32, #tpu.memory_space<vmem>>
    %dma_start3A_128 = tpu.memref_squeeze %dma_start3A_127 : memref<1x32xi32, #tpu.memory_space<vmem>> -> memref<32xi32, #tpu.memory_space<vmem>>
    %dma_start3A_129 = arith.constant 0 : i32
    %dma_start3A_130 = arith.constant 0 : i32
    %dma_start3A_131 = tpu.memref_slice %arg4[%dma_start3A_129, %dma_start3A_130] : memref<10400x768xf32, #tpu.memory_space<hbm>> -> memref<10400x768xf32, #tpu.memory_space<hbm>>
    tpu.enqueue_indirect_dma source(%dma_start3A_125 : memref<32x768xf32, #tpu.memory_space<vmem>>) target(%dma_start3A_131 : memref<10400x768xf32, #tpu.memory_space<hbm>>) offsets(%dma_start3A_128 : memref<32xi32, #tpu.memory_space<vmem>>) semaphore(%arg10 : memref<!tpu.dma_semaphore, #tpu.memory_space<semaphore_mem>>)
    %dma_start3A_132 = arith.constant 1 : i32
    %dma_start3A_133 = arith.constant 3 : i32
    %dma_start3A_134 = arith.constant 0 : i32
    %dma_start3A_135 = arith.constant 0 : i32
    %dma_start3A_136 = tpu.memref_slice %arg6[%dma_start3A_132, %dma_start3A_134, %dma_start3A_135] : memref<2x32x768xf32, #tpu.memory_space<vmem>> -> memref<1x32x768xf32, #tpu.memory_space<vmem>>
    %dma_start3A_137 = tpu.memref_squeeze %dma_start3A_136 : memref<1x32x768xf32, #tpu.memory_space<vmem>> -> memref<32x768xf32, #tpu.memory_space<vmem>>
    %dma_start3A_138 = arith.constant 0 : i32
    %dma_start3A_139 = tpu.memref_slice %arg5[%dma_start3A_133, %dma_start3A_138] : memref<8x32xi32, #tpu.memory_space<vmem>> -> memref<1x32xi32, #tpu.memory_space<vmem>>
    %dma_start3A_140 = tpu.memref_squeeze %dma_start3A_139 : memref<1x32xi32, #tpu.memory_space<vmem>> -> memref<32xi32, #tpu.memory_space<vmem>>
    %dma_start3A_141 = arith.constant 0 : i32
    %dma_start3A_142 = arith.constant 0 : i32
    %dma_start3A_143 = tpu.memref_slice %arg4[%dma_start3A_141, %dma_start3A_142] : memref<10400x768xf32, #tpu.memory_space<hbm>> -> memref<10400x768xf32, #tpu.memory_space<hbm>>
    tpu.enqueue_indirect_dma source(%dma_start3A_137 : memref<32x768xf32, #tpu.memory_space<vmem>>) target(%dma_start3A_143 : memref<10400x768xf32, #tpu.memory_space<hbm>>) offsets(%dma_start3A_140 : memref<32xi32, #tpu.memory_space<vmem>>) semaphore(%arg10 : memref<!tpu.dma_semaphore, #tpu.memory_space<semaphore_mem>>)
    %dma_wait3A_144 = arith.constant 1 : i32
    %dma_wait3A_145 = arith.constant 2 : i32
    %dma_wait3A_146 = arith.constant 0 : i32
    %dma_wait3A_147 = arith.constant 0 : i32
    %dma_wait3A_148 = tpu.memref_slice %arg6[%dma_wait3A_144, %dma_wait3A_146, %dma_wait3A_147] : memref<2x32x768xf32, #tpu.memory_space<vmem>> -> memref<1x32x768xf32, #tpu.memory_space<vmem>>
    %dma_wait3A_149 = tpu.memref_squeeze %dma_wait3A_148 : memref<1x32x768xf32, #tpu.memory_space<vmem>> -> memref<32x768xf32, #tpu.memory_space<vmem>>
    %dma_wait3A_150 = arith.constant 0 : i32
    %dma_wait3A_151 = tpu.memref_slice %arg5[%dma_wait3A_145, %dma_wait3A_150] : memref<8x32xi32, #tpu.memory_space<vmem>> -> memref<1x32xi32, #tpu.memory_space<vmem>>
    %dma_wait3A_152 = tpu.memref_squeeze %dma_wait3A_151 : memref<1x32xi32, #tpu.memory_space<vmem>> -> memref<32xi32, #tpu.memory_space<vmem>>
    %dma_wait3A_153 = arith.constant 0 : i32
    %dma_wait3A_154 = arith.constant 0 : i32
    %dma_wait3A_155 = tpu.memref_slice %arg4[%dma_wait3A_153, %dma_wait3A_154] : memref<10400x768xf32, #tpu.memory_space<hbm>> -> memref<10400x768xf32, #tpu.memory_space<hbm>>
    tpu.wait_indirect_dma semaphore(%arg10 : memref<!tpu.dma_semaphore, #tpu.memory_space<semaphore_mem>>) src(%dma_wait3A_149 : memref<32x768xf32, #tpu.memory_space<vmem>>) dst(%dma_wait3A_155 : memref<10400x768xf32, #tpu.memory_space<hbm>>)
    %dma_wait3A_156 = arith.constant 1 : i32
    %dma_wait3A_157 = arith.constant 3 : i32
    %dma_wait3A_158 = arith.constant 0 : i32
    %dma_wait3A_159 = arith.constant 0 : i32
    %dma_wait3A_160 = tpu.memref_slice %arg6[%dma_wait3A_156, %dma_wait3A_158, %dma_wait3A_159] : memref<2x32x768xf32, #tpu.memory_space<vmem>> -> memref<1x32x768xf32, #tpu.memory_space<vmem>>
    %dma_wait3A_161 = tpu.memref_squeeze %dma_wait3A_160 : memref<1x32x768xf32, #tpu.memory_space<vmem>> -> memref<32x768xf32, #tpu.memory_space<vmem>>
    %dma_wait3A_162 = arith.constant 0 : i32
    %dma_wait3A_163 = tpu.memref_slice %arg5[%dma_wait3A_157, %dma_wait3A_162] : memref<8x32xi32, #tpu.memory_space<vmem>> -> memref<1x32xi32, #tpu.memory_space<vmem>>
    %dma_wait3A_164 = tpu.memref_squeeze %dma_wait3A_163 : memref<1x32xi32, #tpu.memory_space<vmem>> -> memref<32xi32, #tpu.memory_space<vmem>>
    %dma_wait3A_165 = arith.constant 0 : i32
    %dma_wait3A_166 = arith.constant 0 : i32
    %dma_wait3A_167 = tpu.memref_slice %arg4[%dma_wait3A_165, %dma_wait3A_166] : memref<10400x768xf32, #tpu.memory_space<hbm>> -> memref<10400x768xf32, #tpu.memory_space<hbm>>
    tpu.wait_indirect_dma semaphore(%arg10 : memref<!tpu.dma_semaphore, #tpu.memory_space<semaphore_mem>>) src(%dma_wait3A_161 : memref<32x768xf32, #tpu.memory_space<vmem>>) dst(%dma_wait3A_167 : memref<10400x768xf32, #tpu.memory_space<hbm>>)
    %add3A_168 = arith.constant 96 : i32
    %add3A_169 = arith.addi %mul3A_2, %add3A_168 : i32
    %dma_start3A_170 = arith.constant 1 : i32
    %dma_start3A_171 = arith.constant 0 : i32
    %dma_start3A_172 = arith.constant 0 : i32
    %dma_start3A_173 = tpu.memref_slice %arg6[%dma_start3A_170, %dma_start3A_171, %dma_start3A_172] : memref<2x32x768xf32, #tpu.memory_space<vmem>> -> memref<1x32x768xf32, #tpu.memory_space<vmem>>
    %dma_start3A_174 = tpu.memref_squeeze %dma_start3A_173 : memref<1x32x768xf32, #tpu.memory_space<vmem>> -> memref<32x768xf32, #tpu.memory_space<vmem>>
    %dma_start3A_175 = arith.constant 0 : i32
    %dma_start3A_176 = tpu.memref_slice %arg2[%add3A_169, %dma_start3A_175] : memref<4096x768xf32, #tpu.memory_space<hbm>> -> memref<32x768xf32, #tpu.memory_space<hbm>>
    %dma_start3A_177 = arith.constant 0 : i32
    %dma_start3A_178 = arith.constant 0 : i32
    %dma_start3A_179 = tpu.memref_slice %arg6[%dma_start3A_170, %dma_start3A_177, %dma_start3A_178] : memref<2x32x768xf32, #tpu.memory_space<vmem>> -> memref<1x32x768xf32, #tpu.memory_space<vmem>>
    %dma_start3A_180 = tpu.memref_squeeze %dma_start3A_179 : memref<1x32x768xf32, #tpu.memory_space<vmem>> -> memref<32x768xf32, #tpu.memory_space<vmem>>
    %dma_start3A_181 = arith.constant 0 : i32
    %dma_start3A_182 = tpu.memref_slice %arg2[%add3A_169, %dma_start3A_181] : memref<4096x768xf32, #tpu.memory_space<hbm>> -> memref<32x768xf32, #tpu.memory_space<hbm>>
    tpu.enqueue_dma source(%dma_start3A_182 : memref<32x768xf32, #tpu.memory_space<hbm>>) target(%dma_start3A_180 : memref<32x768xf32, #tpu.memory_space<vmem>>) target_semaphore(%arg8 : memref<!tpu.dma_semaphore, #tpu.memory_space<semaphore_mem>>)
    %dma_wait3A_183 = arith.constant 0 : i32
    %dma_wait3A_184 = arith.constant 0 : i32
    %dma_wait3A_185 = arith.constant 0 : i32
    %dma_wait3A_186 = tpu.memref_slice %arg6[%dma_wait3A_183, %dma_wait3A_184, %dma_wait3A_185] : memref<2x32x768xf32, #tpu.memory_space<vmem>> -> memref<1x32x768xf32, #tpu.memory_space<vmem>>
    %dma_wait3A_187 = tpu.memref_squeeze %dma_wait3A_186 : memref<1x32x768xf32, #tpu.memory_space<vmem>> -> memref<32x768xf32, #tpu.memory_space<vmem>>
    %dma_wait3A_188 = arith.constant 0 : i32
    %dma_wait3A_189 = tpu.memref_slice %arg2[%add3A_93, %dma_wait3A_188] : memref<4096x768xf32, #tpu.memory_space<hbm>> -> memref<32x768xf32, #tpu.memory_space<hbm>>
    %dma_wait3A_190 = arith.constant 0 : i32
    %dma_wait3A_191 = arith.constant 0 : i32
    %dma_wait3A_192 = tpu.memref_slice %arg6[%dma_wait3A_183, %dma_wait3A_190, %dma_wait3A_191] : memref<2x32x768xf32, #tpu.memory_space<vmem>> -> memref<1x32x768xf32, #tpu.memory_space<vmem>>
    %dma_wait3A_193 = tpu.memref_squeeze %dma_wait3A_192 : memref<1x32x768xf32, #tpu.memory_space<vmem>> -> memref<32x768xf32, #tpu.memory_space<vmem>>
    %dma_wait3A_194 = arith.constant 0 : i32
    %dma_wait3A_195 = tpu.memref_slice %arg2[%add3A_93, %dma_wait3A_194] : memref<4096x768xf32, #tpu.memory_space<hbm>> -> memref<32x768xf32, #tpu.memory_space<hbm>>
    tpu.wait_dma2 semaphore(%arg7 : memref<!tpu.dma_semaphore, #tpu.memory_space<semaphore_mem>>) src(%dma_wait3A_195 : memref<32x768xf32, #tpu.memory_space<hbm>>) dst(%dma_wait3A_193 : memref<32x768xf32, #tpu.memory_space<vmem>>)
    %dma_start3A_196 = arith.constant 0 : i32
    %dma_start3A_197 = arith.constant 4 : i32
    %dma_start3A_198 = arith.constant 0 : i32
    %dma_start3A_199 = arith.constant 0 : i32
    %dma_start3A_200 = tpu.memref_slice %arg6[%dma_start3A_196, %dma_start3A_198, %dma_start3A_199] : memref<2x32x768xf32, #tpu.memory_space<vmem>> -> memref<1x32x768xf32, #tpu.memory_space<vmem>>
    %dma_start3A_201 = tpu.memref_squeeze %dma_start3A_200 : memref<1x32x768xf32, #tpu.memory_space<vmem>> -> memref<32x768xf32, #tpu.memory_space<vmem>>
    %dma_start3A_202 = arith.constant 0 : i32
    %dma_start3A_203 = tpu.memref_slice %arg5[%dma_start3A_197, %dma_start3A_202] : memref<8x32xi32, #tpu.memory_space<vmem>> -> memref<1x32xi32, #tpu.memory_space<vmem>>
    %dma_start3A_204 = tpu.memref_squeeze %dma_start3A_203 : memref<1x32xi32, #tpu.memory_space<vmem>> -> memref<32xi32, #tpu.memory_space<vmem>>
    %dma_start3A_205 = arith.constant 0 : i32
    %dma_start3A_206 = arith.constant 0 : i32
    %dma_start3A_207 = tpu.memref_slice %arg4[%dma_start3A_205, %dma_start3A_206] : memref<10400x768xf32, #tpu.memory_space<hbm>> -> memref<10400x768xf32, #tpu.memory_space<hbm>>
    tpu.enqueue_indirect_dma source(%dma_start3A_201 : memref<32x768xf32, #tpu.memory_space<vmem>>) target(%dma_start3A_207 : memref<10400x768xf32, #tpu.memory_space<hbm>>) offsets(%dma_start3A_204 : memref<32xi32, #tpu.memory_space<vmem>>) semaphore(%arg9 : memref<!tpu.dma_semaphore, #tpu.memory_space<semaphore_mem>>)
    %dma_start3A_208 = arith.constant 0 : i32
    %dma_start3A_209 = arith.constant 5 : i32
    %dma_start3A_210 = arith.constant 0 : i32
    %dma_start3A_211 = arith.constant 0 : i32
    %dma_start3A_212 = tpu.memref_slice %arg6[%dma_start3A_208, %dma_start3A_210, %dma_start3A_211] : memref<2x32x768xf32, #tpu.memory_space<vmem>> -> memref<1x32x768xf32, #tpu.memory_space<vmem>>
    %dma_start3A_213 = tpu.memref_squeeze %dma_start3A_212 : memref<1x32x768xf32, #tpu.memory_space<vmem>> -> memref<32x768xf32, #tpu.memory_space<vmem>>
    %dma_start3A_214 = arith.constant 0 : i32
    %dma_start3A_215 = tpu.memref_slice %arg5[%dma_start3A_209, %dma_start3A_214] : memref<8x32xi32, #tpu.memory_space<vmem>> -> memref<1x32xi32, #tpu.memory_space<vmem>>
    %dma_start3A_216 = tpu.memref_squeeze %dma_start3A_215 : memref<1x32xi32, #tpu.memory_space<vmem>> -> memref<32xi32, #tpu.memory_space<vmem>>
    %dma_start3A_217 = arith.constant 0 : i32
    %dma_start3A_218 = arith.constant 0 : i32
    %dma_start3A_219 = tpu.memref_slice %arg4[%dma_start3A_217, %dma_start3A_218] : memref<10400x768xf32, #tpu.memory_space<hbm>> -> memref<10400x768xf32, #tpu.memory_space<hbm>>
    tpu.enqueue_indirect_dma source(%dma_start3A_213 : memref<32x768xf32, #tpu.memory_space<vmem>>) target(%dma_start3A_219 : memref<10400x768xf32, #tpu.memory_space<hbm>>) offsets(%dma_start3A_216 : memref<32xi32, #tpu.memory_space<vmem>>) semaphore(%arg9 : memref<!tpu.dma_semaphore, #tpu.memory_space<semaphore_mem>>)
    %dma_wait3A_220 = arith.constant 1 : i32
    %dma_wait3A_221 = arith.constant 0 : i32
    %dma_wait3A_222 = arith.constant 0 : i32
    %dma_wait3A_223 = tpu.memref_slice %arg6[%dma_wait3A_220, %dma_wait3A_221, %dma_wait3A_222] : memref<2x32x768xf32, #tpu.memory_space<vmem>> -> memref<1x32x768xf32, #tpu.memory_space<vmem>>
    %dma_wait3A_224 = tpu.memref_squeeze %dma_wait3A_223 : memref<1x32x768xf32, #tpu.memory_space<vmem>> -> memref<32x768xf32, #tpu.memory_space<vmem>>
    %dma_wait3A_225 = arith.constant 0 : i32
    %dma_wait3A_226 = tpu.memref_slice %arg2[%add3A_169, %dma_wait3A_225] : memref<4096x768xf32, #tpu.memory_space<hbm>> -> memref<32x768xf32, #tpu.memory_space<hbm>>
    %dma_wait3A_227 = arith.constant 0 : i32
    %dma_wait3A_228 = arith.constant 0 : i32
    %dma_wait3A_229 = tpu.memref_slice %arg6[%dma_wait3A_220, %dma_wait3A_227, %dma_wait3A_228] : memref<2x32x768xf32, #tpu.memory_space<vmem>> -> memref<1x32x768xf32, #tpu.memory_space<vmem>>
    %dma_wait3A_230 = tpu.memref_squeeze %dma_wait3A_229 : memref<1x32x768xf32, #tpu.memory_space<vmem>> -> memref<32x768xf32, #tpu.memory_space<vmem>>
    %dma_wait3A_231 = arith.constant 0 : i32
    %dma_wait3A_232 = tpu.memref_slice %arg2[%add3A_169, %dma_wait3A_231] : memref<4096x768xf32, #tpu.memory_space<hbm>> -> memref<32x768xf32, #tpu.memory_space<hbm>>
    tpu.wait_dma2 semaphore(%arg8 : memref<!tpu.dma_semaphore, #tpu.memory_space<semaphore_mem>>) src(%dma_wait3A_232 : memref<32x768xf32, #tpu.memory_space<hbm>>) dst(%dma_wait3A_230 : memref<32x768xf32, #tpu.memory_space<vmem>>)
    %dma_start3A_233 = arith.constant 1 : i32
    %dma_start3A_234 = arith.constant 6 : i32
    %dma_start3A_235 = arith.constant 0 : i32
    %dma_start3A_236 = arith.constant 0 : i32
    %dma_start3A_237 = tpu.memref_slice %arg6[%dma_start3A_233, %dma_start3A_235, %dma_start3A_236] : memref<2x32x768xf32, #tpu.memory_space<vmem>> -> memref<1x32x768xf32, #tpu.memory_space<vmem>>
    %dma_start3A_238 = tpu.memref_squeeze %dma_start3A_237 : memref<1x32x768xf32, #tpu.memory_space<vmem>> -> memref<32x768xf32, #tpu.memory_space<vmem>>
    %dma_start3A_239 = arith.constant 0 : i32
    %dma_start3A_240 = tpu.memref_slice %arg5[%dma_start3A_234, %dma_start3A_239] : memref<8x32xi32, #tpu.memory_space<vmem>> -> memref<1x32xi32, #tpu.memory_space<vmem>>
    %dma_start3A_241 = tpu.memref_squeeze %dma_start3A_240 : memref<1x32xi32, #tpu.memory_space<vmem>> -> memref<32xi32, #tpu.memory_space<vmem>>
    %dma_start3A_242 = arith.constant 0 : i32
    %dma_start3A_243 = arith.constant 0 : i32
    %dma_start3A_244 = tpu.memref_slice %arg4[%dma_start3A_242, %dma_start3A_243] : memref<10400x768xf32, #tpu.memory_space<hbm>> -> memref<10400x768xf32, #tpu.memory_space<hbm>>
    tpu.enqueue_indirect_dma source(%dma_start3A_238 : memref<32x768xf32, #tpu.memory_space<vmem>>) target(%dma_start3A_244 : memref<10400x768xf32, #tpu.memory_space<hbm>>) offsets(%dma_start3A_241 : memref<32xi32, #tpu.memory_space<vmem>>) semaphore(%arg10 : memref<!tpu.dma_semaphore, #tpu.memory_space<semaphore_mem>>)
    %dma_start3A_245 = arith.constant 1 : i32
    %dma_start3A_246 = arith.constant 7 : i32
    %dma_start3A_247 = arith.constant 0 : i32
    %dma_start3A_248 = arith.constant 0 : i32
    %dma_start3A_249 = tpu.memref_slice %arg6[%dma_start3A_245, %dma_start3A_247, %dma_start3A_248] : memref<2x32x768xf32, #tpu.memory_space<vmem>> -> memref<1x32x768xf32, #tpu.memory_space<vmem>>
    %dma_start3A_250 = tpu.memref_squeeze %dma_start3A_249 : memref<1x32x768xf32, #tpu.memory_space<vmem>> -> memref<32x768xf32, #tpu.memory_space<vmem>>
    %dma_start3A_251 = arith.constant 0 : i32
    %dma_start3A_252 = tpu.memref_slice %arg5[%dma_start3A_246, %dma_start3A_251] : memref<8x32xi32, #tpu.memory_space<vmem>> -> memref<1x32xi32, #tpu.memory_space<vmem>>
    %dma_start3A_253 = tpu.memref_squeeze %dma_start3A_252 : memref<1x32xi32, #tpu.memory_space<vmem>> -> memref<32xi32, #tpu.memory_space<vmem>>
    %dma_start3A_254 = arith.constant 0 : i32
    %dma_start3A_255 = arith.constant 0 : i32
    %dma_start3A_256 = tpu.memref_slice %arg4[%dma_start3A_254, %dma_start3A_255] : memref<10400x768xf32, #tpu.memory_space<hbm>> -> memref<10400x768xf32, #tpu.memory_space<hbm>>
    tpu.enqueue_indirect_dma source(%dma_start3A_250 : memref<32x768xf32, #tpu.memory_space<vmem>>) target(%dma_start3A_256 : memref<10400x768xf32, #tpu.memory_space<hbm>>) offsets(%dma_start3A_253 : memref<32xi32, #tpu.memory_space<vmem>>) semaphore(%arg10 : memref<!tpu.dma_semaphore, #tpu.memory_space<semaphore_mem>>)
    %dma_wait3A_257 = arith.constant 0 : i32
    %dma_wait3A_258 = arith.constant 4 : i32
    %dma_wait3A_259 = arith.constant 0 : i32
    %dma_wait3A_260 = arith.constant 0 : i32
    %dma_wait3A_261 = tpu.memref_slice %arg6[%dma_wait3A_257, %dma_wait3A_259, %dma_wait3A_260] : memref<2x32x768xf32, #tpu.memory_space<vmem>> -> memref<1x32x768xf32, #tpu.memory_space<vmem>>
    %dma_wait3A_262 = tpu.memref_squeeze %dma_wait3A_261 : memref<1x32x768xf32, #tpu.memory_space<vmem>> -> memref<32x768xf32, #tpu.memory_space<vmem>>
    %dma_wait3A_263 = arith.constant 0 : i32
    %dma_wait3A_264 = tpu.memref_slice %arg5[%dma_wait3A_258, %dma_wait3A_263] : memref<8x32xi32, #tpu.memory_space<vmem>> -> memref<1x32xi32, #tpu.memory_space<vmem>>
    %dma_wait3A_265 = tpu.memref_squeeze %dma_wait3A_264 : memref<1x32xi32, #tpu.memory_space<vmem>> -> memref<32xi32, #tpu.memory_space<vmem>>
    %dma_wait3A_266 = arith.constant 0 : i32
    %dma_wait3A_267 = arith.constant 0 : i32
    %dma_wait3A_268 = tpu.memref_slice %arg4[%dma_wait3A_266, %dma_wait3A_267] : memref<10400x768xf32, #tpu.memory_space<hbm>> -> memref<10400x768xf32, #tpu.memory_space<hbm>>
    tpu.wait_indirect_dma semaphore(%arg9 : memref<!tpu.dma_semaphore, #tpu.memory_space<semaphore_mem>>) src(%dma_wait3A_262 : memref<32x768xf32, #tpu.memory_space<vmem>>) dst(%dma_wait3A_268 : memref<10400x768xf32, #tpu.memory_space<hbm>>)
    %dma_wait3A_269 = arith.constant 0 : i32
    %dma_wait3A_270 = arith.constant 5 : i32
    %dma_wait3A_271 = arith.constant 0 : i32
    %dma_wait3A_272 = arith.constant 0 : i32
    %dma_wait3A_273 = tpu.memref_slice %arg6[%dma_wait3A_269, %dma_wait3A_271, %dma_wait3A_272] : memref<2x32x768xf32, #tpu.memory_space<vmem>> -> memref<1x32x768xf32, #tpu.memory_space<vmem>>
    %dma_wait3A_274 = tpu.memref_squeeze %dma_wait3A_273 : memref<1x32x768xf32, #tpu.memory_space<vmem>> -> memref<32x768xf32, #tpu.memory_space<vmem>>
    %dma_wait3A_275 = arith.constant 0 : i32
    %dma_wait3A_276 = tpu.memref_slice %arg5[%dma_wait3A_270, %dma_wait3A_275] : memref<8x32xi32, #tpu.memory_space<vmem>> -> memref<1x32xi32, #tpu.memory_space<vmem>>
    %dma_wait3A_277 = tpu.memref_squeeze %dma_wait3A_276 : memref<1x32xi32, #tpu.memory_space<vmem>> -> memref<32xi32, #tpu.memory_space<vmem>>
    %dma_wait3A_278 = arith.constant 0 : i32
    %dma_wait3A_279 = arith.constant 0 : i32
    %dma_wait3A_280 = tpu.memref_slice %arg4[%dma_wait3A_278, %dma_wait3A_279] : memref<10400x768xf32, #tpu.memory_space<hbm>> -> memref<10400x768xf32, #tpu.memory_space<hbm>>
    tpu.wait_indirect_dma semaphore(%arg9 : memref<!tpu.dma_semaphore, #tpu.memory_space<semaphore_mem>>) src(%dma_wait3A_274 : memref<32x768xf32, #tpu.memory_space<vmem>>) dst(%dma_wait3A_280 : memref<10400x768xf32, #tpu.memory_space<hbm>>)
    %dma_wait3A_281 = arith.constant 1 : i32
    %dma_wait3A_282 = arith.constant 6 : i32
    %dma_wait3A_283 = arith.constant 0 : i32
    %dma_wait3A_284 = arith.constant 0 : i32
    %dma_wait3A_285 = tpu.memref_slice %arg6[%dma_wait3A_281, %dma_wait3A_283, %dma_wait3A_284] : memref<2x32x768xf32, #tpu.memory_space<vmem>> -> memref<1x32x768xf32, #tpu.memory_space<vmem>>
    %dma_wait3A_286 = tpu.memref_squeeze %dma_wait3A_285 : memref<1x32x768xf32, #tpu.memory_space<vmem>> -> memref<32x768xf32, #tpu.memory_space<vmem>>
    %dma_wait3A_287 = arith.constant 0 : i32
    %dma_wait3A_288 = tpu.memref_slice %arg5[%dma_wait3A_282, %dma_wait3A_287] : memref<8x32xi32, #tpu.memory_space<vmem>> -> memref<1x32xi32, #tpu.memory_space<vmem>>
    %dma_wait3A_289 = tpu.memref_squeeze %dma_wait3A_288 : memref<1x32xi32, #tpu.memory_space<vmem>> -> memref<32xi32, #tpu.memory_space<vmem>>
    %dma_wait3A_290 = arith.constant 0 : i32
    %dma_wait3A_291 = arith.constant 0 : i32
    %dma_wait3A_292 = tpu.memref_slice %arg4[%dma_wait3A_290, %dma_wait3A_291] : memref<10400x768xf32, #tpu.memory_space<hbm>> -> memref<10400x768xf32, #tpu.memory_space<hbm>>
    tpu.wait_indirect_dma semaphore(%arg10 : memref<!tpu.dma_semaphore, #tpu.memory_space<semaphore_mem>>) src(%dma_wait3A_286 : memref<32x768xf32, #tpu.memory_space<vmem>>) dst(%dma_wait3A_292 : memref<10400x768xf32, #tpu.memory_space<hbm>>)
    %dma_wait3A_293 = arith.constant 1 : i32
    %dma_wait3A_294 = arith.constant 7 : i32
    %dma_wait3A_295 = arith.constant 0 : i32
    %dma_wait3A_296 = arith.constant 0 : i32
    %dma_wait3A_297 = tpu.memref_slice %arg6[%dma_wait3A_293, %dma_wait3A_295, %dma_wait3A_296] : memref<2x32x768xf32, #tpu.memory_space<vmem>> -> memref<1x32x768xf32, #tpu.memory_space<vmem>>
    %dma_wait3A_298 = tpu.memref_squeeze %dma_wait3A_297 : memref<1x32x768xf32, #tpu.memory_space<vmem>> -> memref<32x768xf32, #tpu.memory_space<vmem>>
    %dma_wait3A_299 = arith.constant 0 : i32
    %dma_wait3A_300 = tpu.memref_slice %arg5[%dma_wait3A_294, %dma_wait3A_299] : memref<8x32xi32, #tpu.memory_space<vmem>> -> memref<1x32xi32, #tpu.memory_space<vmem>>
    %dma_wait3A_301 = tpu.memref_squeeze %dma_wait3A_300 : memref<1x32xi32, #tpu.memory_space<vmem>> -> memref<32xi32, #tpu.memory_space<vmem>>
    %dma_wait3A_302 = arith.constant 0 : i32
    %dma_wait3A_303 = arith.constant 0 : i32
    %dma_wait3A_304 = tpu.memref_slice %arg4[%dma_wait3A_302, %dma_wait3A_303] : memref<10400x768xf32, #tpu.memory_space<hbm>> -> memref<10400x768xf32, #tpu.memory_space<hbm>>
    tpu.wait_indirect_dma semaphore(%arg10 : memref<!tpu.dma_semaphore, #tpu.memory_space<semaphore_mem>>) src(%dma_wait3A_298 : memref<32x768xf32, #tpu.memory_space<vmem>>) dst(%dma_wait3A_304 : memref<10400x768xf32, #tpu.memory_space<hbm>>)
    return
  }
}

module attributes {stable_mosaic.version = 14 : i64} {
  func.func @_ffn_body(%arg0: i32, %arg1: memref<160x768xf32, #tpu.memory_space<vmem>>, %arg2: memref<1x384x768xf32, #tpu.memory_space<vmem>>, %arg3: memref<1x384x768xf32, #tpu.memory_space<vmem>>, %arg4: memref<1x768x384xf32, #tpu.memory_space<vmem>>, %arg5: memref<1x160x1xf32, #tpu.memory_space<vmem>>, %arg6: memref<160x768xf32, #tpu.memory_space<vmem>>) attributes {dimension_semantics = [#tpu.dimension_semantics<arbitrary>], iteration_bounds = array<i64: 64>, scalar_prefetch = 0 : i64, scratch_operands = 0 : i64, tpu.core_type = #tpu.core_type<tc>, window_params = [{transform_indices = @transform_0, window_bounds = array<i64: 160, 768>}, {transform_indices = @transform_1, window_bounds = array<i64: 1, 384, 768>}, {transform_indices = @transform_2, window_bounds = array<i64: 1, 384, 768>}, {transform_indices = @transform_3, window_bounds = array<i64: 1, 768, 384>}, {transform_indices = @transform_4, window_bounds = array<i64: 1, 160, 1>}, {transform_indices = @transform_5, window_bounds = array<i64: 160, 768>}]} {
    %get3A = arith.constant 0 : index
    %get3A_0 = arith.constant 0 : index
    %get3A_1 = vector.load %arg1[%get3A, %get3A_0] : memref<160x768xf32, #tpu.memory_space<vmem>>, vector<160x768xf32>
    %get3A_2 = arith.constant 0 : index
    %get3A_3 = arith.constant 0 : index
    %get3A_4 = arith.constant 0 : index
    %get3A_5 = vector.load %arg2[%get3A_2, %get3A_3, %get3A_4] : memref<1x384x768xf32, #tpu.memory_space<vmem>>, vector<1x384x768xf32>
    %get3A_6 = vector.shape_cast %get3A_5 : vector<1x384x768xf32> to vector<384x768xf32>
    %dot_general3A = arith.constant dense<0.000000e+00> : vector<160x384xf32>
    %dot_general3A_7 = tpu.matmul %get3A_1, %get3A_6, %dot_general3A {dimension_numbers = #tpu.dot_dimension_numbers<[1], [1], [0], [0], [0, 0, 1, 0], [], []>, transpose_lhs_hint = false} : vector<160x768xf32>, vector<384x768xf32>, vector<160x384xf32> -> vector<160x384xf32>
    %get3A_8 = arith.constant 0 : index
    %get3A_9 = arith.constant 0 : index
    %get3A_10 = arith.constant 0 : index
    %get3A_11 = vector.load %arg3[%get3A_8, %get3A_9, %get3A_10] : memref<1x384x768xf32, #tpu.memory_space<vmem>>, vector<1x384x768xf32>
    %get3A_12 = vector.shape_cast %get3A_11 : vector<1x384x768xf32> to vector<384x768xf32>
    %dot_general3A_13 = arith.constant dense<0.000000e+00> : vector<160x384xf32>
    %dot_general3A_14 = tpu.matmul %get3A_1, %get3A_12, %dot_general3A_13 {dimension_numbers = #tpu.dot_dimension_numbers<[1], [1], [0], [0], [0, 0, 1, 0], [], []>, transpose_lhs_hint = false} : vector<160x768xf32>, vector<384x768xf32>, vector<160x384xf32> -> vector<160x384xf32>
    %logistic3A = arith.negf %dot_general3A_7 : vector<160x384xf32>
    %logistic3A_15 = math.exp %logistic3A : vector<160x384xf32>
    %logistic3A_16 = arith.constant 1.000000e+00 : f32
    %logistic3A_17 = vector.broadcast %logistic3A_16 : f32 to vector<160x384xf32>
    %logistic3A_18 = arith.addf %logistic3A_17, %logistic3A_15 : vector<160x384xf32>
    %logistic3A_19 = arith.divf %logistic3A_17, %logistic3A_18 : vector<160x384xf32>
    %mul3A = arith.mulf %dot_general3A_7, %logistic3A_19 : vector<160x384xf32>
    %mul3A_20 = arith.mulf %mul3A, %dot_general3A_14 : vector<160x384xf32>
    %get3A_21 = arith.constant 0 : index
    %get3A_22 = arith.constant 0 : index
    %get3A_23 = arith.constant 0 : index
    %get3A_24 = vector.load %arg4[%get3A_21, %get3A_22, %get3A_23] : memref<1x768x384xf32, #tpu.memory_space<vmem>>, vector<1x768x384xf32>
    %get3A_25 = vector.shape_cast %get3A_24 : vector<1x768x384xf32> to vector<768x384xf32>
    %dot_general3A_26 = arith.constant dense<0.000000e+00> : vector<160x768xf32>
    %dot_general3A_27 = tpu.matmul %mul3A_20, %get3A_25, %dot_general3A_26 {dimension_numbers = #tpu.dot_dimension_numbers<[1], [1], [0], [0], [0, 0, 1, 0], [], []>, transpose_lhs_hint = false} : vector<160x384xf32>, vector<768x384xf32>, vector<160x768xf32> -> vector<160x768xf32>
    %get3A_28 = arith.constant 0 : index
    %get3A_29 = arith.constant 0 : index
    %get3A_30 = arith.constant 0 : index
    %get3A_31 = vector.load %arg5[%get3A_28, %get3A_29, %get3A_30] : memref<1x160x1xf32, #tpu.memory_space<vmem>>, vector<1x160x1xf32>
    %get3A_32 = vector.shape_cast %get3A_31 : vector<1x160x1xf32> to vector<160x1xf32>
    %gt3A = arith.constant 5.000000e-01 : f32
    %gt3A_33 = vector.broadcast %gt3A : f32 to vector<160x1xf32>
    %gt3A_34 = arith.cmpf ogt, %get3A_32, %gt3A_33 : vector<160x1xf32>
    %jit3A = arith.constant 0.000000e+00 : f32
    %broadcast_in_dim3A = vector.shape_cast %gt3A_34 : vector<160x1xi1> to vector<160x1xi1>
    %broadcast_in_dim3A_35 = vector.broadcast %broadcast_in_dim3A : vector<160x1xi1> to vector<160x768xi1>
    %broadcast_in_dim3A_36 = vector.broadcast %jit3A : f32 to vector<160x768xf32>
    %select_n3A = arith.select %broadcast_in_dim3A_35, %dot_general3A_27, %broadcast_in_dim3A_36 : vector<160x768xi1>, vector<160x768xf32>
    %swap3A = arith.constant 0 : index
    %swap3A_37 = arith.constant 0 : index
    %swap3A_38 = vector.load %arg6[%swap3A, %swap3A_37] : memref<160x768xf32, #tpu.memory_space<vmem>>, vector<160x768xf32>
    tpu.vector_store %arg6[%swap3A, %swap3A_37], %select_n3A {strides = array<i32>} : memref<160x768xf32, #tpu.memory_space<vmem>>, vector<160x768xf32>,
    return
  }
  func.func @transform_0(%arg0: i32) -> (i32, i32) {
    %c0_i32 = arith.constant 0 : i32
    %c0_i32_0 = arith.constant 0 : i32
    return %arg0, %c0_i32 : i32, i32
  }
  func.func @transform_1(%arg0: i32) -> (i32, i32, i32) {
    %c0_i32 = arith.constant 0 : i32
    %c0_i32_0 = arith.constant 0 : i32
    %c0_i32_1 = arith.constant 0 : i32
    return %arg0, %c0_i32, %c0_i32_0 : i32, i32, i32
  }
  func.func @transform_2(%arg0: i32) -> (i32, i32, i32) {
    %c0_i32 = arith.constant 0 : i32
    %c0_i32_0 = arith.constant 0 : i32
    %c0_i32_1 = arith.constant 0 : i32
    return %arg0, %c0_i32, %c0_i32_0 : i32, i32, i32
  }
  func.func @transform_3(%arg0: i32) -> (i32, i32, i32) {
    %c0_i32 = arith.constant 0 : i32
    %c0_i32_0 = arith.constant 0 : i32
    %c0_i32_1 = arith.constant 0 : i32
    return %arg0, %c0_i32, %c0_i32_0 : i32, i32, i32
  }
  func.func @transform_4(%arg0: i32) -> (i32, i32, i32) {
    %c0_i32 = arith.constant 0 : i32
    %c0_i32_0 = arith.constant 0 : i32
    %c0_i32_1 = arith.constant 0 : i32
    return %arg0, %c0_i32, %c0_i32_0 : i32, i32, i32
  }
  func.func @transform_5(%arg0: i32) -> (i32, i32) {
    %c0_i32 = arith.constant 0 : i32
    %c0_i32_0 = arith.constant 0 : i32
    return %arg0, %c0_i32 : i32, i32
  }
}

module attributes {stable_mosaic.version = 14 : i64} {
  func.func @_final_body(%arg0: i32, %arg1: memref<256x768xf32, #tpu.memory_space<vmem>>, %arg2: memref<768x768xf32, #tpu.memory_space<vmem>>, %arg3: memref<768x768xf32, #tpu.memory_space<vmem>>, %arg4: memref<768x768xf32, #tpu.memory_space<vmem>>, %arg5: memref<1x2x256x768xf32, #tpu.memory_space<vmem>>, %arg6: memref<256x2xf32, #tpu.memory_space<vmem>>, %arg7: memref<256x768xf32, #tpu.memory_space<vmem>>) attributes {dimension_semantics = [#tpu.dimension_semantics<arbitrary>], iteration_bounds = array<i64: 16>, scalar_prefetch = 0 : i64, scratch_operands = 0 : i64, tpu.core_type = #tpu.core_type<tc>, window_params = [{transform_indices = @transform_0, window_bounds = array<i64: 256, 768>}, {pipeline_mode = #tpu.pipeline_mode<synchronous>, transform_indices = @transform_1, window_bounds = array<i64: 768, 768>}, {pipeline_mode = #tpu.pipeline_mode<synchronous>, transform_indices = @transform_2, window_bounds = array<i64: 768, 768>}, {pipeline_mode = #tpu.pipeline_mode<synchronous>, transform_indices = @transform_3, window_bounds = array<i64: 768, 768>}, {transform_indices = @transform_4, window_bounds = array<i64: 1, 2, 256, 768>}, {transform_indices = @transform_5, window_bounds = array<i64: 256, 2>}, {transform_indices = @transform_6, window_bounds = array<i64: 256, 768>}]} {
    %get3A = arith.constant 0 : index
    %get3A_0 = arith.constant 0 : index
    %get3A_1 = vector.load %arg1[%get3A, %get3A_0] : memref<256x768xf32, #tpu.memory_space<vmem>>, vector<256x768xf32>
    %get3A_2 = arith.constant 0 : index
    %get3A_3 = arith.constant 0 : index
    %get3A_4 = vector.load %arg2[%get3A_2, %get3A_3] : memref<768x768xf32, #tpu.memory_space<vmem>>, vector<768x768xf32>
    %dot_general3A = arith.constant dense<0.000000e+00> : vector<256x768xf32>
    %dot_general3A_5 = tpu.matmul %get3A_1, %get3A_4, %dot_general3A {dimension_numbers = #tpu.dot_dimension_numbers<[1], [1], [0], [0], [0, 0, 1, 0], [], []>, transpose_lhs_hint = false} : vector<256x768xf32>, vector<768x768xf32>, vector<256x768xf32> -> vector<256x768xf32>
    %get3A_6 = arith.constant 0 : index
    %get3A_7 = arith.constant 0 : index
    %get3A_8 = vector.load %arg3[%get3A_6, %get3A_7] : memref<768x768xf32, #tpu.memory_space<vmem>>, vector<768x768xf32>
    %dot_general3A_9 = arith.constant dense<0.000000e+00> : vector<256x768xf32>
    %dot_general3A_10 = tpu.matmul %get3A_1, %get3A_8, %dot_general3A_9 {dimension_numbers = #tpu.dot_dimension_numbers<[1], [1], [0], [0], [0, 0, 1, 0], [], []>, transpose_lhs_hint = false} : vector<256x768xf32>, vector<768x768xf32>, vector<256x768xf32> -> vector<256x768xf32>
    %logistic3A = arith.negf %dot_general3A_5 : vector<256x768xf32>
    %logistic3A_11 = math.exp %logistic3A : vector<256x768xf32>
    %logistic3A_12 = arith.constant 1.000000e+00 : f32
    %logistic3A_13 = vector.broadcast %logistic3A_12 : f32 to vector<256x768xf32>
    %logistic3A_14 = arith.addf %logistic3A_13, %logistic3A_11 : vector<256x768xf32>
    %logistic3A_15 = arith.divf %logistic3A_13, %logistic3A_14 : vector<256x768xf32>
    %mul3A = arith.mulf %dot_general3A_5, %logistic3A_15 : vector<256x768xf32>
    %mul3A_16 = arith.mulf %mul3A, %dot_general3A_10 : vector<256x768xf32>
    %get3A_17 = arith.constant 0 : index
    %get3A_18 = arith.constant 0 : index
    %get3A_19 = vector.load %arg4[%get3A_17, %get3A_18] : memref<768x768xf32, #tpu.memory_space<vmem>>, vector<768x768xf32>
    %dot_general3A_20 = arith.constant dense<0.000000e+00> : vector<256x768xf32>
    %dot_general3A_21 = tpu.matmul %mul3A_16, %get3A_19, %dot_general3A_20 {dimension_numbers = #tpu.dot_dimension_numbers<[1], [1], [0], [0], [0, 0, 1, 0], [], []>, transpose_lhs_hint = false} : vector<256x768xf32>, vector<768x768xf32>, vector<256x768xf32> -> vector<256x768xf32>
    %get3A_22 = arith.constant 0 : index
    %get3A_23 = arith.constant 0 : index
    %get3A_24 = vector.load %arg6[%get3A_22, %get3A_23] : memref<256x2xf32, #tpu.memory_space<vmem>>, vector<256x1xf32>
    %get3A_25 = arith.constant 0 : index
    %get3A_26 = arith.constant 1 : index
    %get3A_27 = vector.load %arg6[%get3A_25, %get3A_26] : memref<256x2xf32, #tpu.memory_space<vmem>>, vector<256x1xf32>
    %get3A_28 = arith.constant 0 : index
    %get3A_29 = arith.constant 0 : index
    %get3A_30 = arith.constant 0 : index
    %get3A_31 = arith.constant 0 : index
    %get3A_32 = vector.load %arg5[%get3A_28, %get3A_29, %get3A_30, %get3A_31] : memref<1x2x256x768xf32, #tpu.memory_space<vmem>>, vector<1x1x256x768xf32>
    %get3A_33 = vector.shape_cast %get3A_32 : vector<1x1x256x768xf32> to vector<256x768xf32>
    %mul3A_34 = vector.broadcast %get3A_24 : vector<256x1xf32> to vector<256x768xf32>
    %mul3A_35 = arith.mulf %mul3A_34, %get3A_33 : vector<256x768xf32>
    %add3A = arith.addf %dot_general3A_21, %mul3A_35 : vector<256x768xf32>
    %get3A_36 = arith.constant 0 : index
    %get3A_37 = arith.constant 1 : index
    %get3A_38 = arith.constant 0 : index
    %get3A_39 = arith.constant 0 : index
    %get3A_40 = vector.load %arg5[%get3A_36, %get3A_37, %get3A_38, %get3A_39] : memref<1x2x256x768xf32, #tpu.memory_space<vmem>>, vector<1x1x256x768xf32>
    %get3A_41 = vector.shape_cast %get3A_40 : vector<1x1x256x768xf32> to vector<256x768xf32>
    %mul3A_42 = vector.broadcast %get3A_27 : vector<256x1xf32> to vector<256x768xf32>
    %mul3A_43 = arith.mulf %mul3A_42, %get3A_41 : vector<256x768xf32>
    %add3A_44 = arith.addf %add3A, %mul3A_43 : vector<256x768xf32>
    %swap3A = arith.constant 0 : index
    %swap3A_45 = arith.constant 0 : index
    %swap3A_46 = vector.load %arg7[%swap3A, %swap3A_45] : memref<256x768xf32, #tpu.memory_space<vmem>>, vector<256x768xf32>
    tpu.vector_store %arg7[%swap3A, %swap3A_45], %add3A_44 {strides = array<i32>} : memref<256x768xf32, #tpu.memory_space<vmem>>, vector<256x768xf32>,
    return
  }
  func.func @transform_0(%arg0: i32) -> (i32, i32) {
    %c0_i32 = arith.constant 0 : i32
    %c0_i32_0 = arith.constant 0 : i32
    return %arg0, %c0_i32 : i32, i32
  }
  func.func @transform_1(%arg0: i32) -> (i32, i32) {
    %c0_i32 = arith.constant 0 : i32
    %c0_i32_0 = arith.constant 0 : i32
    %c0_i32_1 = arith.constant 0 : i32
    return %c0_i32, %c0_i32_0 : i32, i32
  }
  func.func @transform_2(%arg0: i32) -> (i32, i32) {
    %c0_i32 = arith.constant 0 : i32
    %c0_i32_0 = arith.constant 0 : i32
    %c0_i32_1 = arith.constant 0 : i32
    return %c0_i32, %c0_i32_0 : i32, i32
  }
  func.func @transform_3(%arg0: i32) -> (i32, i32) {
    %c0_i32 = arith.constant 0 : i32
    %c0_i32_0 = arith.constant 0 : i32
    %c0_i32_1 = arith.constant 0 : i32
    return %c0_i32, %c0_i32_0 : i32, i32
  }
  func.func @transform_4(%arg0: i32) -> (i32, i32, i32, i32) {
    %c0_i32 = arith.constant 0 : i32
    %c0_i32_0 = arith.constant 0 : i32
    %c0_i32_1 = arith.constant 0 : i32
    %c0_i32_2 = arith.constant 0 : i32
    return %arg0, %c0_i32, %c0_i32_0, %c0_i32_1 : i32, i32, i32, i32
  }
  func.func @transform_5(%arg0: i32) -> (i32, i32) {
    %c0_i32 = arith.constant 0 : i32
    %c0_i32_0 = arith.constant 0 : i32
    return %arg0, %c0_i32 : i32, i32
  }
  func.func @transform_6(%arg0: i32) -> (i32, i32) {
    %c0_i32 = arith.constant 0 : i32
    %c0_i32_0 = arith.constant 0 : i32
    return %arg0, %c0_i32 : i32, i32
  }
}

module attributes {stable_mosaic.version = 14 : i64} {
  func.func @_router_body(%arg0: i32, %arg1: memref<256x768xf32, #tpu.memory_space<vmem>>, %arg2: memref<64x768xf32, #tpu.memory_space<vmem>>, %arg3: memref<1x2x8x32xi32, #tpu.memory_space<vmem>>, %arg4: memref<1x2x256xi32, #tpu.memory_space<vmem>>, %arg5: memref<256x2xf32, #tpu.memory_space<vmem>>, %arg6: memref<64x160x1xf32, #tpu.memory_space<vmem>>, %arg7: memref<8x64xf32, #tpu.memory_space<vmem>>) attributes {dimension_semantics = [#tpu.dimension_semantics<arbitrary>], iteration_bounds = array<i64: 16>, scalar_prefetch = 0 : i64, scratch_operands = 1 : i64, tpu.core_type = #tpu.core_type<tc>, window_params = [{transform_indices = @transform_0, window_bounds = array<i64: 256, 768>}, {pipeline_mode = #tpu.pipeline_mode<synchronous>, transform_indices = @transform_1, window_bounds = array<i64: 64, 768>}, {transform_indices = @transform_2, window_bounds = array<i64: 1, 2, 8, 32>}, {transform_indices = @transform_3, window_bounds = array<i64: 1, 2, 256>}, {transform_indices = @transform_4, window_bounds = array<i64: 256, 2>}, {pipeline_mode = #tpu.pipeline_mode<synchronous>, transform_indices = @transform_5, window_bounds = array<i64: 64, 160, 1>}]} {
    %eq3A = arith.constant 0 : i32
    %eq3A_0 = arith.cmpi eq, %arg0, %eq3A : i32
    %convert_element_type3A = arith.extui %eq3A_0 : i1 to i32
    %cond3A = arith.constant 0 : i32
    %cond3A_1 = arith.cmpi ne, %convert_element_type3A, %cond3A : i32
    scf.if %cond3A_1 {
      %broadcast_in_dim3A_135 = arith.constant 0.000000e+00 : f32
      %broadcast_in_dim3A_136 = vector.broadcast %broadcast_in_dim3A_135 : f32 to vector<1x64xf32>
      %swap3A_137 = arith.constant 0 : index
      %swap3A_138 = arith.constant 0 : index
      %swap3A_139 = vector.load %arg7[%swap3A_137, %swap3A_138] : memref<8x64xf32, #tpu.memory_space<vmem>>, vector<1x64xf32>
      tpu.vector_store %arg7[%swap3A_137, %swap3A_138], %broadcast_in_dim3A_136 {strides = array<i32>} : memref<8x64xf32, #tpu.memory_space<vmem>>, vector<1x64xf32>,
    } else {
    }
    %get3A = arith.constant 0 : index
    %get3A_2 = arith.constant 0 : index
    %get3A_3 = vector.load %arg1[%get3A, %get3A_2] : memref<256x768xf32, #tpu.memory_space<vmem>>, vector<256x768xf32>
    %get3A_4 = arith.constant 0 : index
    %get3A_5 = arith.constant 0 : index
    %get3A_6 = vector.load %arg2[%get3A_4, %get3A_5] : memref<64x768xf32, #tpu.memory_space<vmem>>, vector<64x768xf32>
    %dot_general3A = arith.constant dense<0.000000e+00> : vector<256x64xf32>
    %dot_general3A_7 = tpu.matmul %get3A_3, %get3A_6, %dot_general3A {dimension_numbers = #tpu.dot_dimension_numbers<[1], [1], [0], [0], [0, 0, 1, 0], [], []>, transpose_lhs_hint = false} : vector<256x768xf32>, vector<64x768xf32>, vector<256x64xf32> -> vector<256x64xf32>
    %iota3A = tpu.iota {dimensions = array<i32: 1>} : vector<256x64xi32>
    %reduce_max3A = arith.constant dense<0xFF800000> : vector<256xf32>
    %reduce_max3A_8 = vector.multi_reduction <maximumf>, %dot_general3A_7, %reduce_max3A [1] : vector<256x64xf32> to vector<256xf32>
    %broadcast_in_dim3A = vector.shape_cast %reduce_max3A_8 : vector<256xf32> to vector<256x1xf32>
    %eq3A_9 = vector.broadcast %broadcast_in_dim3A : vector<256x1xf32> to vector<256x64xf32>
    %eq3A_10 = arith.cmpf oeq, %dot_general3A_7, %eq3A_9 : vector<256x64xf32>
    %jit3A = arith.constant 64 : i32
    %broadcast_in_dim3A_11 = vector.broadcast %jit3A : i32 to vector<256x64xi32>
    %select_n3A = arith.select %eq3A_10, %iota3A, %broadcast_in_dim3A_11 : vector<256x64xi1>, vector<256x64xi32>
    %reduce_min3A = arith.constant dense<2147483647> : vector<256xi32>
    %reduce_min3A_12 = vector.multi_reduction <minsi>, %select_n3A, %reduce_min3A [1] : vector<256x64xi32> to vector<256xi32>
    %broadcast_in_dim3A_13 = vector.shape_cast %reduce_min3A_12 : vector<256xi32> to vector<256x1xi32>
    %eq3A_14 = vector.broadcast %broadcast_in_dim3A_13 : vector<256x1xi32> to vector<256x64xi32>
    %eq3A_15 = arith.cmpi eq, %iota3A, %eq3A_14 : vector<256x64xi32>
    %jit3A_16 = arith.constant 0xFF800000 : f32
    %broadcast_in_dim3A_17 = vector.broadcast %jit3A_16 : f32 to vector<256x64xf32>
    %select_n3A_18 = arith.select %eq3A_15, %broadcast_in_dim3A_17, %dot_general3A_7 : vector<256x64xi1>, vector<256x64xf32>
    %reduce_max3A_19 = arith.constant dense<0xFF800000> : vector<256xf32>
    %reduce_max3A_20 = vector.multi_reduction <maximumf>, %select_n3A_18, %reduce_max3A_19 [1] : vector<256x64xf32> to vector<256xf32>
    %broadcast_in_dim3A_21 = vector.shape_cast %reduce_max3A_20 : vector<256xf32> to vector<256x1xf32>
    %eq3A_22 = vector.broadcast %broadcast_in_dim3A_21 : vector<256x1xf32> to vector<256x64xf32>
    %eq3A_23 = arith.cmpf oeq, %select_n3A_18, %eq3A_22 : vector<256x64xf32>
    %jit3A_24 = arith.constant 64 : i32
    %broadcast_in_dim3A_25 = vector.broadcast %jit3A_24 : i32 to vector<256x64xi32>
    %select_n3A_26 = arith.select %eq3A_23, %iota3A, %broadcast_in_dim3A_25 : vector<256x64xi1>, vector<256x64xi32>
    %reduce_min3A_27 = arith.constant dense<2147483647> : vector<256xi32>
    %reduce_min3A_28 = vector.multi_reduction <minsi>, %select_n3A_26, %reduce_min3A_27 [1] : vector<256x64xi32> to vector<256xi32>
    %broadcast_in_dim3A_29 = vector.shape_cast %reduce_min3A_28 : vector<256xi32> to vector<256x1xi32>
    %sub3A = arith.subf %broadcast_in_dim3A, %broadcast_in_dim3A_21 : vector<256x1xf32>
    %logistic3A = arith.negf %sub3A : vector<256x1xf32>
    %logistic3A_30 = math.exp %logistic3A : vector<256x1xf32>
    %logistic3A_31 = arith.constant 1.000000e+00 : f32
    %logistic3A_32 = vector.broadcast %logistic3A_31 : f32 to vector<256x1xf32>
    %logistic3A_33 = arith.addf %logistic3A_32, %logistic3A_30 : vector<256x1xf32>
    %logistic3A_34 = arith.divf %logistic3A_32, %logistic3A_33 : vector<256x1xf32>
    %sub3A_35 = arith.subf %broadcast_in_dim3A_21, %broadcast_in_dim3A : vector<256x1xf32>
    %logistic3A_36 = arith.negf %sub3A_35 : vector<256x1xf32>
    %logistic3A_37 = math.exp %logistic3A_36 : vector<256x1xf32>
    %logistic3A_38 = arith.constant 1.000000e+00 : f32
    %logistic3A_39 = vector.broadcast %logistic3A_38 : f32 to vector<256x1xf32>
    %logistic3A_40 = arith.addf %logistic3A_39, %logistic3A_37 : vector<256x1xf32>
    %logistic3A_41 = arith.divf %logistic3A_39, %logistic3A_40 : vector<256x1xf32>
    %eq3A_42 = vector.broadcast %broadcast_in_dim3A_13 : vector<256x1xi32> to vector<256x64xi32>
    %eq3A_43 = arith.cmpi eq, %iota3A, %eq3A_42 : vector<256x64xi32>
    %convert_element_type3A_44 = arith.extui %eq3A_43 : vector<256x64xi1> to vector<256x64xi32>
    %convert_element_type3A_45 = arith.sitofp %convert_element_type3A_44 : vector<256x64xi32> to vector<256x64xf32>
    %eq3A_46 = vector.broadcast %broadcast_in_dim3A_29 : vector<256x1xi32> to vector<256x64xi32>
    %eq3A_47 = arith.cmpi eq, %iota3A, %eq3A_46 : vector<256x64xi32>
    %convert_element_type3A_48 = arith.extui %eq3A_47 : vector<256x64xi1> to vector<256x64xi32>
    %convert_element_type3A_49 = arith.sitofp %convert_element_type3A_48 : vector<256x64xi32> to vector<256x64xf32>
    %add3A = arith.addf %convert_element_type3A_45, %convert_element_type3A_49 : vector<256x64xf32>
    %iota3A_50 = tpu.iota {dimensions = array<i32: 0>} : vector<256x256xi32>
    %iota3A_51 = tpu.iota {dimensions = array<i32: 1>} : vector<256x256xi32>
    %gt3A = arith.cmpi sgt, %iota3A_50, %iota3A_51 : vector<256x256xi32>
    %convert_element_type3A_52 = arith.extui %gt3A : vector<256x256xi1> to vector<256x256xi32>
    %convert_element_type3A_53 = arith.sitofp %convert_element_type3A_52 : vector<256x256xi32> to vector<256x256xf32>
    %get3A_54 = arith.constant 0 : index
    %get3A_55 = arith.constant 0 : index
    %get3A_56 = vector.load %arg7[%get3A_54, %get3A_55] : memref<8x64xf32, #tpu.memory_space<vmem>>, vector<1x64xf32>
    %dot_general3A_57 = arith.constant dense<0.000000e+00> : vector<256x64xf32>
    %dot_general3A_58 = tpu.matmul %convert_element_type3A_53, %add3A, %dot_general3A_57 {dimension_numbers = #tpu.dot_dimension_numbers<[1], [0], [0], [1], [0, 0, 1, 1], [], []>, transpose_lhs_hint = false} : vector<256x256xf32>, vector<256x64xf32>, vector<256x64xf32> -> vector<256x64xf32>
    %add3A_59 = vector.broadcast %get3A_56 : vector<1x64xf32> to vector<256x64xf32>
    %add3A_60 = arith.addf %dot_general3A_58, %add3A_59 : vector<256x64xf32>
    %mul3A = arith.mulf %add3A_60, %convert_element_type3A_45 : vector<256x64xf32>
    %reduce_sum3A = arith.constant dense<0.000000e+00> : vector<256xf32>
    %reduce_sum3A_61 = vector.multi_reduction <add>, %mul3A, %reduce_sum3A [1] : vector<256x64xf32> to vector<256xf32>
    %broadcast_in_dim3A_62 = vector.shape_cast %reduce_sum3A_61 : vector<256xf32> to vector<256x1xf32>
    %convert_element_type3A_63 = arith.fptosi %broadcast_in_dim3A_62 : vector<256x1xf32> to vector<256x1xi32>
    %mul3A_64 = arith.mulf %add3A_60, %convert_element_type3A_49 : vector<256x64xf32>
    %reduce_sum3A_65 = arith.constant dense<0.000000e+00> : vector<256xf32>
    %reduce_sum3A_66 = vector.multi_reduction <add>, %mul3A_64, %reduce_sum3A_65 [1] : vector<256x64xf32> to vector<256xf32>
    %broadcast_in_dim3A_67 = vector.shape_cast %reduce_sum3A_66 : vector<256xf32> to vector<256x1xf32>
    %convert_element_type3A_68 = arith.fptosi %broadcast_in_dim3A_67 : vector<256x1xf32> to vector<256x1xi32>
    %reduce_sum3A_69 = arith.constant dense<0.000000e+00> : vector<64xf32>
    %reduce_sum3A_70 = vector.multi_reduction <add>, %add3A, %reduce_sum3A_69 [0] : vector<256x64xf32> to vector<64xf32>
    %broadcast_in_dim3A_71 = vector.shape_cast %reduce_sum3A_70 : vector<64xf32> to vector<1x64xf32>
    %add3A_72 = arith.addf %get3A_56, %broadcast_in_dim3A_71 : vector<1x64xf32>
    %swap3A = arith.constant 0 : index
    %swap3A_73 = arith.constant 0 : index
    %swap3A_74 = vector.load %arg7[%swap3A, %swap3A_73] : memref<8x64xf32, #tpu.memory_space<vmem>>, vector<1x64xf32>
    tpu.vector_store %arg7[%swap3A, %swap3A_73], %add3A_72 {strides = array<i32>} : memref<8x64xf32, #tpu.memory_space<vmem>>, vector<1x64xf32>,
    %lt3A = arith.constant 160 : i32
    %lt3A_75 = vector.broadcast %lt3A : i32 to vector<256x1xi32>
    %lt3A_76 = arith.cmpi slt, %convert_element_type3A_63, %lt3A_75 : vector<256x1xi32>
    %lt3A_77 = arith.constant 160 : i32
    %lt3A_78 = vector.broadcast %lt3A_77 : i32 to vector<256x1xi32>
    %lt3A_79 = arith.cmpi slt, %convert_element_type3A_68, %lt3A_78 : vector<256x1xi32>
    %mul3A_80 = arith.constant 160 : i32
    %mul3A_81 = vector.broadcast %mul3A_80 : i32 to vector<256x1xi32>
    %mul3A_82 = arith.muli %broadcast_in_dim3A_13, %mul3A_81 : vector<256x1xi32>
    %add3A_83 = arith.addi %mul3A_82, %convert_element_type3A_63 : vector<256x1xi32>
    %mul3A_84 = arith.constant 160 : i32
    %mul3A_85 = vector.broadcast %mul3A_84 : i32 to vector<256x1xi32>
    %mul3A_86 = arith.muli %broadcast_in_dim3A_29, %mul3A_85 : vector<256x1xi32>
    %add3A_87 = arith.addi %mul3A_86, %convert_element_type3A_68 : vector<256x1xi32>
    %mul3A_88 = arith.constant 256 : i32
    %mul3A_89 = arith.muli %arg0, %mul3A_88 : i32
    %iota3A_90 = tpu.iota {dimensions = array<i32: 0>} : vector<256x1xi32>
    %add3A_91 = vector.broadcast %mul3A_89 : i32 to vector<256x1xi32>
    %add3A_92 = arith.addi %add3A_91, %iota3A_90 : vector<256x1xi32>
    %rem3A = arith.constant 32 : i32
    %rem3A_93 = vector.broadcast %rem3A : i32 to vector<256x1xi32>
    %rem3A_94 = arith.remsi %add3A_92, %rem3A_93 : vector<256x1xi32>
    %add3A_95 = arith.constant 10240 : i32
    %add3A_96 = vector.broadcast %add3A_95 : i32 to vector<256x1xi32>
    %add3A_97 = arith.addi %add3A_96, %rem3A_94 : vector<256x1xi32>
    %select_n3A_98 = arith.select %lt3A_76, %add3A_83, %add3A_97 : vector<256x1xi1>, vector<256x1xi32>
    %select_n3A_99 = arith.select %lt3A_79, %add3A_87, %add3A_97 : vector<256x1xi1>, vector<256x1xi32>
    %reshape3A = vector.shape_cast %select_n3A_98 : vector<256x1xi32> to vector<1x2x4x1x32xi32>
    %reshape3A_100 = vector.shape_cast %select_n3A_99 : vector<256x1xi32> to vector<1x2x4x1x32xi32>
    %concatenate3A = tpu.concatenate %reshape3A, %reshape3A_100 in 3 : vector<1x2x4x1x32xi32>, vector<1x2x4x1x32xi32> -> vector<1x2x4x2x32xi32>
    %reshape3A_101 = vector.shape_cast %concatenate3A : vector<1x2x4x2x32xi32> to vector<1x2x8x32xi32>
    %swap3A_102 = arith.constant 0 : index
    %swap3A_103 = arith.constant 0 : index
    %swap3A_104 = arith.constant 0 : index
    %swap3A_105 = arith.constant 0 : index
    %swap3A_106 = vector.load %arg3[%swap3A_102, %swap3A_103, %swap3A_104, %swap3A_105] : memref<1x2x8x32xi32, #tpu.memory_space<vmem>>, vector<1x2x8x32xi32>
    tpu.vector_store %arg3[%swap3A_102, %swap3A_103, %swap3A_104, %swap3A_105], %reshape3A_101 {strides = array<i32>} : memref<1x2x8x32xi32, #tpu.memory_space<vmem>>, vector<1x2x8x32xi32>,
    %jit3A_107 = arith.constant 0 : i32
    %broadcast_in_dim3A_108 = vector.broadcast %jit3A_107 : i32 to vector<256x1xi32>
    %select_n3A_109 = arith.select %lt3A_76, %add3A_83, %broadcast_in_dim3A_108 : vector<256x1xi1>, vector<256x1xi32>
    %reshape3A_110 = vector.shape_cast %select_n3A_109 : vector<256x1xi32> to vector<1x1x256xi32>
    %jit3A_111 = arith.constant 0 : i32
    %broadcast_in_dim3A_112 = vector.broadcast %jit3A_111 : i32 to vector<256x1xi32>
    %select_n3A_113 = arith.select %lt3A_79, %add3A_87, %broadcast_in_dim3A_112 : vector<256x1xi1>, vector<256x1xi32>
    %reshape3A_114 = vector.shape_cast %select_n3A_113 : vector<256x1xi32> to vector<1x1x256xi32>
    %concatenate3A_115 = tpu.concatenate %reshape3A_110, %reshape3A_114 in 1 : vector<1x1x256xi32>, vector<1x1x256xi32> -> vector<1x2x256xi32>
    %swap3A_116 = arith.constant 0 : index
    %swap3A_117 = arith.constant 0 : index
    %swap3A_118 = arith.constant 0 : index
    %swap3A_119 = vector.load %arg4[%swap3A_116, %swap3A_117, %swap3A_118] : memref<1x2x256xi32, #tpu.memory_space<vmem>>, vector<1x2x256xi32>
    tpu.vector_store %arg4[%swap3A_116, %swap3A_117, %swap3A_118], %concatenate3A_115 {strides = array<i32>} : memref<1x2x256xi32, #tpu.memory_space<vmem>>, vector<1x2x256xi32>,
    %jit3A_120 = arith.constant 0.000000e+00 : f32
    %broadcast_in_dim3A_121 = vector.broadcast %jit3A_120 : f32 to vector<256x1xf32>
    %select_n3A_122 = arith.select %lt3A_76, %logistic3A_34, %broadcast_in_dim3A_121 : vector<256x1xi1>, vector<256x1xf32>
    %jit3A_123 = arith.constant 0.000000e+00 : f32
    %broadcast_in_dim3A_124 = vector.broadcast %jit3A_123 : f32 to vector<256x1xf32>
    %select_n3A_125 = arith.select %lt3A_79, %logistic3A_41, %broadcast_in_dim3A_124 : vector<256x1xi1>, vector<256x1xf32>
    %concatenate3A_126 = tpu.concatenate %select_n3A_122, %select_n3A_125 in 1 : vector<256x1xf32>, vector<256x1xf32> -> vector<256x2xf32>
    %swap3A_127 = arith.constant 0 : index
    %swap3A_128 = arith.constant 0 : index
    %swap3A_129 = vector.load %arg5[%swap3A_127, %swap3A_128] : memref<256x2xf32, #tpu.memory_space<vmem>>, vector<256x2xf32>
    tpu.vector_store %arg5[%swap3A_127, %swap3A_128], %concatenate3A_126 {strides = array<i32>} : memref<256x2xf32, #tpu.memory_space<vmem>>, vector<256x2xf32>,
    %eq3A_130 = arith.constant 15 : i32
    %eq3A_131 = arith.cmpi eq, %arg0, %eq3A_130 : i32
    %convert_element_type3A_132 = arith.extui %eq3A_131 : i1 to i32
    %cond3A_133 = arith.constant 0 : i32
    %cond3A_134 = arith.cmpi ne, %convert_element_type3A_132, %cond3A_133 : i32
    scf.if %cond3A_134 {
      %convert_element_type3A_135 = arith.fptosi %add3A_72 : vector<1x64xf32> to vector<1x64xi32>
      %reshape3A_136 = vector.shape_cast %convert_element_type3A_135 : vector<1x64xi32> to vector<64x1x1xi32>
      %iota3A_137 = tpu.iota {dimensions = array<i32: 1>} : vector<64x160x1xi32>
      %lt3A_138 = vector.broadcast %reshape3A_136 : vector<64x1x1xi32> to vector<64x160x1xi32>
      %lt3A_139 = arith.cmpi slt, %iota3A_137, %lt3A_138 : vector<64x160x1xi32>
      %convert_element_type3A_140 = arith.extui %lt3A_139 : vector<64x160x1xi1> to vector<64x160x1xi32>
      %convert_element_type3A_141 = arith.sitofp %convert_element_type3A_140 : vector<64x160x1xi32> to vector<64x160x1xf32>
      %swap3A_142 = arith.constant 0 : index
      %swap3A_143 = arith.constant 0 : index
      %swap3A_144 = arith.constant 0 : index
      %swap3A_145 = vector.load %arg6[%swap3A_142, %swap3A_143, %swap3A_144] : memref<64x160x1xf32, #tpu.memory_space<vmem>>, vector<64x160x1xf32>
      tpu.vector_store %arg6[%swap3A_142, %swap3A_143, %swap3A_144], %convert_element_type3A_141 {strides = array<i32>} : memref<64x160x1xf32, #tpu.memory_space<vmem>>, vector<64x160x1xf32>,
    } else {
    }
    return
  }
  func.func @transform_0(%arg0: i32) -> (i32, i32) {
    %c0_i32 = arith.constant 0 : i32
    %c0_i32_0 = arith.constant 0 : i32
    return %arg0, %c0_i32 : i32, i32
  }
  func.func @transform_1(%arg0: i32) -> (i32, i32) {
    %c0_i32 = arith.constant 0 : i32
    %c0_i32_0 = arith.constant 0 : i32
    %c0_i32_1 = arith.constant 0 : i32
    return %c0_i32, %c0_i32_0 : i32, i32
  }
  func.func @transform_2(%arg0: i32) -> (i32, i32, i32, i32) {
    %c0_i32 = arith.constant 0 : i32
    %c0_i32_0 = arith.constant 0 : i32
    %c0_i32_1 = arith.constant 0 : i32
    %c0_i32_2 = arith.constant 0 : i32
    return %arg0, %c0_i32, %c0_i32_0, %c0_i32_1 : i32, i32, i32, i32
  }
  func.func @transform_3(%arg0: i32) -> (i32, i32, i32) {
    %c0_i32 = arith.constant 0 : i32
    %c0_i32_0 = arith.constant 0 : i32
    %c0_i32_1 = arith.constant 0 : i32
    return %arg0, %c0_i32, %c0_i32_0 : i32, i32, i32
  }
  func.func @transform_4(%arg0: i32) -> (i32, i32) {
    %c0_i32 = arith.constant 0 : i32
    %c0_i32_0 = arith.constant 0 : i32
    return %arg0, %c0_i32 : i32, i32
  }
  func.func @transform_5(%arg0: i32) -> (i32, i32, i32) {
    %c0_i32 = arith.constant 0 : i32
    %c0_i32_0 = arith.constant 0 : i32
    %c0_i32_1 = arith.constant 0 : i32
    %c0_i32_2 = arith.constant 0 : i32
    return %c0_i32, %c0_i32_0, %c0_i32_1 : i32, i32, i32
  }
}

</mosaic_0001>

<sc_bundles>
// kernel: kernel.10.cloned.1.call-start
scs
__scs_entry_jumppad:
0x0: {  	(pc) =	sbr.rel $0x88, $3  }
0x1: {  	(tag) =	ssettag $0x0;
	lr =	simm.s32 $0x1  }
0x2: {  	[smem:$0x3F99] =	sst lr;
	_ =	strace $0xD0000000  }
0x3: {  	_ = 	snop  }
0x4: {  	_ = 	snop  }
0x5: {  	_ = 	snop  }
0x6: {  	_ = 	snop  }
0x7: {  	_ = 	snop  }
__scs_overlays_trampoline_lowered:
0x8: {  	[smem:$0x3FA8] =	sst s0  }
0x9: {  	[smem:$0x3FA9] =	sst s1  }
0xa: {  	[smem:$0x3FAA] =	sst s2  }
0xb: {  	[smem:$0x3FAB] =	sst s3  }
0xc: {  	[smem:$0x3FAC] =	sst s4  }
0xd: {  	[smem:$0x3FAD] =	sst s5  }
0xe: {  	[smem:$0x3FAE] =	sst s6  }
0xf: {  	[smem:$0x3FAF] =	sst s7  }
0x10: {  	[smem:$0x3FB0] =	sst s8  }
0x11: {  	[smem:$0x3FB1] =	sst s9;
	s0 =	simm.s32 @!p0 $0x0  }
0x12: {  	s1 =	sld [smem:$0x3F97];
	s0 =	simm.s32 @p0 $0x1  }
0x13: {  	[smem:$0x3FB2] =	sst s0;
	s0 =	simm.s32 @!p1 $0x0  }
0x14: {  	s2 =	sld [smem:$0x3F96];
	s0 =	simm.s32 @p1 $0x1  }
0x15: {  	[smem:$0x3FB3] =	sst s0;
	s0 =	simm.s32 @!p2 $0x0  }
0x16: {  	s3 =	sld [smem:$0x3FDB];
	s0 =	simm.s32 @p2 $0x1  }
0x17: {  	s4 =	simm.s32 $0x1BF5;
	[smem:$0x3FB5] =	sst s0  }
0x18: {  	s0 =	sld [smem:$0x3F98];
	_ =	swait.ge [sflag:s4], $0x0  }
0x19: {  	s7 =	sld [smem:$0x3F99]  }
0x1a: {  	s8 =	sadd.s32 $0xFFFFE003, lr  }
0x1b: {  	s9 =	sadd.s32 $0xFFFFFEF7, lr;
	s5 =	simm.s32 $0xFFFFFFFF;
	p2 =	slt.u32 s8, $0xFFFFF086  }
0x1c: {  	p1 =	slt.u32 s9, $0xF7A;
	s5 =	simm.s32 @!p2 $0x0  }
0x1d: {  	s5 =	simm.s32 @p1 $0x1;
	p0 =	seq.s32 s7, s2  }
0x1e: {  	s7 =	smul.u32 @!p0 $0xF7A, s2;
	p2 =	seq.s32 @!p0 s5, $0x0  }
0x1f: {  	s9 =	smul.u32 $0xF7A, s1;
	s8 =	simm.s32 @!p0 $0x1BF5;
	p2 =	por !p2, p0  }
0x20: {  	[sflag:s8] =	ssyncset.s32 @!p0 $0xFFFFF086;
	s6 =	sadd.s32 @!p0 s3, s7;
	s7 =	simm.s32 @!p0 $0x108  }
0x21: {  	s3 =	sadd.s32 s3, s9;
	s6 =	sadd.s32 @!p0 $0x88, s6;
	s7 =	simm.s32 @p2 $0x1082  }
0x22: {  	[simem:s7], [sflag:s8] =	dma.local @!p0 [hbm:s6], $0xF7A  }
0x23: {  	s9 =	sor.u32 $0xD0000000, s2;
	s6 =	simm.s32 $0x108;
	_ =	swait.ge @!p0 [sflag:s8], $0x0  }
0x24: {  	s3 =	sadd.s32 $0x88, s3;
	s6 =	simm.s32 @!p1 $0x1082;
	[sflag:s4] =	ssyncset.s32 $0xFFFFF086  }
0x25: {  	[simem:s6], [sflag:s4] =	dma.local [hbm:s3], $0xF7A  }
0x26: {  	[smem:$0x3F99] =	sst s1;
	(tag) =	ssettag s2;
	_ =	strace s9  }
0x27: {  	s1 =	sld [smem:$0x3FA9]  }
0x28: {  	s2 =	sld [smem:$0x3FAA]  }
0x29: {  	s4 =	sld [smem:$0x3FAC]  }
0x2a: {  	p0 =	seq.s32 s5, $0x0;
	s5 =	sld [smem:$0x3FAD]  }
0x2b: {  	s6 =	sld [smem:$0x3FAE]  }
0x2c: {  	s7 =	sld [smem:$0x3FAF]  }
0x2d: {  	s3 =	simm.s32 $0x108;
	s8 =	sld [smem:$0x3FB0]  }
0x2e: {  	s3 =	simm.s32 @!p0 $0x1082;
	s9 =	sld [smem:$0x3FB1]  }
0x2f: {  	lr =	sadd.s32 s0, s3;
	s0 =	sld [smem:$0x3FA8]  }
0x30: {  	s3 =	sld [smem:$0x3FAB]  }
0x31: {  	[smem:$0x3FB4] =	sst s10  }
0x32: {  	s10 =	sld [smem:$0x3FB2];
	_ =	sdelay $0x3  }
0x33: {  	p0 =	seq.s32 s10, $0x1;
	s10 =	sld [smem:$0x3FB4];
	_ =	sdelay $0x3  }
0x34: {  	[smem:$0x3FB4] =	sst s10  }
0x35: {  	s10 =	sld [smem:$0x3FB3];
	_ =	sdelay $0x3  }
0x36: {  	p1 =	seq.s32 s10, $0x1;
	s10 =	sld [smem:$0x3FB4];
	_ =	sdelay $0x3  }
0x37: {  	[smem:$0x3FB4] =	sst s10  }
0x38: {  	s10 =	sld [smem:$0x3FB5]  }
0x39: {  	_ = 	snop;
	(pc) =	sbr.ind lr, $3  }
0x3a: {  	_ = 	snop  }
0x3b: {  	_ = 	snop  }
0x3c: {  	p2 =	seq.s32 s10, $0x1;
	s10 =	sld [smem:$0x3FB4]  }
0x3d: {  	_ =	shalt  }
0x3e: {  	_ =	shalt  }
0x3f: {  	_ =	shalt  }
0x40: {  	_ =	shalt  }
0x41: {  	_ =	shalt  }
0x42: {  	_ =	shalt  }
0x43: {  	_ =	shalt  }
0x44: {  	_ =	shalt  }
0x45: {  	_ =	shalt  }
0x46: {  	_ =	shalt  }
0x47: {  	_ =	shalt  }
0x48: {  	_ =	shalt  }
0x49: {  	_ =	shalt  }
0x4a: {  	_ =	shalt  }
0x4b: {  	_ =	shalt  }
0x4c: {  	_ =	shalt  }
0x4d: {  	_ =	shalt  }
0x4e: {  	_ =	shalt  }
0x4f: {  	_ =	shalt  }
0x50: {  	_ =	shalt  }
0x51: {  	_ =	shalt  }
0x52: {  	_ =	shalt  }
0x53: {  	_ =	shalt  }
0x54: {  	_ =	shalt  }
0x55: {  	_ =	shalt  }
0x56: {  	_ =	shalt  }
0x57: {  	_ =	shalt  }
0x58: {  	_ =	shalt  }
0x59: {  	_ =	shalt  }
0x5a: {  	_ =	shalt  }
0x5b: {  	_ =	shalt  }
0x5c: {  	_ =	shalt  }
0x5d: {  	_ =	shalt  }
0x5e: {  	_ =	shalt  }
0x5f: {  	_ =	shalt  }
0x60: {  	_ =	shalt  }
0x61: {  	_ =	shalt  }
0x62: {  	_ =	shalt  }
0x63: {  	_ =	shalt  }
0x64: {  	_ =	shalt  }
0x65: {  	_ =	shalt  }
0x66: {  	_ =	shalt  }
0x67: {  	_ =	shalt  }
0x68: {  	_ =	shalt  }
0x69: {  	_ =	shalt  }
0x6a: {  	_ =	shalt  }
0x6b: {  	_ =	shalt  }
0x6c: {  	_ =	shalt  }
0x6d: {  	_ =	shalt  }
0x6e: {  	_ =	shalt  }
0x6f: {  	_ =	shalt  }
0x70: {  	_ =	shalt  }
0x71: {  	_ =	shalt  }
0x72: {  	_ =	shalt  }
0x73: {  	_ =	shalt  }
0x74: {  	_ =	shalt  }
0x75: {  	_ =	shalt  }
0x76: {  	_ =	shalt  }
0x77: {  	_ =	shalt  }
0x78: {  	_ =	shalt  }
0x79: {  	_ =	shalt  }
0x7a: {  	_ =	shalt  }
0x7b: {  	_ =	shalt  }
0x7c: {  	_ =	shalt  }
0x7d: {  	_ =	shalt  }
0x7e: {  	_ =	shalt  }
0x7f: {  	_ =	shalt  }
0x80: {  	_ =	shalt  }
0x81: {  	_ =	shalt  }
0x82: {  	_ =	shalt  }
0x83: {  	_ =	shalt  }
0x84: {  	_ =	shalt  }
0x85: {  	_ =	shalt  }
0x86: {  	_ =	shalt  }
0x87: {  	_ =	shalt  }
.Lfunc_end0:
.L_simem_size_0:
called_computation.1_lowered:
.L_overlay_start_0:
0x88: {  	s2 =	sld [smem:$0x3FD9]  }
0x89: {  	s3 =	sld [smem:$0x3FFE];
	_ =	sdelay $0x1  }
0x8a: {  	s1 =	srdreg.scid  }
0x8b: {  	s0 =	sand.u32 $0x1, s1  }
0x8c: {  	s16 =	sshll.u32 s0, $0xA;
	s2 =	sadd.s32 s3, s2  }
0x8d: {  	s2 =	sadd.s32 s2, s16  }
0x8e: {  	[smem:$0x3FC0] =	sst s2  }
0x8f: {  	_ = 	snop  }
0x90: {  	(tm) =	ssettm $0x1  }
0x91: {  	s17 =	sld [smem:$0x3FFB];
	_ =	sdelay $0x3  }
0x92: {  	_ =	strace s17  }
0x93: {  	s2 =	sld [smem:$0x3FFC];
	_ =	sdelay $0x3  }
0x94: {  	_ =	strace s2  }
0x95: {  	s2 =	sld [smem:$0x3FFD];
	_ =	sdelay $0x3  }
0x96: {  	_ =	strace s2  }
0x97: {  	_ =	strace $0x8FFFFFFF  }
0x98: {  	s18 =	sld [smem:$0x3FDB];
	_ =	sdelay $0x1  }
0x99: {  	s19 =	simm.s32 $_scs_section_size  }
0x9a: {  	s4 =	simm.s32 $_size__tile_overlayer_lowered;
	s5 =	simm.s32 $_tile_overlayer_lowered  }
0x9b: {  	s22 =	simm.s32 $0x1BFF;
	s21 =	sshll.u32 s5, $0x1;
	s2 =	sadd.s32 s19, s18  }
0x9c: {  	s6 =	simm.s32 $0x0;
	s20 =	sshll.u32 s4, $0x1;
	s4 =	sadd.s32 s21, s2  }
0x9d: {  	[timem:s6], [sflag:s22] =	dma.local [hbm:s4], s20  }
0x9e: {  	_ =	swait.ge [sflag:s22], s20  }
0x9f: {  	s3 =	ssub.s32 $0x0, s20;
	[sflag:s22] =	ssyncset.done $0x0  }
0xa0: {  	[sflag:s22] =	ssyncadd.s32 s3;
	_ =	sdelay $0x1  }
0xa1: {  	s23 =	simm.s32 $0x1B8B  }
0xa2: {  	_ =	swait.ge [sflag:s23], $0x1  }
0xa3: {  	[sflag:s23] =	ssyncset.done $0x0  }
0xa4: {  	s25 =	simm.s32 $0x1B8E;
	s24 =	sld [smem:$0x3FFE];
	[sflag:s23] =	ssyncadd.s32 $0xFFFFFFFF  }
0xa5: {  	s26 =	simm.s32 $execute0_lowered;
	[smem:$0x3FD2] =	sst s25  }
0xa6: {  	s4 =	sshll.u32 s26, $0x1;
	_ =	strace $0x80000049;
	[dreg:$0x1] =	wrdreg $0xFFFFFFFF  }
0xa7: {  	s28 =	simm.s32 $_size_execute0_lowered;
	s2 =	sadd.s32 s2, s4;
	[dreg:$0x0] =	wrdreg $0x0  }
0xa8: {  	s4 =	sshll.u32 s28, $0x1;
	[dreg:$0x2] =	wrdreg s2  }
0xa9: {  	[dreg:$0x3] =	wrdreg s4  }
0xaa: {  	[dreg:$0x4] =	wrdreg $0xC0  }
0xab: {  	_ =	task [dreg:s6], $0x5FFFF  }
0xac: {  	[dreg:$0x1] =	wrdreg $0xFFFFFFFF  }
0xad: {  	[dreg:$0x0] =	wrdreg $0x60  }
0xae: {  	[dreg:$0x2] =	wrdreg s24  }
0xaf: {  	[dreg:$0x3] =	wrdreg $0x9  }
0xb0: {  	_ =	task.clear_ibuf [dreg:s6], $0x4FFFF;
	_ =	strace $0x90000049  }
0xb1: {  	s29 =	simm.s32 $0x9;
	_ =	strace $0x8000004B  }
0xb2: {  	_ =	swait.ge [sflag:s29], $0x1  }
0xb3: {  	[sflag:s29] =	ssyncadd.s32 $0xFFFFFFFF  }
0xb4: {  	_ =	strace $0x9000004B  }
0xb5: {  	_ =	sfence  }
0xb6: {  	s30 =	sld [smem:$0x0];
	_ =	sdelay $0x2  }
0xb7: {  	s31 =	sshll.u32 s1, $0xD;
	s1 =	sshrl.u32 s1, $0x2  }
0xb8: {  	s3 =	sand.u32 $0x4000, s31;
	s1 =	sadd.s32 s1, s30  }
0xb9: {  	s0 =	sor.u32 s3, s0;
	s1 =	sshll.u32 s1, $0x11  }
0xba: {  	s0 =	sor.u32 s1, s0  }
0xbb: {  	s0 =	sadd.s32 $0x8F2B, s0  }
0xbc: {  	[sflag:s0] =	ssyncadd.remote.s32 $0x1  }
0xbd: {  	_ =	sfence.sel $0xFFFF  }
0xbe: {  	[dreg:$0x0] =	wrdreg $0xFFFFFFFF;
	(pc) =	sbr.abs _section_cstart, $3  }
0xbf: {  	[dreg:$0x1] =	wrdreg $0xFFFFFFFF  }
0xc0: {  	_ =	task.clear_ibuf [dreg:s6], $0x2FFFF;
	_ =	strace $0x9FFFFFFF  }
0xc1: {  	(tm) =	ssettm $0x7FFFFFFF  }
tec
execute0_lowered:
.L_overlay_start_1:
0x0: {  	(tag) =	ssettag $0x1  }
0x1: {  	s0 =	srdreg.scid  }
0x2: {  	s2 =	stileid.u32;
	s1 =	rddreg [dreg:$0x0];
	s29 =	simm.s32 $0x400  }
0x3: {  	s8 =	simm.s32 $0x3;
	s10 =	simm.s32 $0x2;
	s11 =	simm.s32 $0x4  }
0x4: {  	s28 =	simm.s32 $0x1C00;
	s30 =	simm.s32 $0x2400;
	s17 =	simm.s32 $0x2C00  }
0x5: {  	s18 =	simm.s32 $0x3400;
	s19 =	simm.s32 $0x3C00;
	s20 =	simm.s32 $0x4400  }
0x6: {  	s0 =	sand.u32 $0x1, s0;
	s3 =	sshll.u32 s2, $0x1;
	s2 =	simm.s32 $0x0  }
0x7: {  	s6 =	sadd.s32 $0x1C00, s1;
	s3 =	sor.u32 s0, s3;
	[smem:$0x7FF] =	sst s2  }
0x8: {  	s0 =	ssub.s32 $0x2, s0;
	s4 =	sshll.u32 s3, $0x7;
	s5 =	smul.u32 $0x6000, s3  }
0x9: {  	s3 =	smul.u32 $0x30000, s3;
	s26 =	sshrl.u32 s0, $0x1;
	s4 =	sadd.s32 s4, s1  }
0xa: {  	_ =	strace $0x8000004A;
	s0 =	ssub.s32 s0, s26;
	s4 =	sadd.s32 $0xF6800, s4  }
0xb: {  	s26 =	simm.s32 $0x1400;
	s5 =	sadd.s32 s6, s5;
	[dreg:$0x2] =	wrdreg s4  }
0xc: {  	s3 =	sshrl.u32 s3, $0x3;
	s21 =	sadd.s32 $0xC00, s5;
	[dreg:$0xa] =	wrdreg s5  }
0xd: {  	s22 =	sadd.s32 $0x1800, s5;
	s3 =	sadd.s32 s6, s3;
	[dreg:$0x3] =	wrdreg s21  }
0xe: {  	s7 =	smax.u32 s0, $0x1;
	[dreg:$0x4] =	wrdreg s22;
	s23 =	sadd.s32 $0x2400, s3  }
0xf: {  	s4 =	sadd.s32 $0xF7800, s1;
	s24 =	sadd.s32 $0x3000, s3;
	[dreg:$0x5] =	wrdreg s23  }
0x10: {  	s5 =	sadd.s32 $0xF7900, s1;
	s25 =	sadd.s32 $0x3C00, s3;
	[dreg:$0x6] =	wrdreg s24  }
0x11: {  	s6 =	sadd.s32 $0xF7A00, s1;
	s31 =	sadd.s32 $0x4800, s3;
	[dreg:$0x7] =	wrdreg s25  }
0x12: {  	v2 =	vlaneseq.u32;
	s3 =	sadd.s32 $0x5400, s3;
	s21 =	simm.s32 $0x6400;
	[dreg:$0x8] =	wrdreg s31  }
0x13: {  	vm0 =	vmmov $0xffff;
	v1 =	vshrl.u32 v2, $0x3;
	s22 =	simm.s32 $0x4C00;
	[dreg:$0x9] =	wrdreg s3;
	s3 =	simm.s32 $0x1  }
0x14: {  	v0 =	vand.u32 $0x7, v2;
	v2 =	vor.u32 $0x8, v2;
	v1 =	vmul.u32 $0x8, v1;
	s25 =	simm.s32 $0xC00;
	s23 =	simm.s32 $0x5400;
	s24 =	simm.s32 $0x5C00  }
.LBB2_1:
0x15: {  	s12 =	rddreg [dreg:$0x2];
	s9 =	simm.s32 $0x5  }
0x16: {  	[tilespmem:s2], [sflag:$0x5] =	stream.linear.gather [hbm4b:s12+s2], $0x400, $0x38;
	[tilespmem:$0xC400] =	vst v63  }
0x17: {  	_ =	swait.ge [sflag:s9], $0x400  }
0x18: {  	[sflag:s9] =	ssyncset.done $0x0  }
0x19: {  	[sflag:s9] =	ssyncadd.s32 $0xFFFFFC00  }
0x1a: {  	v3 =	vld [tilespmem:$0x0];
	_ =	sdelay $0x4  }
0x1b: {  	v4 =	vshrl.u32 v3, $0x3  }
0x1c: {  	v4 =	vmul.u32 $0x30, v4  }
0x1d: {  	v3 =	vand.u32 $0x7, v3  }
0x1e: {  	v3 =	vor.u32 v3, v4  }
0x1f: {  	v4 =	vperm.xlane v3, v0;
	_ =	sdelay $0x1  }
0x20: {  	v4 =	vadd.s32 v1, v4;
	_ =	sdelay $0x3  }
0x21: {  	v3 =	vperm.xlane v3, v2  }
0x22: {  	[tilespmem:s29], [sflag:$0x1] =	stream.indirect_vreg.gather [hbm4b:s4+s2], $0x80, v4, vm0, $0xb8;
	[tilespmem:$0xC400] =	vst v63  }
0x23: {  	v3 =	vadd.s32 v1, v3  }
0x24: {  	[tilespmem:s25], [sflag:$0x1] =	stream.indirect_vreg.gather [hbm4b:s5+s2], $0x80, v4, vm0, $0xb8;
	[tilespmem:$0xC400] =	vst v63  }
0x25: {  	_ = 	snop  }
0x26: {  	[tilespmem:s26], [sflag:$0x1] =	stream.indirect_vreg.gather [hbm4b:s6+s2], $0x80, v4, vm0, $0xb8;
	[tilespmem:$0xC400] =	vst v63  }
0x27: {  	_ = 	snop  }
0x28: {  	[tilespmem:s28], [sflag:$0x1] =	stream.indirect_vreg.gather [hbm4b:s4+s2], $0x80, v3, vm0, $0xb8;
	[tilespmem:$0xC400] =	vst v63  }
0x29: {  	_ = 	snop  }
0x2a: {  	[tilespmem:s30], [sflag:$0x1] =	stream.indirect_vreg.gather [hbm4b:s5+s2], $0x80, v3, vm0, $0xb8;
	[tilespmem:$0xC400] =	vst v63  }
0x2b: {  	_ = 	snop  }
0x2c: {  	[tilespmem:s17], [sflag:$0x1] =	stream.indirect_vreg.gather [hbm4b:s6+s2], $0x80, v3, vm0, $0xb8;
	[tilespmem:$0xC400] =	vst v63  }
0x2d: {  	v3 =	vld [tilespmem:$0x10];
	_ =	sdelay $0x4  }
0x2e: {  	v49 =	vshrl.u32 v3, $0x3  }
0x2f: {  	v4 =	vmul.u32 $0x30, v49  }
0x30: {  	v3 =	vand.u32 $0x7, v3  }
0x31: {  	v3 =	vor.u32 v3, v4  }
0x32: {  	v4 =	vperm.xlane v3, v0;
	_ =	sdelay $0x1  }
0x33: {  	v4 =	vadd.s32 v1, v4;
	_ =	sdelay $0x3  }
0x34: {  	v3 =	vperm.xlane v3, v2  }
0x35: {  	[tilespmem:s18], [sflag:$0x1] =	stream.indirect_vreg.gather [hbm4b:s4+s2], $0x80, v4, vm0, $0xb8;
	[tilespmem:$0xC400] =	vst v63  }
0x36: {  	v3 =	vadd.s32 v1, v3  }
0x37: {  	[tilespmem:s19], [sflag:$0x1] =	stream.indirect_vreg.gather [hbm4b:s5+s2], $0x80, v4, vm0, $0xb8;
	[tilespmem:$0xC400] =	vst v63  }
0x38: {  	_ = 	snop  }
0x39: {  	[tilespmem:s20], [sflag:$0x1] =	stream.indirect_vreg.gather [hbm4b:s6+s2], $0x80, v4, vm0, $0xb8;
	[tilespmem:$0xC400] =	vst v63  }
0x3a: {  	_ = 	snop  }
0x3b: {  	[tilespmem:s22], [sflag:$0x1] =	stream.indirect_vreg.gather [hbm4b:s4+s2], $0x80, v3, vm0, $0xb8;
	[tilespmem:$0xC400] =	vst v63  }
0x3c: {  	_ = 	snop  }
0x3d: {  	[tilespmem:s23], [sflag:$0x1] =	stream.indirect_vreg.gather [hbm4b:s5+s2], $0x80, v3, vm0, $0xb8;
	[tilespmem:$0xC400] =	vst v63  }
0x3e: {  	_ = 	snop  }
0x3f: {  	[tilespmem:s24], [sflag:$0x1] =	stream.indirect_vreg.gather [hbm4b:s6+s2], $0x80, v3, vm0, $0xb8;
	[tilespmem:$0xC400] =	vst v63  }
0x40: {  	v3 =	vld [tilespmem:$0x80];
	_ =	sdelay $0x4  }
0x41: {  	v50 =	vshrl.u32 v3, $0x3  }
0x42: {  	v4 =	vmul.u32 $0x30, v50  }
0x43: {  	v3 =	vand.u32 $0x7, v3  }
0x44: {  	v3 =	vor.u32 v3, v4  }
0x45: {  	v4 =	vperm.xlane v3, v0;
	_ =	sdelay $0x1  }
0x46: {  	v4 =	vadd.s32 v1, v4;
	_ =	sdelay $0x3  }
0x47: {  	v3 =	vperm.xlane v3, v2  }
0x48: {  	[tilespmem:s21], [sflag:$0x2] =	stream.indirect_vreg.gather [hbm4b:s4+s2], $0x80, v4, vm0, $0xb8;
	[tilespmem:$0xC400] =	vst v63  }
0x49: {  	s0 =	simm.s32 $0x6C00;
	v3 =	vadd.s32 v1, v3  }
0x4a: {  	[tilespmem:s0], [sflag:$0x2] =	stream.indirect_vreg.gather [hbm4b:s5+s2], $0x80, v4, vm0, $0xb8;
	[tilespmem:$0xC400] =	vst v63  }
0x4b: {  	s12 =	simm.s32 $0x7400  }
0x4c: {  	[tilespmem:s12], [sflag:$0x2] =	stream.indirect_vreg.gather [hbm4b:s6+s2], $0x80, v4, vm0, $0xb8;
	[tilespmem:$0xC400] =	vst v63  }
0x4d: {  	s13 =	simm.s32 $0x7C00  }
0x4e: {  	[tilespmem:s13], [sflag:$0x2] =	stream.indirect_vreg.gather [hbm4b:s4+s2], $0x80, v3, vm0, $0xb8;
	[tilespmem:$0xC400] =	vst v63  }
0x4f: {  	s14 =	simm.s32 $0x8400  }
0x50: {  	[tilespmem:s14], [sflag:$0x2] =	stream.indirect_vreg.gather [hbm4b:s5+s2], $0x80, v3, vm0, $0xb8;
	[tilespmem:$0xC400] =	vst v63  }
0x51: {  	s15 =	simm.s32 $0x8C00  }
0x52: {  	[tilespmem:s15], [sflag:$0x2] =	stream.indirect_vreg.gather [hbm4b:s6+s2], $0x80, v3, vm0, $0xb8;
	[tilespmem:$0xC400] =	vst v63  }
0x53: {  	v3 =	vld [tilespmem:$0x90];
	_ =	sdelay $0x4  }
0x54: {  	v51 =	vshrl.u32 v3, $0x3  }
0x55: {  	v4 =	vmul.u32 $0x30, v51  }
0x56: {  	v3 =	vand.u32 $0x7, v3  }
0x57: {  	v3 =	vor.u32 v3, v4  }
0x58: {  	v4 =	vperm.xlane v3, v0;
	_ =	sdelay $0x1  }
0x59: {  	v4 =	vadd.s32 v1, v4;
	_ =	sdelay $0x3  }
0x5a: {  	s16 =	simm.s32 $0x9400;
	v3 =	vperm.xlane v3, v2  }
0x5b: {  	[tilespmem:s16], [sflag:$0x2] =	stream.indirect_vreg.gather [hbm4b:s4+s2], $0x80, v4, vm0, $0xb8;
	[tilespmem:$0xC400] =	vst v63  }
0x5c: {  	s31 =	simm.s32 $0x9C00;
	v3 =	vadd.s32 v1, v3  }
0x5d: {  	[tilespmem:s31], [sflag:$0x2] =	stream.indirect_vreg.gather [hbm4b:s5+s2], $0x80, v4, vm0, $0xb8;
	[tilespmem:$0xC400] =	vst v63  }
0x5e: {  	s1 =	simm.s32 $0xA400  }
0x5f: {  	[tilespmem:s1], [sflag:$0x2] =	stream.indirect_vreg.gather [hbm4b:s6+s2], $0x80, v4, vm0, $0xb8;
	[tilespmem:$0xC400] =	vst v63  }
0x60: {  	s9 =	simm.s32 $0xAC00  }
0x61: {  	[tilespmem:s9], [sflag:$0x2] =	stream.indirect_vreg.gather [hbm4b:s4+s2], $0x80, v3, vm0, $0xb8;
	[tilespmem:$0xC400] =	vst v63  }
0x62: {  	s13 =	simm.s32 $0xB400  }
0x63: {  	[tilespmem:s13], [sflag:$0x2] =	stream.indirect_vreg.gather [hbm4b:s5+s2], $0x80, v3, vm0, $0xb8;
	[tilespmem:$0xC400] =	vst v63  }
0x64: {  	s14 =	simm.s32 $0xBC00  }
0x65: {  	[tilespmem:s14], [sflag:$0x2] =	stream.indirect_vreg.gather [hbm4b:s6+s2], $0x80, v3, vm0, $0xb8;
	[tilespmem:$0xC400] =	vst v63  }
0x66: {  	_ =	swait.ge [sflag:s3], $0x6000  }
0x67: {  	[sflag:s3] =	ssyncset.done $0x0  }
0x68: {  	s15 =	rddreg [dreg:$0xa];
	[sflag:s3] =	ssyncadd.s32 $0xFFFFA000  }
0x69: {  	[hbm4b:s15+s2] =	stream.linear.scatter [tilespmem:s29], [sflag:$0x3], $0x6000, $0x38;
	[tilespmem:$0xC400] =	vst v63  }
0x6a: {  	_ =	swait.ge [sflag:s8], $0x6000  }
0x6b: {  	[sflag:s8] =	ssyncset.done $0x0  }
0x6c: {  	[sflag:s8] =	ssyncadd.s32 $0xFFFFA000  }
0x6d: {  	v3 =	vld [tilespmem:$0x100];
	_ =	sdelay $0x4  }
0x6e: {  	v52 =	vshrl.u32 v3, $0x3  }
0x6f: {  	v4 =	vmul.u32 $0x30, v52  }
0x70: {  	v3 =	vand.u32 $0x7, v3  }
0x71: {  	v3 =	vor.u32 v3, v4  }
0x72: {  	v4 =	vperm.xlane v3, v0;
	_ =	sdelay $0x1  }
0x73: {  	v4 =	vadd.s32 v1, v4;
	_ =	sdelay $0x3  }
0x74: {  	v3 =	vperm.xlane v3, v2  }
0x75: {  	[tilespmem:s29], [sflag:$0x1] =	stream.indirect_vreg.gather [hbm4b:s4+s2], $0x80, v4, vm0, $0xb8;
	[tilespmem:$0xC400] =	vst v63  }
0x76: {  	v3 =	vadd.s32 v1, v3  }
0x77: {  	[tilespmem:s25], [sflag:$0x1] =	stream.indirect_vreg.gather [hbm4b:s5+s2], $0x80, v4, vm0, $0xb8;
	[tilespmem:$0xC400] =	vst v63  }
0x78: {  	_ = 	snop  }
0x79: {  	[tilespmem:s26], [sflag:$0x1] =	stream.indirect_vreg.gather [hbm4b:s6+s2], $0x80, v4, vm0, $0xb8;
	[tilespmem:$0xC400] =	vst v63  }
0x7a: {  	_ = 	snop  }
0x7b: {  	[tilespmem:s28], [sflag:$0x1] =	stream.indirect_vreg.gather [hbm4b:s4+s2], $0x80, v3, vm0, $0xb8;
	[tilespmem:$0xC400] =	vst v63  }
0x7c: {  	_ = 	snop  }
0x7d: {  	[tilespmem:s30], [sflag:$0x1] =	stream.indirect_vreg.gather [hbm4b:s5+s2], $0x80, v3, vm0, $0xb8;
	[tilespmem:$0xC400] =	vst v63  }
0x7e: {  	_ = 	snop  }
0x7f: {  	[tilespmem:s17], [sflag:$0x1] =	stream.indirect_vreg.gather [hbm4b:s6+s2], $0x80, v3, vm0, $0xb8;
	[tilespmem:$0xC400] =	vst v63  }
0x80: {  	v3 =	vld [tilespmem:$0x110];
	_ =	sdelay $0x4  }
0x81: {  	v53 =	vshrl.u32 v3, $0x3  }
0x82: {  	v4 =	vmul.u32 $0x30, v53  }
0x83: {  	v3 =	vand.u32 $0x7, v3  }
0x84: {  	v3 =	vor.u32 v3, v4  }
0x85: {  	v4 =	vperm.xlane v3, v0;
	_ =	sdelay $0x1  }
0x86: {  	v4 =	vadd.s32 v1, v4;
	_ =	sdelay $0x3  }
0x87: {  	v3 =	vperm.xlane v3, v2  }
0x88: {  	[tilespmem:s18], [sflag:$0x1] =	stream.indirect_vreg.gather [hbm4b:s4+s2], $0x80, v4, vm0, $0xb8;
	[tilespmem:$0xC400] =	vst v63  }
0x89: {  	v3 =	vadd.s32 v1, v3  }
0x8a: {  	[tilespmem:s19], [sflag:$0x1] =	stream.indirect_vreg.gather [hbm4b:s5+s2], $0x80, v4, vm0, $0xb8;
	[tilespmem:$0xC400] =	vst v63  }
0x8b: {  	_ = 	snop  }
0x8c: {  	[tilespmem:s20], [sflag:$0x1] =	stream.indirect_vreg.gather [hbm4b:s6+s2], $0x80, v4, vm0, $0xb8;
	[tilespmem:$0xC400] =	vst v63  }
0x8d: {  	_ = 	snop  }
0x8e: {  	[tilespmem:s22], [sflag:$0x1] =	stream.indirect_vreg.gather [hbm4b:s4+s2], $0x80, v3, vm0, $0xb8;
	[tilespmem:$0xC400] =	vst v63  }
0x8f: {  	_ = 	snop  }
0x90: {  	[tilespmem:s23], [sflag:$0x1] =	stream.indirect_vreg.gather [hbm4b:s5+s2], $0x80, v3, vm0, $0xb8;
	[tilespmem:$0xC400] =	vst v63  }
0x91: {  	_ = 	snop  }
0x92: {  	[tilespmem:s24], [sflag:$0x1] =	stream.indirect_vreg.gather [hbm4b:s6+s2], $0x80, v3, vm0, $0xb8;
	[tilespmem:$0xC400] =	vst v63  }
0x93: {  	_ =	swait.ge [sflag:s10], $0x6000  }
0x94: {  	[sflag:s10] =	ssyncset.done $0x0  }
0x95: {  	s16 =	rddreg [dreg:$0x3];
	[sflag:s10] =	ssyncadd.s32 $0xFFFFA000  }
0x96: {  	[hbm4b:s16+s2] =	stream.linear.scatter [tilespmem:s21], [sflag:$0x4], $0x6000, $0x38;
	[tilespmem:$0xC400] =	vst v63  }
0x97: {  	_ =	swait.ge [sflag:s11], $0x6000  }
0x98: {  	[sflag:s11] =	ssyncset.done $0x0  }
0x99: {  	[sflag:s11] =	ssyncadd.s32 $0xFFFFA000  }
0x9a: {  	v3 =	vld [tilespmem:$0x180];
	_ =	sdelay $0x4  }
0x9b: {  	v54 =	vshrl.u32 v3, $0x3  }
0x9c: {  	v4 =	vmul.u32 $0x30, v54  }
0x9d: {  	v3 =	vand.u32 $0x7, v3  }
0x9e: {  	v3 =	vor.u32 v3, v4  }
0x9f: {  	v4 =	vperm.xlane v3, v0;
	_ =	sdelay $0x1  }
0xa0: {  	v4 =	vadd.s32 v1, v4;
	_ =	sdelay $0x3  }
0xa1: {  	v3 =	vperm.xlane v3, v2  }
0xa2: {  	[tilespmem:s21], [sflag:$0x2] =	stream.indirect_vreg.gather [hbm4b:s4+s2], $0x80, v4, vm0, $0xb8;
	[tilespmem:$0xC400] =	vst v63  }
0xa3: {  	s1 =	simm.s32 $0x6C00;
	v3 =	vadd.s32 v1, v3  }
0xa4: {  	[tilespmem:s1], [sflag:$0x2] =	stream.indirect_vreg.gather [hbm4b:s5+s2], $0x80, v4, vm0, $0xb8;
	[tilespmem:$0xC400] =	vst v63  }
0xa5: {  	s9 =	simm.s32 $0x7400  }
0xa6: {  	[tilespmem:s9], [sflag:$0x2] =	stream.indirect_vreg.gather [hbm4b:s6+s2], $0x80, v4, vm0, $0xb8;
	[tilespmem:$0xC400] =	vst v63  }
0xa7: {  	s13 =	simm.s32 $0x7C00  }
0xa8: {  	[tilespmem:s13], [sflag:$0x2] =	stream.indirect_vreg.gather [hbm4b:s4+s2], $0x80, v3, vm0, $0xb8;
	[tilespmem:$0xC400] =	vst v63  }
0xa9: {  	s14 =	simm.s32 $0x8400  }
0xaa: {  	[tilespmem:s14], [sflag:$0x2] =	stream.indirect_vreg.gather [hbm4b:s5+s2], $0x80, v3, vm0, $0xb8;
	[tilespmem:$0xC400] =	vst v63  }
0xab: {  	s15 =	simm.s32 $0x8C00  }
0xac: {  	[tilespmem:s15], [sflag:$0x2] =	stream.indirect_vreg.gather [hbm4b:s6+s2], $0x80, v3, vm0, $0xb8;
	[tilespmem:$0xC400] =	vst v63  }
0xad: {  	v3 =	vld [tilespmem:$0x190];
	_ =	sdelay $0x4  }
0xae: {  	v55 =	vshrl.u32 v3, $0x3  }
0xaf: {  	v4 =	vmul.u32 $0x30, v55  }
0xb0: {  	v3 =	vand.u32 $0x7, v3  }
0xb1: {  	v3 =	vor.u32 v3, v4  }
0xb2: {  	v4 =	vperm.xlane v3, v0;
	_ =	sdelay $0x1  }
0xb3: {  	v4 =	vadd.s32 v1, v4;
	_ =	sdelay $0x3  }
0xb4: {  	s16 =	simm.s32 $0x9400;
	v3 =	vperm.xlane v3, v2  }
0xb5: {  	[tilespmem:s16], [sflag:$0x2] =	stream.indirect_vreg.gather [hbm4b:s4+s2], $0x80, v4, vm0, $0xb8;
	[tilespmem:$0xC400] =	vst v63  }
0xb6: {  	s0 =	simm.s32 $0x9C00;
	v3 =	vadd.s32 v1, v3  }
0xb7: {  	[tilespmem:s0], [sflag:$0x2] =	stream.indirect_vreg.gather [hbm4b:s5+s2], $0x80, v4, vm0, $0xb8;
	[tilespmem:$0xC400] =	vst v63  }
0xb8: {  	s12 =	simm.s32 $0xA400  }
0xb9: {  	[tilespmem:s12], [sflag:$0x2] =	stream.indirect_vreg.gather [hbm4b:s6+s2], $0x80, v4, vm0, $0xb8;
	[tilespmem:$0xC400] =	vst v63  }
0xba: {  	s12 =	simm.s32 $0xAC00  }
0xbb: {  	[tilespmem:s12], [sflag:$0x2] =	stream.indirect_vreg.gather [hbm4b:s4+s2], $0x80, v3, vm0, $0xb8;
	[tilespmem:$0xC400] =	vst v63  }
0xbc: {  	s12 =	simm.s32 $0xB400  }
0xbd: {  	[tilespmem:s12], [sflag:$0x2] =	stream.indirect_vreg.gather [hbm4b:s5+s2], $0x80, v3, vm0, $0xb8;
	[tilespmem:$0xC400] =	vst v63  }
0xbe: {  	s31 =	simm.s32 $0xBC00  }
0xbf: {  	[tilespmem:s31], [sflag:$0x2] =	stream.indirect_vreg.gather [hbm4b:s6+s2], $0x80, v3, vm0, $0xb8;
	[tilespmem:$0xC400] =	vst v63  }
0xc0: {  	_ =	swait.ge [sflag:s3], $0x6000  }
0xc1: {  	[sflag:s3] =	ssyncset.done $0x0  }
0xc2: {  	s31 =	rddreg [dreg:$0x4];
	[sflag:s3] =	ssyncadd.s32 $0xFFFFA000  }
0xc3: {  	[hbm4b:s31+s2] =	stream.linear.scatter [tilespmem:s29], [sflag:$0x3], $0x6000, $0x38;
	[tilespmem:$0xC400] =	vst v63  }
0xc4: {  	_ =	swait.ge [sflag:s8], $0x6000  }
0xc5: {  	[sflag:s8] =	ssyncset.done $0x0  }
0xc6: {  	[sflag:s8] =	ssyncadd.s32 $0xFFFFA000  }
0xc7: {  	v3 =	vld [tilespmem:$0x200];
	_ =	sdelay $0x4  }
0xc8: {  	v56 =	vshrl.u32 v3, $0x3  }
0xc9: {  	v4 =	vmul.u32 $0x30, v56  }
0xca: {  	v3 =	vand.u32 $0x7, v3  }
0xcb: {  	v3 =	vor.u32 v3, v4  }
0xcc: {  	v4 =	vperm.xlane v3, v0;
	_ =	sdelay $0x1  }
0xcd: {  	v4 =	vadd.s32 v1, v4;
	_ =	sdelay $0x3  }
0xce: {  	v3 =	vperm.xlane v3, v2  }
0xcf: {  	[tilespmem:s29], [sflag:$0x1] =	stream.indirect_vreg.gather [hbm4b:s4+s2], $0x80, v4, vm0, $0xb8;
	[tilespmem:$0xC400] =	vst v63  }
0xd0: {  	v3 =	vadd.s32 v1, v3  }
0xd1: {  	[tilespmem:s25], [sflag:$0x1] =	stream.indirect_vreg.gather [hbm4b:s5+s2], $0x80, v4, vm0, $0xb8;
	[tilespmem:$0xC400] =	vst v63  }
0xd2: {  	_ = 	snop  }
0xd3: {  	[tilespmem:s26], [sflag:$0x1] =	stream.indirect_vreg.gather [hbm4b:s6+s2], $0x80, v4, vm0, $0xb8;
	[tilespmem:$0xC400] =	vst v63  }
0xd4: {  	_ = 	snop  }
0xd5: {  	[tilespmem:s28], [sflag:$0x1] =	stream.indirect_vreg.gather [hbm4b:s4+s2], $0x80, v3, vm0, $0xb8;
	[tilespmem:$0xC400] =	vst v63  }
0xd6: {  	_ = 	snop  }
0xd7: {  	[tilespmem:s30], [sflag:$0x1] =	stream.indirect_vreg.gather [hbm4b:s5+s2], $0x80, v3, vm0, $0xb8;
	[tilespmem:$0xC400] =	vst v63  }
0xd8: {  	_ = 	snop  }
0xd9: {  	[tilespmem:s17], [sflag:$0x1] =	stream.indirect_vreg.gather [hbm4b:s6+s2], $0x80, v3, vm0, $0xb8;
	[tilespmem:$0xC400] =	vst v63  }
0xda: {  	v3 =	vld [tilespmem:$0x210];
	_ =	sdelay $0x4  }
0xdb: {  	v57 =	vshrl.u32 v3, $0x3  }
0xdc: {  	v4 =	vmul.u32 $0x30, v57  }
0xdd: {  	v3 =	vand.u32 $0x7, v3  }
0xde: {  	v3 =	vor.u32 v3, v4  }
0xdf: {  	v4 =	vperm.xlane v3, v0;
	_ =	sdelay $0x1  }
0xe0: {  	v4 =	vadd.s32 v1, v4;
	_ =	sdelay $0x3  }
0xe1: {  	v3 =	vperm.xlane v3, v2  }
0xe2: {  	[tilespmem:s18], [sflag:$0x1] =	stream.indirect_vreg.gather [hbm4b:s4+s2], $0x80, v4, vm0, $0xb8;
	[tilespmem:$0xC400] =	vst v63  }
0xe3: {  	v3 =	vadd.s32 v1, v3  }
0xe4: {  	[tilespmem:s19], [sflag:$0x1] =	stream.indirect_vreg.gather [hbm4b:s5+s2], $0x80, v4, vm0, $0xb8;
	[tilespmem:$0xC400] =	vst v63  }
0xe5: {  	_ = 	snop  }
0xe6: {  	[tilespmem:s20], [sflag:$0x1] =	stream.indirect_vreg.gather [hbm4b:s6+s2], $0x80, v4, vm0, $0xb8;
	[tilespmem:$0xC400] =	vst v63  }
0xe7: {  	_ = 	snop  }
0xe8: {  	[tilespmem:s22], [sflag:$0x1] =	stream.indirect_vreg.gather [hbm4b:s4+s2], $0x80, v3, vm0, $0xb8;
	[tilespmem:$0xC400] =	vst v63  }
0xe9: {  	_ = 	snop  }
0xea: {  	[tilespmem:s23], [sflag:$0x1] =	stream.indirect_vreg.gather [hbm4b:s5+s2], $0x80, v3, vm0, $0xb8;
	[tilespmem:$0xC400] =	vst v63  }
0xeb: {  	_ = 	snop  }
0xec: {  	[tilespmem:s24], [sflag:$0x1] =	stream.indirect_vreg.gather [hbm4b:s6+s2], $0x80, v3, vm0, $0xb8;
	[tilespmem:$0xC400] =	vst v63  }
0xed: {  	_ =	swait.ge [sflag:s10], $0x6000  }
0xee: {  	[sflag:s10] =	ssyncset.done $0x0  }
0xef: {  	s31 =	rddreg [dreg:$0x5];
	[sflag:s10] =	ssyncadd.s32 $0xFFFFA000  }
0xf0: {  	[hbm4b:s31+s2] =	stream.linear.scatter [tilespmem:s21], [sflag:$0x4], $0x6000, $0x38;
	[tilespmem:$0xC400] =	vst v63  }
0xf1: {  	_ =	swait.ge [sflag:s11], $0x6000  }
0xf2: {  	[sflag:s11] =	ssyncset.done $0x0  }
0xf3: {  	[sflag:s11] =	ssyncadd.s32 $0xFFFFA000  }
0xf4: {  	v3 =	vld [tilespmem:$0x280];
	_ =	sdelay $0x4  }
0xf5: {  	v58 =	vshrl.u32 v3, $0x3  }
0xf6: {  	v4 =	vmul.u32 $0x30, v58  }
0xf7: {  	v3 =	vand.u32 $0x7, v3  }
0xf8: {  	v3 =	vor.u32 v3, v4  }
0xf9: {  	v4 =	vperm.xlane v3, v0;
	_ =	sdelay $0x1  }
0xfa: {  	v4 =	vadd.s32 v1, v4;
	_ =	sdelay $0x3  }
0xfb: {  	v3 =	vperm.xlane v3, v2  }
0xfc: {  	[tilespmem:s21], [sflag:$0x2] =	stream.indirect_vreg.gather [hbm4b:s4+s2], $0x80, v4, vm0, $0xb8;
	[tilespmem:$0xC400] =	vst v63  }
0xfd: {  	v3 =	vadd.s32 v1, v3  }
0xfe: {  	[tilespmem:s1], [sflag:$0x2] =	stream.indirect_vreg.gather [hbm4b:s5+s2], $0x80, v4, vm0, $0xb8;
	[tilespmem:$0xC400] =	vst v63  }
0xff: {  	_ = 	snop  }
0x100: {  	[tilespmem:s9], [sflag:$0x2] =	stream.indirect_vreg.gather [hbm4b:s6+s2], $0x80, v4, vm0, $0xb8;
	[tilespmem:$0xC400] =	vst v63  }
0x101: {  	_ = 	snop  }
0x102: {  	[tilespmem:s13], [sflag:$0x2] =	stream.indirect_vreg.gather [hbm4b:s4+s2], $0x80, v3, vm0, $0xb8;
	[tilespmem:$0xC400] =	vst v63  }
0x103: {  	_ = 	snop  }
0x104: {  	[tilespmem:s14], [sflag:$0x2] =	stream.indirect_vreg.gather [hbm4b:s5+s2], $0x80, v3, vm0, $0xb8;
	[tilespmem:$0xC400] =	vst v63  }
0x105: {  	_ = 	snop  }
0x106: {  	[tilespmem:s15], [sflag:$0x2] =	stream.indirect_vreg.gather [hbm4b:s6+s2], $0x80, v3, vm0, $0xb8;
	[tilespmem:$0xC400] =	vst v63  }
0x107: {  	v3 =	vld [tilespmem:$0x290];
	_ =	sdelay $0x4  }
0x108: {  	v59 =	vshrl.u32 v3, $0x3  }
0x109: {  	v4 =	vmul.u32 $0x30, v59  }
0x10a: {  	v3 =	vand.u32 $0x7, v3  }
0x10b: {  	v3 =	vor.u32 v3, v4  }
0x10c: {  	v4 =	vperm.xlane v3, v0;
	_ =	sdelay $0x1  }
0x10d: {  	v4 =	vadd.s32 v1, v4;
	_ =	sdelay $0x3  }
0x10e: {  	v3 =	vperm.xlane v3, v2  }
0x10f: {  	[tilespmem:s16], [sflag:$0x2] =	stream.indirect_vreg.gather [hbm4b:s4+s2], $0x80, v4, vm0, $0xb8;
	[tilespmem:$0xC400] =	vst v63  }
0x110: {  	v3 =	vadd.s32 v1, v3  }
0x111: {  	[tilespmem:s0], [sflag:$0x2] =	stream.indirect_vreg.gather [hbm4b:s5+s2], $0x80, v4, vm0, $0xb8;
	[tilespmem:$0xC400] =	vst v63  }
0x112: {  	s31 =	simm.s32 $0xA400  }
0x113: {  	[tilespmem:s31], [sflag:$0x2] =	stream.indirect_vreg.gather [hbm4b:s6+s2], $0x80, v4, vm0, $0xb8;
	[tilespmem:$0xC400] =	vst v63  }
0x114: {  	s31 =	simm.s32 $0xAC00  }
0x115: {  	[tilespmem:s31], [sflag:$0x2] =	stream.indirect_vreg.gather [hbm4b:s4+s2], $0x80, v3, vm0, $0xb8;
	[tilespmem:$0xC400] =	vst v63  }
0x116: {  	s12 =	simm.s32 $0xB400  }
0x117: {  	[tilespmem:s12], [sflag:$0x2] =	stream.indirect_vreg.gather [hbm4b:s5+s2], $0x80, v3, vm0, $0xb8;
	[tilespmem:$0xC400] =	vst v63  }
0x118: {  	s12 =	simm.s32 $0xBC00  }
0x119: {  	[tilespmem:s12], [sflag:$0x2] =	stream.indirect_vreg.gather [hbm4b:s6+s2], $0x80, v3, vm0, $0xb8;
	[tilespmem:$0xC400] =	vst v63  }
0x11a: {  	_ =	swait.ge [sflag:s3], $0x6000  }
0x11b: {  	[sflag:s3] =	ssyncset.done $0x0  }
0x11c: {  	s12 =	rddreg [dreg:$0x6];
	[sflag:s3] =	ssyncadd.s32 $0xFFFFA000  }
0x11d: {  	[hbm4b:s12+s2] =	stream.linear.scatter [tilespmem:s29], [sflag:$0x3], $0x6000, $0x38;
	[tilespmem:$0xC400] =	vst v63  }
0x11e: {  	_ =	swait.ge [sflag:s8], $0x6000  }
0x11f: {  	[sflag:s8] =	ssyncset.done $0x0  }
0x120: {  	[sflag:s8] =	ssyncadd.s32 $0xFFFFA000  }
0x121: {  	v3 =	vld [tilespmem:$0x300];
	_ =	sdelay $0x4  }
0x122: {  	v60 =	vshrl.u32 v3, $0x3  }
0x123: {  	v4 =	vmul.u32 $0x30, v60  }
0x124: {  	v3 =	vand.u32 $0x7, v3  }
0x125: {  	v3 =	vor.u32 v3, v4  }
0x126: {  	v4 =	vperm.xlane v3, v0;
	_ =	sdelay $0x1  }
0x127: {  	v4 =	vadd.s32 v1, v4;
	_ =	sdelay $0x3  }
0x128: {  	v3 =	vperm.xlane v3, v2  }
0x129: {  	[tilespmem:s29], [sflag:$0x1] =	stream.indirect_vreg.gather [hbm4b:s4+s2], $0x80, v4, vm0, $0xb8;
	[tilespmem:$0xC400] =	vst v63  }
0x12a: {  	v3 =	vadd.s32 v1, v3  }
0x12b: {  	[tilespmem:s25], [sflag:$0x1] =	stream.indirect_vreg.gather [hbm4b:s5+s2], $0x80, v4, vm0, $0xb8;
	[tilespmem:$0xC400] =	vst v63  }
0x12c: {  	_ = 	snop  }
0x12d: {  	[tilespmem:s26], [sflag:$0x1] =	stream.indirect_vreg.gather [hbm4b:s6+s2], $0x80, v4, vm0, $0xb8;
	[tilespmem:$0xC400] =	vst v63  }
0x12e: {  	_ = 	snop  }
0x12f: {  	[tilespmem:s28], [sflag:$0x1] =	stream.indirect_vreg.gather [hbm4b:s4+s2], $0x80, v3, vm0, $0xb8;
	[tilespmem:$0xC400] =	vst v63  }
0x130: {  	_ = 	snop  }
0x131: {  	[tilespmem:s30], [sflag:$0x1] =	stream.indirect_vreg.gather [hbm4b:s5+s2], $0x80, v3, vm0, $0xb8;
	[tilespmem:$0xC400] =	vst v63  }
0x132: {  	_ = 	snop  }
0x133: {  	[tilespmem:s17], [sflag:$0x1] =	stream.indirect_vreg.gather [hbm4b:s6+s2], $0x80, v3, vm0, $0xb8;
	[tilespmem:$0xC400] =	vst v63  }
0x134: {  	v3 =	vld [tilespmem:$0x310];
	_ =	sdelay $0x4  }
0x135: {  	v61 =	vshrl.u32 v3, $0x3  }
0x136: {  	v4 =	vmul.u32 $0x30, v61  }
0x137: {  	v3 =	vand.u32 $0x7, v3  }
0x138: {  	v3 =	vor.u32 v3, v4  }
0x139: {  	v4 =	vperm.xlane v3, v0;
	_ =	sdelay $0x1  }
0x13a: {  	v4 =	vadd.s32 v1, v4;
	_ =	sdelay $0x3  }
0x13b: {  	v3 =	vperm.xlane v3, v2  }
0x13c: {  	[tilespmem:s18], [sflag:$0x1] =	stream.indirect_vreg.gather [hbm4b:s4+s2], $0x80, v4, vm0, $0xb8;
	[tilespmem:$0xC400] =	vst v63  }
0x13d: {  	v3 =	vadd.s32 v1, v3  }
0x13e: {  	[tilespmem:s19], [sflag:$0x1] =	stream.indirect_vreg.gather [hbm4b:s5+s2], $0x80, v4, vm0, $0xb8;
	[tilespmem:$0xC400] =	vst v63  }
0x13f: {  	_ = 	snop  }
0x140: {  	[tilespmem:s20], [sflag:$0x1] =	stream.indirect_vreg.gather [hbm4b:s6+s2], $0x80, v4, vm0, $0xb8;
	[tilespmem:$0xC400] =	vst v63  }
0x141: {  	_ = 	snop  }
0x142: {  	[tilespmem:s22], [sflag:$0x1] =	stream.indirect_vreg.gather [hbm4b:s4+s2], $0x80, v3, vm0, $0xb8;
	[tilespmem:$0xC400] =	vst v63  }
0x143: {  	_ = 	snop  }
0x144: {  	[tilespmem:s23], [sflag:$0x1] =	stream.indirect_vreg.gather [hbm4b:s5+s2], $0x80, v3, vm0, $0xb8;
	[tilespmem:$0xC400] =	vst v63  }
0x145: {  	_ = 	snop  }
0x146: {  	[tilespmem:s24], [sflag:$0x1] =	stream.indirect_vreg.gather [hbm4b:s6+s2], $0x80, v3, vm0, $0xb8;
	[tilespmem:$0xC400] =	vst v63  }
0x147: {  	_ =	swait.ge [sflag:s10], $0x6000  }
0x148: {  	[sflag:s10] =	ssyncset.done $0x0  }
0x149: {  	s12 =	rddreg [dreg:$0x7];
	[sflag:s10] =	ssyncadd.s32 $0xFFFFA000  }
0x14a: {  	[hbm4b:s12+s2] =	stream.linear.scatter [tilespmem:s21], [sflag:$0x4], $0x6000, $0x38;
	[tilespmem:$0xC400] =	vst v63  }
0x14b: {  	_ =	swait.ge [sflag:s11], $0x6000  }
0x14c: {  	[sflag:s11] =	ssyncset.done $0x0  }
0x14d: {  	[sflag:s11] =	ssyncadd.s32 $0xFFFFA000  }
0x14e: {  	v3 =	vld [tilespmem:$0x380];
	_ =	sdelay $0x4  }
0x14f: {  	v62 =	vshrl.u32 v3, $0x3  }
0x150: {  	v4 =	vmul.u32 $0x30, v62  }
0x151: {  	v3 =	vand.u32 $0x7, v3  }
0x152: {  	v3 =	vor.u32 v3, v4  }
0x153: {  	v4 =	vperm.xlane v3, v0;
	_ =	sdelay $0x1  }
0x154: {  	v4 =	vadd.s32 v1, v4;
	_ =	sdelay $0x3  }
0x155: {  	v3 =	vperm.xlane v3, v2  }
0x156: {  	[tilespmem:s21], [sflag:$0x2] =	stream.indirect_vreg.gather [hbm4b:s4+s2], $0x80, v4, vm0, $0xb8;
	[tilespmem:$0xC400] =	vst v63  }
0x157: {  	s1 =	simm.s32 $0x6C00;
	v3 =	vadd.s32 v1, v3  }
0x158: {  	[tilespmem:s1], [sflag:$0x2] =	stream.indirect_vreg.gather [hbm4b:s5+s2], $0x80, v4, vm0, $0xb8;
	[tilespmem:$0xC400] =	vst v63  }
0x159: {  	s9 =	simm.s32 $0x7400  }
0x15a: {  	[tilespmem:s9], [sflag:$0x2] =	stream.indirect_vreg.gather [hbm4b:s6+s2], $0x80, v4, vm0, $0xb8;
	[tilespmem:$0xC400] =	vst v63  }
0x15b: {  	s13 =	simm.s32 $0x7C00  }
0x15c: {  	[tilespmem:s13], [sflag:$0x2] =	stream.indirect_vreg.gather [hbm4b:s4+s2], $0x80, v3, vm0, $0xb8;
	[tilespmem:$0xC400] =	vst v63  }
0x15d: {  	s14 =	simm.s32 $0x8400  }
0x15e: {  	[tilespmem:s14], [sflag:$0x2] =	stream.indirect_vreg.gather [hbm4b:s5+s2], $0x80, v3, vm0, $0xb8;
	[tilespmem:$0xC400] =	vst v63  }
0x15f: {  	s15 =	simm.s32 $0x8C00  }
0x160: {  	[tilespmem:s15], [sflag:$0x2] =	stream.indirect_vreg.gather [hbm4b:s6+s2], $0x80, v3, vm0, $0xb8;
	[tilespmem:$0xC400] =	vst v63  }
0x161: {  	v3 =	vld [tilespmem:$0x390];
	_ =	sdelay $0x4  }
0x162: {  	v63 =	vshrl.u32 v3, $0x3  }
0x163: {  	v4 =	vmul.u32 $0x30, v63  }
0x164: {  	v3 =	vand.u32 $0x7, v3  }
0x165: {  	v3 =	vor.u32 v3, v4  }
0x166: {  	v4 =	vperm.xlane v3, v0;
	_ =	sdelay $0x1  }
0x167: {  	v4 =	vadd.s32 v1, v4;
	_ =	sdelay $0x3  }
0x168: {  	s16 =	simm.s32 $0x9400;
	v3 =	vperm.xlane v3, v2  }
0x169: {  	[tilespmem:s16], [sflag:$0x2] =	stream.indirect_vreg.gather [hbm4b:s4+s2], $0x80, v4, vm0, $0xb8;
	[tilespmem:$0xC400] =	vst v63  }
0x16a: {  	s0 =	simm.s32 $0x9C00;
	v3 =	vadd.s32 v1, v3  }
0x16b: {  	[tilespmem:s0], [sflag:$0x2] =	stream.indirect_vreg.gather [hbm4b:s5+s2], $0x80, v4, vm0, $0xb8;
	[tilespmem:$0xC400] =	vst v63  }
0x16c: {  	s13 =	simm.s32 $0xA400  }
0x16d: {  	[tilespmem:s13], [sflag:$0x2] =	stream.indirect_vreg.gather [hbm4b:s6+s2], $0x80, v4, vm0, $0xb8;
	[tilespmem:$0xC400] =	vst v63  }
0x16e: {  	s31 =	simm.s32 $0xAC00  }
0x16f: {  	[tilespmem:s31], [sflag:$0x2] =	stream.indirect_vreg.gather [hbm4b:s4+s2], $0x80, v3, vm0, $0xb8;
	[tilespmem:$0xC400] =	vst v63  }
0x170: {  	s14 =	simm.s32 $0xB400  }
0x171: {  	[tilespmem:s14], [sflag:$0x2] =	stream.indirect_vreg.gather [hbm4b:s5+s2], $0x80, v3, vm0, $0xb8;
	[tilespmem:$0xC400] =	vst v63  }
0x172: {  	s15 =	simm.s32 $0xBC00  }
0x173: {  	[tilespmem:s15], [sflag:$0x2] =	stream.indirect_vreg.gather [hbm4b:s6+s2], $0x80, v3, vm0, $0xb8;
	[tilespmem:$0xC400] =	vst v63  }
0x174: {  	_ =	swait.ge [sflag:s3], $0x6000  }
0x175: {  	[sflag:s3] =	ssyncset.done $0x0  }
0x176: {  	s16 =	rddreg [dreg:$0x8];
	[sflag:s3] =	ssyncadd.s32 $0xFFFFA000  }
0x177: {  	[hbm4b:s16+s2] =	stream.linear.scatter [tilespmem:s29], [sflag:$0x3], $0x6000, $0x38;
	[tilespmem:$0xC400] =	vst v63  }
0x178: {  	_ =	swait.ge [sflag:s10], $0x6000  }
0x179: {  	[sflag:s10] =	ssyncset.done $0x0  }
0x17a: {  	s31 =	rddreg [dreg:$0x9];
	[sflag:s10] =	ssyncadd.s32 $0xFFFFA000  }
0x17b: {  	[hbm4b:s31+s2] =	stream.linear.scatter [tilespmem:s21], [sflag:$0x4], $0x6000, $0x38;
	[tilespmem:$0xC400] =	vst v63  }
0x17c: {  	p0 =	sne.s32 s7, $0x1;
	_ =	swait.ge [sflag:s8], $0x6000  }
.Ltmp0:
0x17d: {  	[sflag:s8] =	ssyncset.done $0x0;
	(pc) =	sbr.rel @p0 .LBB2_1-.Ltmp0, $4  }
0x17e: {  	[sflag:s8] =	ssyncadd.s32 $0xFFFFA000  }
0x17f: {  	_ =	swait.ge [sflag:s11], $0x6000  }
0x180: {  	[sflag:s11] =	ssyncset.done $0x0  }
0x181: {  	s7 =	sadd.s32 $0xFFFFFFFF, s7;
	[sflag:s11] =	ssyncadd.s32 $0xFFFFA000  }
0x182: {  	_ =	sfence.sel $0x180000  }
0x183: {  	[bflag:$0x0] =	sbarrier.arrive $0xFFFF  }
0x184: {  	_ =	strace $0x9000004A  }
0x185: {  	s0 =	stileid.u32;
	[bflag:$0x2] =	sbarrier.arrive $0xFFFF  }
0x186: {  	p0 =	sne.s32 s0, $0x0;
	s0 =	rddreg [dreg:$0x1]  }
0x187: {  	s0 =	sadd.s32 @!p0 $0x100000, s0  }
0x188: {  	[sflag:s0] =	ssyncadd.tile.s32 @!p0 $0x1;
	_ =	shalt  }
.Lfunc_end2:
_tile_overlayer_lowered:
.L_overlay_start_2:
0x189: {  	(tag) =	ssettag $0x2  }
0x18a: {  	s0 =	rddreg [dreg:$0x0];
	s2 =	stileid.u32  }
0x18b: {  	s1 =	rddreg [dreg:$0x1];
	p0 =	sne.s32 s2, $0x0  }
0x18c: {  	s3 =	rddreg [dreg:$0x2];
	[bflag:$0x3] =	sbarrier.arrive $0xFFFF;
	s2 =	simm.s32 @!p0 $0x1C05  }
0x18d: {  	[timem:s3], [sflag:s2] =	dma.local @!p0 [hbm:s0], s1  }
0x18e: {  	s0 =	simm.s32 @!p0 $0x5  }
0x18f: {  	_ =	swait.ge @!p0 [sflag:s0], s1  }
0x190: {  	s1 =	ssub.s32 @!p0 $0x0, s1;
	[sflag:s0] =	ssyncset.done @!p0 $0x0  }
0x191: {  	[sflag:s0] =	ssyncadd.s32 @!p0 s1  }
0x192: {  	[bflag:$0x3] =	sbarrier.arrive $0xFFFF  }
0x193: {  	_ =	shalt  }

// kernel: kernel.7.cloned.1.call-start
scs
__scs_entry_jumppad:
0x0: {  	(pc) =	sbr.rel $0x88, $3  }
0x1: {  	(tag) =	ssettag $0x0;
	lr =	simm.s32 $0x1  }
0x2: {  	[smem:$0x3F99] =	sst lr;
	_ =	strace $0xD0000000  }
0x3: {  	_ = 	snop  }
0x4: {  	_ = 	snop  }
0x5: {  	_ = 	snop  }
0x6: {  	_ = 	snop  }
0x7: {  	_ = 	snop  }
__scs_overlays_trampoline_lowered:
0x8: {  	[smem:$0x3FA8] =	sst s0  }
0x9: {  	[smem:$0x3FA9] =	sst s1  }
0xa: {  	[smem:$0x3FAA] =	sst s2  }
0xb: {  	[smem:$0x3FAB] =	sst s3  }
0xc: {  	[smem:$0x3FAC] =	sst s4  }
0xd: {  	[smem:$0x3FAD] =	sst s5  }
0xe: {  	[smem:$0x3FAE] =	sst s6  }
0xf: {  	[smem:$0x3FAF] =	sst s7  }
0x10: {  	[smem:$0x3FB0] =	sst s8  }
0x11: {  	[smem:$0x3FB1] =	sst s9;
	s0 =	simm.s32 @!p0 $0x0  }
0x12: {  	s1 =	sld [smem:$0x3F97];
	s0 =	simm.s32 @p0 $0x1  }
0x13: {  	[smem:$0x3FB2] =	sst s0;
	s0 =	simm.s32 @!p1 $0x0  }
0x14: {  	s2 =	sld [smem:$0x3F96];
	s0 =	simm.s32 @p1 $0x1  }
0x15: {  	[smem:$0x3FB3] =	sst s0;
	s0 =	simm.s32 @!p2 $0x0  }
0x16: {  	s3 =	sld [smem:$0x3FDB];
	s0 =	simm.s32 @p2 $0x1  }
0x17: {  	s4 =	simm.s32 $0x1BF5;
	[smem:$0x3FB5] =	sst s0  }
0x18: {  	s0 =	sld [smem:$0x3F98];
	_ =	swait.ge [sflag:s4], $0x0  }
0x19: {  	s7 =	sld [smem:$0x3F99]  }
0x1a: {  	s8 =	sadd.s32 $0xFFFFE003, lr  }
0x1b: {  	s9 =	sadd.s32 $0xFFFFFEF7, lr;
	s5 =	simm.s32 $0xFFFFFFFF;
	p2 =	slt.u32 s8, $0xFFFFF086  }
0x1c: {  	p1 =	slt.u32 s9, $0xF7A;
	s5 =	simm.s32 @!p2 $0x0  }
0x1d: {  	s5 =	simm.s32 @p1 $0x1;
	p0 =	seq.s32 s7, s2  }
0x1e: {  	s7 =	smul.u32 @!p0 $0xF7A, s2;
	p2 =	seq.s32 @!p0 s5, $0x0  }
0x1f: {  	s9 =	smul.u32 $0xF7A, s1;
	s8 =	simm.s32 @!p0 $0x1BF5;
	p2 =	por !p2, p0  }
0x20: {  	[sflag:s8] =	ssyncset.s32 @!p0 $0xFFFFF086;
	s6 =	sadd.s32 @!p0 s3, s7;
	s7 =	simm.s32 @!p0 $0x108  }
0x21: {  	s3 =	sadd.s32 s3, s9;
	s6 =	sadd.s32 @!p0 $0x88, s6;
	s7 =	simm.s32 @p2 $0x1082  }
0x22: {  	[simem:s7], [sflag:s8] =	dma.local @!p0 [hbm:s6], $0xF7A  }
0x23: {  	s9 =	sor.u32 $0xD0000000, s2;
	s6 =	simm.s32 $0x108;
	_ =	swait.ge @!p0 [sflag:s8], $0x0  }
0x24: {  	s3 =	sadd.s32 $0x88, s3;
	s6 =	simm.s32 @!p1 $0x1082;
	[sflag:s4] =	ssyncset.s32 $0xFFFFF086  }
0x25: {  	[simem:s6], [sflag:s4] =	dma.local [hbm:s3], $0xF7A  }
0x26: {  	[smem:$0x3F99] =	sst s1;
	(tag) =	ssettag s2;
	_ =	strace s9  }
0x27: {  	s1 =	sld [smem:$0x3FA9]  }
0x28: {  	s2 =	sld [smem:$0x3FAA]  }
0x29: {  	s4 =	sld [smem:$0x3FAC]  }
0x2a: {  	p0 =	seq.s32 s5, $0x0;
	s5 =	sld [smem:$0x3FAD]  }
0x2b: {  	s6 =	sld [smem:$0x3FAE]  }
0x2c: {  	s7 =	sld [smem:$0x3FAF]  }
0x2d: {  	s3 =	simm.s32 $0x108;
	s8 =	sld [smem:$0x3FB0]  }
0x2e: {  	s3 =	simm.s32 @!p0 $0x1082;
	s9 =	sld [smem:$0x3FB1]  }
0x2f: {  	lr =	sadd.s32 s0, s3;
	s0 =	sld [smem:$0x3FA8]  }
0x30: {  	s3 =	sld [smem:$0x3FAB]  }
0x31: {  	[smem:$0x3FB4] =	sst s10  }
0x32: {  	s10 =	sld [smem:$0x3FB2];
	_ =	sdelay $0x3  }
0x33: {  	p0 =	seq.s32 s10, $0x1;
	s10 =	sld [smem:$0x3FB4];
	_ =	sdelay $0x3  }
0x34: {  	[smem:$0x3FB4] =	sst s10  }
0x35: {  	s10 =	sld [smem:$0x3FB3];
	_ =	sdelay $0x3  }
0x36: {  	p1 =	seq.s32 s10, $0x1;
	s10 =	sld [smem:$0x3FB4];
	_ =	sdelay $0x3  }
0x37: {  	[smem:$0x3FB4] =	sst s10  }
0x38: {  	s10 =	sld [smem:$0x3FB5]  }
0x39: {  	_ = 	snop;
	(pc) =	sbr.ind lr, $3  }
0x3a: {  	_ = 	snop  }
0x3b: {  	_ = 	snop  }
0x3c: {  	p2 =	seq.s32 s10, $0x1;
	s10 =	sld [smem:$0x3FB4]  }
0x3d: {  	_ =	shalt  }
0x3e: {  	_ =	shalt  }
0x3f: {  	_ =	shalt  }
0x40: {  	_ =	shalt  }
0x41: {  	_ =	shalt  }
0x42: {  	_ =	shalt  }
0x43: {  	_ =	shalt  }
0x44: {  	_ =	shalt  }
0x45: {  	_ =	shalt  }
0x46: {  	_ =	shalt  }
0x47: {  	_ =	shalt  }
0x48: {  	_ =	shalt  }
0x49: {  	_ =	shalt  }
0x4a: {  	_ =	shalt  }
0x4b: {  	_ =	shalt  }
0x4c: {  	_ =	shalt  }
0x4d: {  	_ =	shalt  }
0x4e: {  	_ =	shalt  }
0x4f: {  	_ =	shalt  }
0x50: {  	_ =	shalt  }
0x51: {  	_ =	shalt  }
0x52: {  	_ =	shalt  }
0x53: {  	_ =	shalt  }
0x54: {  	_ =	shalt  }
0x55: {  	_ =	shalt  }
0x56: {  	_ =	shalt  }
0x57: {  	_ =	shalt  }
0x58: {  	_ =	shalt  }
0x59: {  	_ =	shalt  }
0x5a: {  	_ =	shalt  }
0x5b: {  	_ =	shalt  }
0x5c: {  	_ =	shalt  }
0x5d: {  	_ =	shalt  }
0x5e: {  	_ =	shalt  }
0x5f: {  	_ =	shalt  }
0x60: {  	_ =	shalt  }
0x61: {  	_ =	shalt  }
0x62: {  	_ =	shalt  }
0x63: {  	_ =	shalt  }
0x64: {  	_ =	shalt  }
0x65: {  	_ =	shalt  }
0x66: {  	_ =	shalt  }
0x67: {  	_ =	shalt  }
0x68: {  	_ =	shalt  }
0x69: {  	_ =	shalt  }
0x6a: {  	_ =	shalt  }
0x6b: {  	_ =	shalt  }
0x6c: {  	_ =	shalt  }
0x6d: {  	_ =	shalt  }
0x6e: {  	_ =	shalt  }
0x6f: {  	_ =	shalt  }
0x70: {  	_ =	shalt  }
0x71: {  	_ =	shalt  }
0x72: {  	_ =	shalt  }
0x73: {  	_ =	shalt  }
0x74: {  	_ =	shalt  }
0x75: {  	_ =	shalt  }
0x76: {  	_ =	shalt  }
0x77: {  	_ =	shalt  }
0x78: {  	_ =	shalt  }
0x79: {  	_ =	shalt  }
0x7a: {  	_ =	shalt  }
0x7b: {  	_ =	shalt  }
0x7c: {  	_ =	shalt  }
0x7d: {  	_ =	shalt  }
0x7e: {  	_ =	shalt  }
0x7f: {  	_ =	shalt  }
0x80: {  	_ =	shalt  }
0x81: {  	_ =	shalt  }
0x82: {  	_ =	shalt  }
0x83: {  	_ =	shalt  }
0x84: {  	_ =	shalt  }
0x85: {  	_ =	shalt  }
0x86: {  	_ =	shalt  }
0x87: {  	_ =	shalt  }
.Lfunc_end0:
.L_simem_size_0:
called_computation_lowered:
.L_overlay_start_0:
0x88: {  	s2 =	sld [smem:$0x3FD9]  }
0x89: {  	s3 =	sld [smem:$0x3FFE];
	_ =	sdelay $0x1  }
0x8a: {  	s1 =	srdreg.scid  }
0x8b: {  	s0 =	sand.u32 $0x1, s1  }
0x8c: {  	s17 =	sshll.u32 s0, $0xA;
	s2 =	sadd.s32 s3, s2  }
0x8d: {  	s2 =	sadd.s32 s2, s17  }
0x8e: {  	[smem:$0x3FC0] =	sst s2  }
0x8f: {  	_ = 	snop  }
0x90: {  	s2 =	sld [smem:$0x3FC9];
	(tm) =	ssettm $0x1  }
0x91: {  	s18 =	sld [smem:$0x3FFB];
	_ =	sdelay $0x3  }
0x92: {  	_ =	strace s18  }
0x93: {  	s3 =	sld [smem:$0x3FFC];
	_ =	sdelay $0x3  }
0x94: {  	_ =	strace s3  }
0x95: {  	s3 =	sld [smem:$0x3FFD];
	_ =	sdelay $0x3  }
0x96: {  	_ =	strace s3  }
0x97: {  	_ =	strace $0x8FFFFFFF  }
0x98: {  	s19 =	sld [smem:$0x3FDB];
	_ =	sdelay $0x1  }
0x99: {  	s4 =	simm.s32 $_scs_section_size  }
0x9a: {  	s5 =	simm.s32 $_size__tile_overlayer_lowered;
	s6 =	simm.s32 $_tile_overlayer_lowered  }
0x9b: {  	s22 =	simm.s32 $0x1BFF;
	s21 =	sshll.u32 s6, $0x1;
	s3 =	sadd.s32 s4, s19  }
0x9c: {  	s7 =	simm.s32 $0x0;
	s20 =	sshll.u32 s5, $0x1;
	s5 =	sadd.s32 s21, s3  }
0x9d: {  	[timem:s7], [sflag:s22] =	dma.local [hbm:s5], s20  }
0x9e: {  	_ =	swait.ge [sflag:s22], s20  }
0x9f: {  	s4 =	ssub.s32 $0x0, s20;
	[sflag:s22] =	ssyncset.done $0x0  }
0xa0: {  	[sflag:s22] =	ssyncadd.s32 s4;
	_ =	sdelay $0x1  }
0xa1: {  	s23 =	simm.s32 $0x1B8B  }
0xa2: {  	_ =	swait.ge [sflag:s23], $0x1  }
0xa3: {  	[sflag:s23] =	ssyncset.done $0x0  }
0xa4: {  	s25 =	simm.s32 $0x1B8E;
	s24 =	sld [smem:$0x3FFE];
	[sflag:s23] =	ssyncadd.s32 $0xFFFFFFFF  }
0xa5: {  	s26 =	simm.s32 $execute0_lowered;
	[smem:$0x3FD2] =	sst s25  }
0xa6: {  	s5 =	sshll.u32 s26, $0x1;
	_ =	strace $0x80000046;
	[dreg:$0x1] =	wrdreg $0xFFFFFFFF  }
0xa7: {  	s28 =	simm.s32 $_size_execute0_lowered;
	s3 =	sadd.s32 s3, s5;
	[dreg:$0x0] =	wrdreg $0x0  }
0xa8: {  	s5 =	sshll.u32 s28, $0x1;
	[dreg:$0x2] =	wrdreg s3  }
0xa9: {  	[dreg:$0x3] =	wrdreg s5  }
0xaa: {  	[dreg:$0x4] =	wrdreg $0xC0  }
0xab: {  	_ =	task [dreg:s7], $0x5FFFF  }
0xac: {  	[dreg:$0x1] =	wrdreg $0xFFFFFFFF  }
0xad: {  	[dreg:$0x0] =	wrdreg $0x60  }
0xae: {  	[dreg:$0x2] =	wrdreg s2  }
0xaf: {  	[dreg:$0x3] =	wrdreg s24  }
0xb0: {  	[dreg:$0x4] =	wrdreg $0x9  }
0xb1: {  	_ =	task.clear_ibuf [dreg:s7], $0x5FFFF;
	_ =	strace $0x90000046  }
0xb2: {  	s29 =	simm.s32 $0x9;
	_ =	strace $0x80000048  }
0xb3: {  	_ =	swait.ge [sflag:s29], $0x1  }
0xb4: {  	[sflag:s29] =	ssyncadd.s32 $0xFFFFFFFF  }
0xb5: {  	_ =	strace $0x90000048  }
0xb6: {  	_ =	sfence  }
0xb7: {  	s30 =	sld [smem:$0x0];
	_ =	sdelay $0x2  }
0xb8: {  	s31 =	sshll.u32 s1, $0xD;
	s1 =	sshrl.u32 s1, $0x2  }
0xb9: {  	s3 =	sand.u32 $0x4000, s31;
	s1 =	sadd.s32 s1, s30  }
0xba: {  	s0 =	sor.u32 s3, s0;
	s1 =	sshll.u32 s1, $0x11  }
0xbb: {  	s0 =	sor.u32 s1, s0  }
0xbc: {  	s0 =	sadd.s32 $0x8F2B, s0  }
0xbd: {  	[sflag:s0] =	ssyncadd.remote.s32 $0x1  }
0xbe: {  	_ =	sfence.sel $0xFFFF  }
0xbf: {  	[dreg:$0x0] =	wrdreg $0xFFFFFFFF;
	(pc) =	sbr.abs _section_cstart, $3  }
0xc0: {  	[dreg:$0x1] =	wrdreg $0xFFFFFFFF  }
0xc1: {  	_ =	task.clear_ibuf [dreg:s7], $0x2FFFF;
	_ =	strace $0x9FFFFFFF  }
0xc2: {  	(tm) =	ssettm $0x7FFFFFFF  }
0xc3: {  	_ =	shalt  }
tec
execute0_lowered:
.L_overlay_start_1:
0x0: {  	(tag) =	ssettag $0x1  }
0x1: {  	s0 =	rddreg [dreg:$0x0];
	s1 =	srdreg.scid  }
0x2: {  	s2 =	stileid.u32;
	s4 =	rddreg [dreg:$0x1];
	s17 =	simm.s32 $0x3  }
0x3: {  	s13 =	simm.s32 $0x4;
	s10 =	simm.s32 $0x400;
	s29 =	simm.s32 $0x6C00  }
0x4: {  	s30 =	simm.s32 $0x7400;
	s31 =	simm.s32 $0x7C00;
	s19 =	simm.s32 $0x2C00  }
0x5: {  	s20 =	simm.s32 $0x3400;
	s21 =	simm.s32 $0x3C00;
	s22 =	simm.s32 $0x4400  }
0x6: {  	s1 =	sand.u32 $0x1, s1;
	s3 =	sshll.u32 s2, $0x1;
	s2 =	simm.s32 $0x0  }
0x7: {  	s28 =	simm.s32 $0x5C00;
	s3 =	sor.u32 s1, s3;
	[smem:$0x7FF] =	sst s2  }
0x8: {  	s1 =	ssub.s32 $0x2, s1;
	s5 =	smul.u32 $0x3000, s3;
	_ =	strace $0x80000047  }
0x9: {  	s6 =	sshll.u32 s3, $0x7;
	s7 =	smul.u32 $0x18000, s3;
	s25 =	sshrl.u32 s1, $0x1  }
0xa: {  	s3 =	sadd.s32 $0x2C00, s4;
	s6 =	sadd.s32 s6, s4;
	s1 =	ssub.s32 s1, s25  }
0xb: {  	s25 =	simm.s32 $0x4C00;
	s6 =	sadd.s32 $0x1C00, s6;
	s8 =	sadd.s32 s0, s5  }
0xc: {  	s23 =	sshrl.u32 s7, $0x3;
	s5 =	sadd.s32 $0x2D00, s4;
	[dreg:$0x3] =	wrdreg s6  }
0xd: {  	[dreg:$0x7] =	wrdreg s8;
	s24 =	sadd.s32 $0xC00, s8;
	s0 =	sadd.s32 s0, s23  }
0xe: {  	v2 =	vlaneseq.u32;
	s7 =	smax.u32 s1, $0x1;
	[dreg:$0x4] =	wrdreg s24;
	s26 =	sadd.s32 $0x1800, s0  }
0xf: {  	vm0 =	vmmov $0xffff;
	v1 =	vshrl.u32 v2, $0x3;
	s6 =	sadd.s32 $0x2E00, s4;
	s0 =	sadd.s32 $0x2400, s0;
	[dreg:$0x5] =	wrdreg s26  }
0x10: {  	v0 =	vand.u32 $0x7, v2;
	v2 =	vor.u32 $0x8, v2;
	v1 =	vmul.u32 $0x8, v1;
	s23 =	simm.s32 $0x1C00;
	[dreg:$0x6] =	wrdreg s0;
	s26 =	simm.s32 $0x5400  }
.LBB2_1:
0x11: {  	s14 =	rddreg [dreg:$0x3];
	s9 =	simm.s32 $0x5  }
0x12: {  	[tilespmem:s2], [sflag:$0x5] =	stream.linear.gather [hbm4b:s14+s2], $0x400, $0x38;
	[tilespmem:$0xC400] =	vst v63  }
0x13: {  	_ =	swait.ge [sflag:s9], $0x400  }
0x14: {  	[sflag:s9] =	ssyncset.done $0x0  }
0x15: {  	s15 =	rddreg [dreg:$0x7];
	[sflag:s9] =	ssyncadd.s32 $0xFFFFFC00  }
0x16: {  	[tilespmem:s10], [sflag:$0x1] =	stream.linear.gather [hbm4b:s15+s2], $0x6000, $0x38;
	[tilespmem:$0xC400] =	vst v63  }
0x17: {  	s0 =	simm.s32 $0x6400;
	s24 =	simm.s32 $0x1;
	s11 =	rddreg [dreg:$0x4]  }
0x18: {  	[tilespmem:s0], [sflag:$0x2] =	stream.linear.gather [hbm4b:s11+s2], $0x6000, $0x38;
	[tilespmem:$0xC400] =	vst v63  }
0x19: {  	_ =	swait.ge [sflag:s24], $0x6000  }
0x1a: {  	[sflag:s24] =	ssyncset.done $0x0  }
0x1b: {  	[sflag:s24] =	ssyncadd.s32 $0xFFFFA000  }
0x1c: {  	v3 =	vld [tilespmem:$0x0];
	_ =	sdelay $0x4  }
0x1d: {  	v4 =	vshrl.u32 v3, $0x3  }
0x1e: {  	v4 =	vmul.u32 $0x30, v4  }
0x1f: {  	v3 =	vand.u32 $0x7, v3  }
0x20: {  	v3 =	vor.u32 v3, v4  }
0x21: {  	v4 =	vperm.xlane v3, v0;
	_ =	sdelay $0x1  }
0x22: {  	v4 =	vadd.s32 v1, v4;
	_ =	sdelay $0x3  }
0x23: {  	v3 =	vperm.xlane v3, v2  }
0x24: {  	[hbm4b:s3+s2] =	stream.indirect_vreg.scatter [tilespmem:s10], [sflag:$0x3], $0x80, v4, vm0, $0xb8;
	[tilespmem:$0xC400] =	vst v63  }
0x25: {  	s12 =	simm.s32 $0xC00;
	v3 =	vadd.s32 v1, v3  }
0x26: {  	[hbm4b:s5+s2] =	stream.indirect_vreg.scatter [tilespmem:s12], [sflag:$0x3], $0x80, v4, vm0, $0xb8;
	[tilespmem:$0xC400] =	vst v63  }
0x27: {  	s14 =	simm.s32 $0x1400  }
0x28: {  	[hbm4b:s6+s2] =	stream.indirect_vreg.scatter [tilespmem:s14], [sflag:$0x3], $0x80, v4, vm0, $0xb8;
	[tilespmem:$0xC400] =	vst v63  }
0x29: {  	s15 =	simm.s32 $0x1C00  }
0x2a: {  	[hbm4b:s3+s2] =	stream.indirect_vreg.scatter [tilespmem:s15], [sflag:$0x3], $0x80, v3, vm0, $0xb8;
	[tilespmem:$0xC400] =	vst v63  }
0x2b: {  	s8 =	simm.s32 $0x2400  }
0x2c: {  	[hbm4b:s5+s2] =	stream.indirect_vreg.scatter [tilespmem:s8], [sflag:$0x3], $0x80, v3, vm0, $0xb8;
	[tilespmem:$0xC400] =	vst v63  }
0x2d: {  	s9 =	simm.s32 $0x2C00  }
0x2e: {  	[hbm4b:s6+s2] =	stream.indirect_vreg.scatter [tilespmem:s9], [sflag:$0x3], $0x80, v3, vm0, $0xb8;
	[tilespmem:$0xC400] =	vst v63  }
0x2f: {  	v3 =	vld [tilespmem:$0x10];
	_ =	sdelay $0x4  }
0x30: {  	v49 =	vshrl.u32 v3, $0x3  }
0x31: {  	v4 =	vmul.u32 $0x30, v49  }
0x32: {  	v3 =	vand.u32 $0x7, v3  }
0x33: {  	v3 =	vor.u32 v3, v4  }
0x34: {  	v4 =	vperm.xlane v3, v0;
	_ =	sdelay $0x1  }
0x35: {  	v4 =	vadd.s32 v1, v4;
	_ =	sdelay $0x3  }
0x36: {  	s11 =	simm.s32 $0x3400;
	v3 =	vperm.xlane v3, v2  }
0x37: {  	[hbm4b:s3+s2] =	stream.indirect_vreg.scatter [tilespmem:s11], [sflag:$0x3], $0x80, v4, vm0, $0xb8;
	[tilespmem:$0xC400] =	vst v63  }
0x38: {  	s12 =	simm.s32 $0x3C00;
	v3 =	vadd.s32 v1, v3  }
0x39: {  	[hbm4b:s5+s2] =	stream.indirect_vreg.scatter [tilespmem:s12], [sflag:$0x3], $0x80, v4, vm0, $0xb8;
	[tilespmem:$0xC400] =	vst v63  }
0x3a: {  	s16 =	simm.s32 $0x4400  }
0x3b: {  	[hbm4b:s6+s2] =	stream.indirect_vreg.scatter [tilespmem:s16], [sflag:$0x3], $0x80, v4, vm0, $0xb8;
	[tilespmem:$0xC400] =	vst v63  }
0x3c: {  	s18 =	simm.s32 $0x4C00  }
0x3d: {  	[hbm4b:s3+s2] =	stream.indirect_vreg.scatter [tilespmem:s18], [sflag:$0x3], $0x80, v3, vm0, $0xb8;
	[tilespmem:$0xC400] =	vst v63  }
0x3e: {  	s16 =	simm.s32 $0x5400  }
0x3f: {  	[hbm4b:s5+s2] =	stream.indirect_vreg.scatter [tilespmem:s16], [sflag:$0x3], $0x80, v3, vm0, $0xb8;
	[tilespmem:$0xC400] =	vst v63  }
0x40: {  	s18 =	simm.s32 $0x5C00  }
0x41: {  	[hbm4b:s6+s2] =	stream.indirect_vreg.scatter [tilespmem:s18], [sflag:$0x3], $0x80, v3, vm0, $0xb8;
	[tilespmem:$0xC400] =	vst v63  }
0x42: {  	v3 =	vld [tilespmem:$0x80];
	_ =	sdelay $0x4  }
0x43: {  	v50 =	vshrl.u32 v3, $0x3  }
0x44: {  	v4 =	vmul.u32 $0x30, v50  }
0x45: {  	v3 =	vand.u32 $0x7, v3  }
0x46: {  	v3 =	vor.u32 v3, v4  }
0x47: {  	v4 =	vperm.xlane v3, v0;
	_ =	sdelay $0x1  }
0x48: {  	v4 =	vadd.s32 v1, v4;
	_ =	sdelay $0x3  }
0x49: {  	v3 =	vperm.xlane v3, v2  }
0x4a: {  	[hbm4b:s3+s2] =	stream.indirect_vreg.scatter [tilespmem:s10], [sflag:$0x3], $0x80, v4, vm0, $0xb8;
	[tilespmem:$0xC400] =	vst v63  }
0x4b: {  	s1 =	simm.s32 $0xC00;
	v3 =	vadd.s32 v1, v3  }
0x4c: {  	[hbm4b:s5+s2] =	stream.indirect_vreg.scatter [tilespmem:s1], [sflag:$0x3], $0x80, v4, vm0, $0xb8;
	[tilespmem:$0xC400] =	vst v63  }
0x4d: {  	s4 =	simm.s32 $0x1400  }
0x4e: {  	[hbm4b:s6+s2] =	stream.indirect_vreg.scatter [tilespmem:s4], [sflag:$0x3], $0x80, v4, vm0, $0xb8;
	[tilespmem:$0xC400] =	vst v63  }
0x4f: {  	s0 =	simm.s32 $0x1C00  }
0x50: {  	[hbm4b:s3+s2] =	stream.indirect_vreg.scatter [tilespmem:s0], [sflag:$0x3], $0x80, v3, vm0, $0xb8;
	[tilespmem:$0xC400] =	vst v63  }
0x51: {  	s8 =	simm.s32 $0x2400  }
0x52: {  	[hbm4b:s5+s2] =	stream.indirect_vreg.scatter [tilespmem:s8], [sflag:$0x3], $0x80, v3, vm0, $0xb8;
	[tilespmem:$0xC400] =	vst v63  }
0x53: {  	s9 =	simm.s32 $0x2C00  }
0x54: {  	[hbm4b:s6+s2] =	stream.indirect_vreg.scatter [tilespmem:s9], [sflag:$0x3], $0x80, v3, vm0, $0xb8;
	[tilespmem:$0xC400] =	vst v63  }
0x55: {  	v3 =	vld [tilespmem:$0x90];
	_ =	sdelay $0x4  }
0x56: {  	v51 =	vshrl.u32 v3, $0x3  }
0x57: {  	v4 =	vmul.u32 $0x30, v51  }
0x58: {  	v3 =	vand.u32 $0x7, v3  }
0x59: {  	v3 =	vor.u32 v3, v4  }
0x5a: {  	v4 =	vperm.xlane v3, v0;
	_ =	sdelay $0x1  }
0x5b: {  	v4 =	vadd.s32 v1, v4;
	_ =	sdelay $0x3  }
0x5c: {  	s11 =	simm.s32 $0x3400;
	v3 =	vperm.xlane v3, v2  }
0x5d: {  	[hbm4b:s3+s2] =	stream.indirect_vreg.scatter [tilespmem:s11], [sflag:$0x3], $0x80, v4, vm0, $0xb8;
	[tilespmem:$0xC400] =	vst v63  }
0x5e: {  	s12 =	simm.s32 $0x3C00;
	v3 =	vadd.s32 v1, v3  }
0x5f: {  	[hbm4b:s5+s2] =	stream.indirect_vreg.scatter [tilespmem:s12], [sflag:$0x3], $0x80, v4, vm0, $0xb8;
	[tilespmem:$0xC400] =	vst v63  }
0x60: {  	s14 =	simm.s32 $0x4400  }
0x61: {  	[hbm4b:s6+s2] =	stream.indirect_vreg.scatter [tilespmem:s14], [sflag:$0x3], $0x80, v4, vm0, $0xb8;
	[tilespmem:$0xC400] =	vst v63  }
0x62: {  	s15 =	simm.s32 $0x4C00  }
0x63: {  	[hbm4b:s3+s2] =	stream.indirect_vreg.scatter [tilespmem:s15], [sflag:$0x3], $0x80, v3, vm0, $0xb8;
	[tilespmem:$0xC400] =	vst v63  }
0x64: {  	s16 =	simm.s32 $0x5400  }
0x65: {  	[hbm4b:s5+s2] =	stream.indirect_vreg.scatter [tilespmem:s16], [sflag:$0x3], $0x80, v3, vm0, $0xb8;
	[tilespmem:$0xC400] =	vst v63  }
0x66: {  	s18 =	simm.s32 $0x5C00  }
0x67: {  	[hbm4b:s6+s2] =	stream.indirect_vreg.scatter [tilespmem:s18], [sflag:$0x3], $0x80, v3, vm0, $0xb8;
	[tilespmem:$0xC400] =	vst v63  }
0x68: {  	_ =	swait.ge [sflag:s17], $0x6000  }
0x69: {  	[sflag:s17] =	ssyncset.done $0x0  }
0x6a: {  	[sflag:s17] =	ssyncadd.s32 $0xFFFFA000  }
0x6b: {  	_ =	swait.ge [sflag:s17], $0x6000  }
0x6c: {  	[sflag:s17] =	ssyncset.done $0x0  }
0x6d: {  	s0 =	simm.s32 $0x2;
	s16 =	rddreg [dreg:$0x5];
	[sflag:s17] =	ssyncadd.s32 $0xFFFFA000  }
0x6e: {  	[tilespmem:s10], [sflag:$0x1] =	stream.linear.gather [hbm4b:s16+s2], $0x6000, $0x38;
	[tilespmem:$0xC400] =	vst v63  }
0x6f: {  	_ =	swait.ge [sflag:s0], $0x6000  }
0x70: {  	[sflag:s0] =	ssyncset.done $0x0  }
0x71: {  	[sflag:s0] =	ssyncadd.s32 $0xFFFFA000  }
0x72: {  	v3 =	vld [tilespmem:$0x100];
	_ =	sdelay $0x4  }
0x73: {  	v52 =	vshrl.u32 v3, $0x3  }
0x74: {  	v4 =	vmul.u32 $0x30, v52  }
0x75: {  	v3 =	vand.u32 $0x7, v3  }
0x76: {  	v3 =	vor.u32 v3, v4  }
0x77: {  	v4 =	vperm.xlane v3, v0;
	_ =	sdelay $0x1  }
0x78: {  	v4 =	vadd.s32 v1, v4;
	_ =	sdelay $0x3  }
0x79: {  	s18 =	simm.s32 $0x6400;
	v3 =	vperm.xlane v3, v2  }
0x7a: {  	[hbm4b:s3+s2] =	stream.indirect_vreg.scatter [tilespmem:s18], [sflag:$0x4], $0x80, v4, vm0, $0xb8;
	[tilespmem:$0xC400] =	vst v63  }
0x7b: {  	v3 =	vadd.s32 v1, v3  }
0x7c: {  	[hbm4b:s5+s2] =	stream.indirect_vreg.scatter [tilespmem:s29], [sflag:$0x4], $0x80, v4, vm0, $0xb8;
	[tilespmem:$0xC400] =	vst v63  }
0x7d: {  	_ = 	snop  }
0x7e: {  	[hbm4b:s6+s2] =	stream.indirect_vreg.scatter [tilespmem:s30], [sflag:$0x4], $0x80, v4, vm0, $0xb8;
	[tilespmem:$0xC400] =	vst v63  }
0x7f: {  	_ = 	snop  }
0x80: {  	[hbm4b:s3+s2] =	stream.indirect_vreg.scatter [tilespmem:s31], [sflag:$0x4], $0x80, v3, vm0, $0xb8;
	[tilespmem:$0xC400] =	vst v63  }
0x81: {  	s1 =	simm.s32 $0x8400  }
0x82: {  	[hbm4b:s5+s2] =	stream.indirect_vreg.scatter [tilespmem:s1], [sflag:$0x4], $0x80, v3, vm0, $0xb8;
	[tilespmem:$0xC400] =	vst v63  }
0x83: {  	s11 =	simm.s32 $0x8C00  }
0x84: {  	[hbm4b:s6+s2] =	stream.indirect_vreg.scatter [tilespmem:s11], [sflag:$0x4], $0x80, v3, vm0, $0xb8;
	[tilespmem:$0xC400] =	vst v63  }
0x85: {  	v3 =	vld [tilespmem:$0x110];
	_ =	sdelay $0x4  }
0x86: {  	v53 =	vshrl.u32 v3, $0x3  }
0x87: {  	v4 =	vmul.u32 $0x30, v53  }
0x88: {  	v3 =	vand.u32 $0x7, v3  }
0x89: {  	v3 =	vor.u32 v3, v4  }
0x8a: {  	v4 =	vperm.xlane v3, v0;
	_ =	sdelay $0x1  }
0x8b: {  	v4 =	vadd.s32 v1, v4;
	_ =	sdelay $0x3  }
0x8c: {  	s4 =	simm.s32 $0x9400;
	v3 =	vperm.xlane v3, v2  }
0x8d: {  	[hbm4b:s3+s2] =	stream.indirect_vreg.scatter [tilespmem:s4], [sflag:$0x4], $0x80, v4, vm0, $0xb8;
	[tilespmem:$0xC400] =	vst v63  }
0x8e: {  	s8 =	simm.s32 $0x9C00;
	v3 =	vadd.s32 v1, v3  }
0x8f: {  	[hbm4b:s5+s2] =	stream.indirect_vreg.scatter [tilespmem:s8], [sflag:$0x4], $0x80, v4, vm0, $0xb8;
	[tilespmem:$0xC400] =	vst v63  }
0x90: {  	s12 =	simm.s32 $0xA400  }
0x91: {  	[hbm4b:s6+s2] =	stream.indirect_vreg.scatter [tilespmem:s12], [sflag:$0x4], $0x80, v4, vm0, $0xb8;
	[tilespmem:$0xC400] =	vst v63  }
0x92: {  	s9 =	simm.s32 $0xAC00  }
0x93: {  	[hbm4b:s3+s2] =	stream.indirect_vreg.scatter [tilespmem:s9], [sflag:$0x4], $0x80, v3, vm0, $0xb8;
	[tilespmem:$0xC400] =	vst v63  }
0x94: {  	s15 =	simm.s32 $0xB400  }
0x95: {  	[hbm4b:s5+s2] =	stream.indirect_vreg.scatter [tilespmem:s15], [sflag:$0x4], $0x80, v3, vm0, $0xb8;
	[tilespmem:$0xC400] =	vst v63  }
0x96: {  	s16 =	simm.s32 $0xBC00  }
0x97: {  	[hbm4b:s6+s2] =	stream.indirect_vreg.scatter [tilespmem:s16], [sflag:$0x4], $0x80, v3, vm0, $0xb8;
	[tilespmem:$0xC400] =	vst v63  }
0x98: {  	v3 =	vld [tilespmem:$0x180];
	_ =	sdelay $0x4  }
0x99: {  	v54 =	vshrl.u32 v3, $0x3  }
0x9a: {  	v4 =	vmul.u32 $0x30, v54  }
0x9b: {  	v3 =	vand.u32 $0x7, v3  }
0x9c: {  	v3 =	vor.u32 v3, v4  }
0x9d: {  	v4 =	vperm.xlane v3, v0;
	_ =	sdelay $0x1  }
0x9e: {  	v4 =	vadd.s32 v1, v4;
	_ =	sdelay $0x3  }
0x9f: {  	v3 =	vperm.xlane v3, v2  }
0xa0: {  	[hbm4b:s3+s2] =	stream.indirect_vreg.scatter [tilespmem:s18], [sflag:$0x4], $0x80, v4, vm0, $0xb8;
	[tilespmem:$0xC400] =	vst v63  }
0xa1: {  	v3 =	vadd.s32 v1, v3  }
0xa2: {  	[hbm4b:s5+s2] =	stream.indirect_vreg.scatter [tilespmem:s29], [sflag:$0x4], $0x80, v4, vm0, $0xb8;
	[tilespmem:$0xC400] =	vst v63  }
0xa3: {  	_ = 	snop  }
0xa4: {  	[hbm4b:s6+s2] =	stream.indirect_vreg.scatter [tilespmem:s30], [sflag:$0x4], $0x80, v4, vm0, $0xb8;
	[tilespmem:$0xC400] =	vst v63  }
0xa5: {  	_ = 	snop  }
0xa6: {  	[hbm4b:s3+s2] =	stream.indirect_vreg.scatter [tilespmem:s31], [sflag:$0x4], $0x80, v3, vm0, $0xb8;
	[tilespmem:$0xC400] =	vst v63  }
0xa7: {  	_ = 	snop  }
0xa8: {  	[hbm4b:s5+s2] =	stream.indirect_vreg.scatter [tilespmem:s1], [sflag:$0x4], $0x80, v3, vm0, $0xb8;
	[tilespmem:$0xC400] =	vst v63  }
0xa9: {  	_ = 	snop  }
0xaa: {  	[hbm4b:s6+s2] =	stream.indirect_vreg.scatter [tilespmem:s11], [sflag:$0x4], $0x80, v3, vm0, $0xb8;
	[tilespmem:$0xC400] =	vst v63  }
0xab: {  	v3 =	vld [tilespmem:$0x190];
	_ =	sdelay $0x4  }
0xac: {  	v55 =	vshrl.u32 v3, $0x3  }
0xad: {  	v4 =	vmul.u32 $0x30, v55  }
0xae: {  	v3 =	vand.u32 $0x7, v3  }
0xaf: {  	v3 =	vor.u32 v3, v4  }
0xb0: {  	v4 =	vperm.xlane v3, v0;
	_ =	sdelay $0x1  }
0xb1: {  	v4 =	vadd.s32 v1, v4;
	_ =	sdelay $0x3  }
0xb2: {  	v3 =	vperm.xlane v3, v2  }
0xb3: {  	[hbm4b:s3+s2] =	stream.indirect_vreg.scatter [tilespmem:s4], [sflag:$0x4], $0x80, v4, vm0, $0xb8;
	[tilespmem:$0xC400] =	vst v63  }
0xb4: {  	v3 =	vadd.s32 v1, v3  }
0xb5: {  	[hbm4b:s5+s2] =	stream.indirect_vreg.scatter [tilespmem:s8], [sflag:$0x4], $0x80, v4, vm0, $0xb8;
	[tilespmem:$0xC400] =	vst v63  }
0xb6: {  	_ = 	snop  }
0xb7: {  	[hbm4b:s6+s2] =	stream.indirect_vreg.scatter [tilespmem:s12], [sflag:$0x4], $0x80, v4, vm0, $0xb8;
	[tilespmem:$0xC400] =	vst v63  }
0xb8: {  	_ = 	snop  }
0xb9: {  	[hbm4b:s3+s2] =	stream.indirect_vreg.scatter [tilespmem:s9], [sflag:$0x4], $0x80, v3, vm0, $0xb8;
	[tilespmem:$0xC400] =	vst v63  }
0xba: {  	_ = 	snop  }
0xbb: {  	[hbm4b:s5+s2] =	stream.indirect_vreg.scatter [tilespmem:s15], [sflag:$0x4], $0x80, v3, vm0, $0xb8;
	[tilespmem:$0xC400] =	vst v63  }
0xbc: {  	_ = 	snop  }
0xbd: {  	[hbm4b:s6+s2] =	stream.indirect_vreg.scatter [tilespmem:s16], [sflag:$0x4], $0x80, v3, vm0, $0xb8;
	[tilespmem:$0xC400] =	vst v63  }
0xbe: {  	_ =	swait.ge [sflag:s13], $0x6000  }
0xbf: {  	[sflag:s13] =	ssyncset.done $0x0  }
0xc0: {  	[sflag:s13] =	ssyncadd.s32 $0xFFFFA000  }
0xc1: {  	_ =	swait.ge [sflag:s13], $0x6000  }
0xc2: {  	[sflag:s13] =	ssyncset.done $0x0  }
0xc3: {  	s18 =	simm.s32 $0x6400;
	s14 =	rddreg [dreg:$0x6];
	[sflag:s13] =	ssyncadd.s32 $0xFFFFA000  }
0xc4: {  	[tilespmem:s18], [sflag:$0x2] =	stream.linear.gather [hbm4b:s14+s2], $0x6000, $0x38;
	[tilespmem:$0xC400] =	vst v63  }
0xc5: {  	_ =	swait.ge [sflag:s24], $0x6000  }
0xc6: {  	[sflag:s24] =	ssyncset.done $0x0  }
0xc7: {  	[sflag:s24] =	ssyncadd.s32 $0xFFFFA000  }
0xc8: {  	v3 =	vld [tilespmem:$0x200];
	_ =	sdelay $0x4  }
0xc9: {  	v56 =	vshrl.u32 v3, $0x3  }
0xca: {  	v4 =	vmul.u32 $0x30, v56  }
0xcb: {  	v3 =	vand.u32 $0x7, v3  }
0xcc: {  	v3 =	vor.u32 v3, v4  }
0xcd: {  	v4 =	vperm.xlane v3, v0;
	_ =	sdelay $0x1  }
0xce: {  	v4 =	vadd.s32 v1, v4;
	_ =	sdelay $0x3  }
0xcf: {  	v3 =	vperm.xlane v3, v2  }
0xd0: {  	[hbm4b:s3+s2] =	stream.indirect_vreg.scatter [tilespmem:s10], [sflag:$0x3], $0x80, v4, vm0, $0xb8;
	[tilespmem:$0xC400] =	vst v63  }
0xd1: {  	s14 =	simm.s32 $0xC00;
	v3 =	vadd.s32 v1, v3  }
0xd2: {  	[hbm4b:s5+s2] =	stream.indirect_vreg.scatter [tilespmem:s14], [sflag:$0x3], $0x80, v4, vm0, $0xb8;
	[tilespmem:$0xC400] =	vst v63  }
0xd3: {  	s24 =	simm.s32 $0x1400  }
0xd4: {  	[hbm4b:s6+s2] =	stream.indirect_vreg.scatter [tilespmem:s24], [sflag:$0x3], $0x80, v4, vm0, $0xb8;
	[tilespmem:$0xC400] =	vst v63  }
0xd5: {  	_ = 	snop  }
0xd6: {  	[hbm4b:s3+s2] =	stream.indirect_vreg.scatter [tilespmem:s23], [sflag:$0x3], $0x80, v3, vm0, $0xb8;
	[tilespmem:$0xC400] =	vst v63  }
0xd7: {  	s18 =	simm.s32 $0x2400  }
0xd8: {  	[hbm4b:s5+s2] =	stream.indirect_vreg.scatter [tilespmem:s18], [sflag:$0x3], $0x80, v3, vm0, $0xb8;
	[tilespmem:$0xC400] =	vst v63  }
0xd9: {  	_ = 	snop  }
0xda: {  	[hbm4b:s6+s2] =	stream.indirect_vreg.scatter [tilespmem:s19], [sflag:$0x3], $0x80, v3, vm0, $0xb8;
	[tilespmem:$0xC400] =	vst v63  }
0xdb: {  	v3 =	vld [tilespmem:$0x210];
	_ =	sdelay $0x4  }
0xdc: {  	v57 =	vshrl.u32 v3, $0x3  }
0xdd: {  	v4 =	vmul.u32 $0x30, v57  }
0xde: {  	v3 =	vand.u32 $0x7, v3  }
0xdf: {  	v3 =	vor.u32 v3, v4  }
0xe0: {  	v4 =	vperm.xlane v3, v0;
	_ =	sdelay $0x1  }
0xe1: {  	v4 =	vadd.s32 v1, v4;
	_ =	sdelay $0x3  }
0xe2: {  	v3 =	vperm.xlane v3, v2  }
0xe3: {  	[hbm4b:s3+s2] =	stream.indirect_vreg.scatter [tilespmem:s20], [sflag:$0x3], $0x80, v4, vm0, $0xb8;
	[tilespmem:$0xC400] =	vst v63  }
0xe4: {  	v3 =	vadd.s32 v1, v3  }
0xe5: {  	[hbm4b:s5+s2] =	stream.indirect_vreg.scatter [tilespmem:s21], [sflag:$0x3], $0x80, v4, vm0, $0xb8;
	[tilespmem:$0xC400] =	vst v63  }
0xe6: {  	_ = 	snop  }
0xe7: {  	[hbm4b:s6+s2] =	stream.indirect_vreg.scatter [tilespmem:s22], [sflag:$0x3], $0x80, v4, vm0, $0xb8;
	[tilespmem:$0xC400] =	vst v63  }
0xe8: {  	_ = 	snop  }
0xe9: {  	[hbm4b:s3+s2] =	stream.indirect_vreg.scatter [tilespmem:s25], [sflag:$0x3], $0x80, v3, vm0, $0xb8;
	[tilespmem:$0xC400] =	vst v63  }
0xea: {  	_ = 	snop  }
0xeb: {  	[hbm4b:s5+s2] =	stream.indirect_vreg.scatter [tilespmem:s26], [sflag:$0x3], $0x80, v3, vm0, $0xb8;
	[tilespmem:$0xC400] =	vst v63  }
0xec: {  	_ = 	snop  }
0xed: {  	[hbm4b:s6+s2] =	stream.indirect_vreg.scatter [tilespmem:s28], [sflag:$0x3], $0x80, v3, vm0, $0xb8;
	[tilespmem:$0xC400] =	vst v63  }
0xee: {  	v3 =	vld [tilespmem:$0x280];
	_ =	sdelay $0x4  }
0xef: {  	v58 =	vshrl.u32 v3, $0x3  }
0xf0: {  	v4 =	vmul.u32 $0x30, v58  }
0xf1: {  	v3 =	vand.u32 $0x7, v3  }
0xf2: {  	v3 =	vor.u32 v3, v4  }
0xf3: {  	v4 =	vperm.xlane v3, v0;
	_ =	sdelay $0x1  }
0xf4: {  	v4 =	vadd.s32 v1, v4;
	_ =	sdelay $0x3  }
0xf5: {  	v3 =	vperm.xlane v3, v2  }
0xf6: {  	[hbm4b:s3+s2] =	stream.indirect_vreg.scatter [tilespmem:s10], [sflag:$0x3], $0x80, v4, vm0, $0xb8;
	[tilespmem:$0xC400] =	vst v63  }
0xf7: {  	v3 =	vadd.s32 v1, v3  }
0xf8: {  	[hbm4b:s5+s2] =	stream.indirect_vreg.scatter [tilespmem:s14], [sflag:$0x3], $0x80, v4, vm0, $0xb8;
	[tilespmem:$0xC400] =	vst v63  }
0xf9: {  	_ = 	snop  }
0xfa: {  	[hbm4b:s6+s2] =	stream.indirect_vreg.scatter [tilespmem:s24], [sflag:$0x3], $0x80, v4, vm0, $0xb8;
	[tilespmem:$0xC400] =	vst v63  }
0xfb: {  	_ = 	snop  }
0xfc: {  	[hbm4b:s3+s2] =	stream.indirect_vreg.scatter [tilespmem:s23], [sflag:$0x3], $0x80, v3, vm0, $0xb8;
	[tilespmem:$0xC400] =	vst v63  }
0xfd: {  	_ = 	snop  }
0xfe: {  	[hbm4b:s5+s2] =	stream.indirect_vreg.scatter [tilespmem:s18], [sflag:$0x3], $0x80, v3, vm0, $0xb8;
	[tilespmem:$0xC400] =	vst v63  }
0xff: {  	_ = 	snop  }
0x100: {  	[hbm4b:s6+s2] =	stream.indirect_vreg.scatter [tilespmem:s19], [sflag:$0x3], $0x80, v3, vm0, $0xb8;
	[tilespmem:$0xC400] =	vst v63  }
0x101: {  	v3 =	vld [tilespmem:$0x290];
	_ =	sdelay $0x4  }
0x102: {  	v59 =	vshrl.u32 v3, $0x3  }
0x103: {  	v4 =	vmul.u32 $0x30, v59  }
0x104: {  	v3 =	vand.u32 $0x7, v3  }
0x105: {  	v3 =	vor.u32 v3, v4  }
0x106: {  	v4 =	vperm.xlane v3, v0;
	_ =	sdelay $0x1  }
0x107: {  	v4 =	vadd.s32 v1, v4;
	_ =	sdelay $0x3  }
0x108: {  	v3 =	vperm.xlane v3, v2  }
0x109: {  	[hbm4b:s3+s2] =	stream.indirect_vreg.scatter [tilespmem:s20], [sflag:$0x3], $0x80, v4, vm0, $0xb8;
	[tilespmem:$0xC400] =	vst v63  }
0x10a: {  	v3 =	vadd.s32 v1, v3  }
0x10b: {  	[hbm4b:s5+s2] =	stream.indirect_vreg.scatter [tilespmem:s21], [sflag:$0x3], $0x80, v4, vm0, $0xb8;
	[tilespmem:$0xC400] =	vst v63  }
0x10c: {  	_ = 	snop  }
0x10d: {  	[hbm4b:s6+s2] =	stream.indirect_vreg.scatter [tilespmem:s22], [sflag:$0x3], $0x80, v4, vm0, $0xb8;
	[tilespmem:$0xC400] =	vst v63  }
0x10e: {  	_ = 	snop  }
0x10f: {  	[hbm4b:s3+s2] =	stream.indirect_vreg.scatter [tilespmem:s25], [sflag:$0x3], $0x80, v3, vm0, $0xb8;
	[tilespmem:$0xC400] =	vst v63  }
0x110: {  	_ = 	snop  }
0x111: {  	[hbm4b:s5+s2] =	stream.indirect_vreg.scatter [tilespmem:s26], [sflag:$0x3], $0x80, v3, vm0, $0xb8;
	[tilespmem:$0xC400] =	vst v63  }
0x112: {  	_ = 	snop  }
0x113: {  	[hbm4b:s6+s2] =	stream.indirect_vreg.scatter [tilespmem:s28], [sflag:$0x3], $0x80, v3, vm0, $0xb8;
	[tilespmem:$0xC400] =	vst v63  }
0x114: {  	_ =	swait.ge [sflag:s0], $0x6000  }
0x115: {  	[sflag:s0] =	ssyncset.done $0x0  }
0x116: {  	[sflag:s0] =	ssyncadd.s32 $0xFFFFA000  }
0x117: {  	v3 =	vld [tilespmem:$0x300];
	_ =	sdelay $0x4  }
0x118: {  	v60 =	vshrl.u32 v3, $0x3  }
0x119: {  	v4 =	vmul.u32 $0x30, v60  }
0x11a: {  	v3 =	vand.u32 $0x7, v3  }
0x11b: {  	v3 =	vor.u32 v3, v4  }
0x11c: {  	v4 =	vperm.xlane v3, v0;
	_ =	sdelay $0x1  }
0x11d: {  	v4 =	vadd.s32 v1, v4;
	_ =	sdelay $0x3  }
0x11e: {  	s18 =	simm.s32 $0x6400;
	v3 =	vperm.xlane v3, v2  }
0x11f: {  	[hbm4b:s3+s2] =	stream.indirect_vreg.scatter [tilespmem:s18], [sflag:$0x4], $0x80, v4, vm0, $0xb8;
	[tilespmem:$0xC400] =	vst v63  }
0x120: {  	v3 =	vadd.s32 v1, v3  }
0x121: {  	[hbm4b:s5+s2] =	stream.indirect_vreg.scatter [tilespmem:s29], [sflag:$0x4], $0x80, v4, vm0, $0xb8;
	[tilespmem:$0xC400] =	vst v63  }
0x122: {  	_ = 	snop  }
0x123: {  	[hbm4b:s6+s2] =	stream.indirect_vreg.scatter [tilespmem:s30], [sflag:$0x4], $0x80, v4, vm0, $0xb8;
	[tilespmem:$0xC400] =	vst v63  }
0x124: {  	_ = 	snop  }
0x125: {  	[hbm4b:s3+s2] =	stream.indirect_vreg.scatter [tilespmem:s31], [sflag:$0x4], $0x80, v3, vm0, $0xb8;
	[tilespmem:$0xC400] =	vst v63  }
0x126: {  	_ = 	snop  }
0x127: {  	[hbm4b:s5+s2] =	stream.indirect_vreg.scatter [tilespmem:s1], [sflag:$0x4], $0x80, v3, vm0, $0xb8;
	[tilespmem:$0xC400] =	vst v63  }
0x128: {  	_ = 	snop  }
0x129: {  	[hbm4b:s6+s2] =	stream.indirect_vreg.scatter [tilespmem:s11], [sflag:$0x4], $0x80, v3, vm0, $0xb8;
	[tilespmem:$0xC400] =	vst v63  }
0x12a: {  	v3 =	vld [tilespmem:$0x310];
	_ =	sdelay $0x4  }
0x12b: {  	v61 =	vshrl.u32 v3, $0x3  }
0x12c: {  	v4 =	vmul.u32 $0x30, v61  }
0x12d: {  	v3 =	vand.u32 $0x7, v3  }
0x12e: {  	v3 =	vor.u32 v3, v4  }
0x12f: {  	v4 =	vperm.xlane v3, v0;
	_ =	sdelay $0x1  }
0x130: {  	v4 =	vadd.s32 v1, v4;
	_ =	sdelay $0x3  }
0x131: {  	v3 =	vperm.xlane v3, v2  }
0x132: {  	[hbm4b:s3+s2] =	stream.indirect_vreg.scatter [tilespmem:s4], [sflag:$0x4], $0x80, v4, vm0, $0xb8;
	[tilespmem:$0xC400] =	vst v63  }
0x133: {  	v3 =	vadd.s32 v1, v3  }
0x134: {  	[hbm4b:s5+s2] =	stream.indirect_vreg.scatter [tilespmem:s8], [sflag:$0x4], $0x80, v4, vm0, $0xb8;
	[tilespmem:$0xC400] =	vst v63  }
0x135: {  	_ = 	snop  }
0x136: {  	[hbm4b:s6+s2] =	stream.indirect_vreg.scatter [tilespmem:s12], [sflag:$0x4], $0x80, v4, vm0, $0xb8;
	[tilespmem:$0xC400] =	vst v63  }
0x137: {  	_ = 	snop  }
0x138: {  	[hbm4b:s3+s2] =	stream.indirect_vreg.scatter [tilespmem:s9], [sflag:$0x4], $0x80, v3, vm0, $0xb8;
	[tilespmem:$0xC400] =	vst v63  }
0x139: {  	_ = 	snop  }
0x13a: {  	[hbm4b:s5+s2] =	stream.indirect_vreg.scatter [tilespmem:s15], [sflag:$0x4], $0x80, v3, vm0, $0xb8;
	[tilespmem:$0xC400] =	vst v63  }
0x13b: {  	_ = 	snop  }
0x13c: {  	[hbm4b:s6+s2] =	stream.indirect_vreg.scatter [tilespmem:s16], [sflag:$0x4], $0x80, v3, vm0, $0xb8;
	[tilespmem:$0xC400] =	vst v63  }
0x13d: {  	v3 =	vld [tilespmem:$0x380];
	_ =	sdelay $0x4  }
0x13e: {  	v62 =	vshrl.u32 v3, $0x3  }
0x13f: {  	v4 =	vmul.u32 $0x30, v62  }
0x140: {  	v3 =	vand.u32 $0x7, v3  }
0x141: {  	v3 =	vor.u32 v3, v4  }
0x142: {  	v4 =	vperm.xlane v3, v0;
	_ =	sdelay $0x1  }
0x143: {  	v4 =	vadd.s32 v1, v4;
	_ =	sdelay $0x3  }
0x144: {  	s24 =	simm.s32 $0x6400;
	v3 =	vperm.xlane v3, v2  }
0x145: {  	[hbm4b:s3+s2] =	stream.indirect_vreg.scatter [tilespmem:s24], [sflag:$0x4], $0x80, v4, vm0, $0xb8;
	[tilespmem:$0xC400] =	vst v63  }
0x146: {  	v3 =	vadd.s32 v1, v3  }
0x147: {  	[hbm4b:s5+s2] =	stream.indirect_vreg.scatter [tilespmem:s29], [sflag:$0x4], $0x80, v4, vm0, $0xb8;
	[tilespmem:$0xC400] =	vst v63  }
0x148: {  	_ = 	snop  }
0x149: {  	[hbm4b:s6+s2] =	stream.indirect_vreg.scatter [tilespmem:s30], [sflag:$0x4], $0x80, v4, vm0, $0xb8;
	[tilespmem:$0xC400] =	vst v63  }
0x14a: {  	_ = 	snop  }
0x14b: {  	[hbm4b:s3+s2] =	stream.indirect_vreg.scatter [tilespmem:s31], [sflag:$0x4], $0x80, v3, vm0, $0xb8;
	[tilespmem:$0xC400] =	vst v63  }
0x14c: {  	_ = 	snop  }
0x14d: {  	[hbm4b:s5+s2] =	stream.indirect_vreg.scatter [tilespmem:s1], [sflag:$0x4], $0x80, v3, vm0, $0xb8;
	[tilespmem:$0xC400] =	vst v63  }
0x14e: {  	_ = 	snop  }
0x14f: {  	[hbm4b:s6+s2] =	stream.indirect_vreg.scatter [tilespmem:s11], [sflag:$0x4], $0x80, v3, vm0, $0xb8;
	[tilespmem:$0xC400] =	vst v63  }
0x150: {  	v3 =	vld [tilespmem:$0x390];
	_ =	sdelay $0x4  }
0x151: {  	v63 =	vshrl.u32 v3, $0x3  }
0x152: {  	v4 =	vmul.u32 $0x30, v63  }
0x153: {  	v3 =	vand.u32 $0x7, v3  }
0x154: {  	v3 =	vor.u32 v3, v4  }
0x155: {  	v4 =	vperm.xlane v3, v0;
	_ =	sdelay $0x1  }
0x156: {  	v4 =	vadd.s32 v1, v4;
	_ =	sdelay $0x3  }
0x157: {  	v3 =	vperm.xlane v3, v2  }
0x158: {  	[hbm4b:s3+s2] =	stream.indirect_vreg.scatter [tilespmem:s4], [sflag:$0x4], $0x80, v4, vm0, $0xb8;
	[tilespmem:$0xC400] =	vst v63  }
0x159: {  	v3 =	vadd.s32 v1, v3  }
0x15a: {  	[hbm4b:s5+s2] =	stream.indirect_vreg.scatter [tilespmem:s8], [sflag:$0x4], $0x80, v4, vm0, $0xb8;
	[tilespmem:$0xC400] =	vst v63  }
0x15b: {  	_ = 	snop  }
0x15c: {  	[hbm4b:s6+s2] =	stream.indirect_vreg.scatter [tilespmem:s12], [sflag:$0x4], $0x80, v4, vm0, $0xb8;
	[tilespmem:$0xC400] =	vst v63  }
0x15d: {  	_ = 	snop  }
0x15e: {  	[hbm4b:s3+s2] =	stream.indirect_vreg.scatter [tilespmem:s9], [sflag:$0x4], $0x80, v3, vm0, $0xb8;
	[tilespmem:$0xC400] =	vst v63  }
0x15f: {  	_ = 	snop  }
0x160: {  	[hbm4b:s5+s2] =	stream.indirect_vreg.scatter [tilespmem:s15], [sflag:$0x4], $0x80, v3, vm0, $0xb8;
	[tilespmem:$0xC400] =	vst v63  }
0x161: {  	_ = 	snop  }
0x162: {  	[hbm4b:s6+s2] =	stream.indirect_vreg.scatter [tilespmem:s16], [sflag:$0x4], $0x80, v3, vm0, $0xb8;
	[tilespmem:$0xC400] =	vst v63  }
0x163: {  	_ =	swait.ge [sflag:s17], $0x6000  }
0x164: {  	[sflag:s17] =	ssyncset.done $0x0  }
0x165: {  	[sflag:s17] =	ssyncadd.s32 $0xFFFFA000  }
0x166: {  	_ =	swait.ge [sflag:s17], $0x6000  }
0x167: {  	[sflag:s17] =	ssyncset.done $0x0  }
0x168: {  	[sflag:s17] =	ssyncadd.s32 $0xFFFFA000  }
0x169: {  	p0 =	sne.s32 s7, $0x1;
	_ =	swait.ge [sflag:s13], $0x6000  }
.Ltmp0:
0x16a: {  	[sflag:s13] =	ssyncset.done $0x0;
	(pc) =	sbr.rel @p0 .LBB2_1-.Ltmp0, $4  }
0x16b: {  	[sflag:s13] =	ssyncadd.s32 $0xFFFFA000  }
0x16c: {  	_ =	swait.ge [sflag:s13], $0x6000  }
0x16d: {  	[sflag:s13] =	ssyncset.done $0x0  }
0x16e: {  	s7 =	sadd.s32 $0xFFFFFFFF, s7;
	[sflag:s13] =	ssyncadd.s32 $0xFFFFA000  }
0x16f: {  	_ =	sfence.sel $0x180000  }
0x170: {  	[bflag:$0x0] =	sbarrier.arrive $0xFFFF  }
0x171: {  	_ =	strace $0x90000047  }
0x172: {  	s0 =	stileid.u32;
	[bflag:$0x2] =	sbarrier.arrive $0xFFFF  }
0x173: {  	p0 =	sne.s32 s0, $0x0;
	s0 =	rddreg [dreg:$0x2]  }
0x174: {  	s0 =	sadd.s32 @!p0 $0x100000, s0  }
0x175: {  	[sflag:s0] =	ssyncadd.tile.s32 @!p0 $0x1;
	_ =	shalt  }
.Lfunc_end2:
_tile_overlayer_lowered:
.L_overlay_start_2:
0x176: {  	(tag) =	ssettag $0x2  }
0x177: {  	s0 =	rddreg [dreg:$0x0];
	s2 =	stileid.u32  }
0x178: {  	s1 =	rddreg [dreg:$0x1];
	p0 =	sne.s32 s2, $0x0  }
0x179: {  	s3 =	rddreg [dreg:$0x2];
	[bflag:$0x3] =	sbarrier.arrive $0xFFFF;
	s2 =	simm.s32 @!p0 $0x1C05  }
0x17a: {  	[timem:s3], [sflag:s2] =	dma.local @!p0 [hbm:s0], s1  }
0x17b: {  	s0 =	simm.s32 @!p0 $0x5  }
0x17c: {  	_ =	swait.ge @!p0 [sflag:s0], s1  }
0x17d: {  	s1 =	ssub.s32 @!p0 $0x0, s1;
	[sflag:s0] =	ssyncset.done @!p0 $0x0  }
0x17e: {  	[sflag:s0] =	ssyncadd.s32 @!p0 s1  }
0x17f: {  	[bflag:$0x3] =	sbarrier.arrive $0xFFFF  }
0x180: {  	_ =	shalt  }

</sc_bundles>
